<compile_context>
chip_gen: v7x
topology: tpu7x:2x2x1
jax: 0.10.2.dev20260603
libtpu: 0.0.44.dev20260713+nightly
codegen_flags: <defaults>
</compile_context>

<pallas_src>
import numpy as _np

import jax
import jax.numpy as jnp
from jax import lax
from jax.experimental import pallas as pl
from jax.experimental.pallas import tpu as pltpu
from jax.experimental.pallas import tpu_sc as plsc

N_NODES = 10000
N_PAD = 10240
N_EDGES = 320000
D_FEAT = 128

NC = 2
NS = 16
EPT = 10240
E_PAD = NC * NS * EPT
RPT = N_PAD // NS
R_LAST = N_NODES - (NS - 1) * RPT
CH = 40
NCHUNK = EPT // CH
SB = 32
NSB = NCHUNK // SB
NQ = SB // 4


def _gin_body(feat_hbm, edge_hbm, psrc_hbm, pdst_hbm, out_hbm,
              rows_a, rows_b, rows_c, rows_d, src_idx, dst_idx,
              acc_sh, sem_a, sem_b, sem_c, sem_d):
    c = lax.axis_index("c")
    s = lax.axis_index("s")
    r0 = s * RPT
    c0 = (c * NS + s) * NCHUNK

    @pl.when(s < NS - 1)
    def _():
        pltpu.sync_copy(feat_hbm.at[pl.ds(r0, RPT), :],
                        acc_sh.at[pl.ds(r0, RPT)])

    @pl.when(s == NS - 1)
    def _():
        pltpu.sync_copy(feat_hbm.at[pl.ds(r0, R_LAST), :],
                        acc_sh.at[pl.ds(r0, R_LAST)])

    plsc.subcore_barrier()

    bufs = ((rows_a, sem_a), (rows_b, sem_b), (rows_c, sem_c),
            (rows_d, sem_d))
    is_last = (c * NS + s) == NC * NS - 1
    for b in range(NSB):
        eb = (c0 + b * SB) * CH
        if b < 2:
            pltpu.sync_copy(edge_hbm.at[pl.ds(eb, SB * CH)], src_idx)
            pltpu.sync_copy(edge_hbm.at[pl.ds(N_EDGES + eb, SB * CH)],
                            dst_idx)
        else:
            @pl.when(jnp.logical_not(is_last))
            def _():
                pltpu.sync_copy(edge_hbm.at[pl.ds(eb, SB * CH)], src_idx)
                pltpu.sync_copy(edge_hbm.at[pl.ds(N_EDGES + eb, SB * CH)],
                                dst_idx)

            @pl.when(is_last)
            def _():
                pb = (b - 2) * SB * CH
                pltpu.sync_copy(psrc_hbm.at[pl.ds(pb, SB * CH)], src_idx)
                pltpu.sync_copy(pdst_hbm.at[pl.ds(pb, SB * CH)], dst_idx)

        for q, (rows, sem) in enumerate(bufs):
            pltpu.async_copy(feat_hbm.at[src_idx.at[pl.ds(q * CH, CH)]],
                             rows, sem)

        def pipe_body(j, carry):
            for q, (rows, sem) in enumerate(bufs):
                i = 4 * j + q
                sidx = src_idx.at[pl.ds(i * CH, CH)]
                pltpu.make_async_copy(feat_hbm.at[sidx], rows, sem).wait()
                pltpu.sync_copy(rows,
                                acc_sh.at[dst_idx.at[pl.ds(i * CH, CH)]],
                                add=True)

                @pl.when(j < NQ - 1)
                def _():
                    pltpu.async_copy(
                        feat_hbm.at[src_idx.at[pl.ds((i + 4) * CH, CH)]],
                        rows, sem)
            return carry

        lax.fori_loop(0, NQ, pipe_body, 0)

    plsc.subcore_barrier()

    @pl.when(s < NS - 1)
    def _():
        pltpu.sync_copy(acc_sh.at[pl.ds(r0, RPT)],
                        out_hbm.at[c, pl.ds(r0, RPT), :])

    @pl.when(s == NS - 1)
    def _():
        pltpu.sync_copy(acc_sh.at[pl.ds(r0, R_LAST)],
                        out_hbm.at[c, pl.ds(r0, R_LAST), :])


@jax.jit
def _gin_sc(feat_p, edge_flat, psrc, pdst):
    mesh = plsc.VectorSubcoreMesh(core_axis_name="c", subcore_axis_name="s")
    run = pl.kernel(
        _gin_body,
        out_type=jax.ShapeDtypeStruct((NC, N_NODES, D_FEAT), jnp.float32),
        mesh=mesh,
        scratch_types=[
            pltpu.VMEM((CH, D_FEAT), jnp.float32),
            pltpu.VMEM((CH, D_FEAT), jnp.float32),
            pltpu.VMEM((CH, D_FEAT), jnp.float32),
            pltpu.VMEM((CH, D_FEAT), jnp.float32),
            pltpu.VMEM((SB * CH,), jnp.int32),
            pltpu.VMEM((SB * CH,), jnp.int32),
            pltpu.VMEM_SHARED((N_PAD, D_FEAT), jnp.float32),
            pltpu.SemaphoreType.DMA,
            pltpu.SemaphoreType.DMA,
            pltpu.SemaphoreType.DMA,
            pltpu.SemaphoreType.DMA,
        ],
    )
    return run(feat_p, edge_flat, psrc, pdst)


def _combine_body(em1_ref, f_ref, p_ref, o_ref):
    em1 = em1_ref[0]
    o_ref[...] = jax.nn.sigmoid(p_ref[0] + p_ref[1] + em1 * f_ref[...])


TB = 2000


@jax.jit
def _combine_tc(epsm1, feat_p, parts):
    return pl.pallas_call(
        _combine_body,
        out_shape=jax.ShapeDtypeStruct((N_NODES, D_FEAT), jnp.float32),
        grid=(N_NODES // TB,),
        in_specs=[
            pl.BlockSpec(memory_space=pltpu.SMEM),
            pl.BlockSpec((TB, D_FEAT), lambda i: (i, 0)),
            pl.BlockSpec((NC, TB, D_FEAT), lambda i: (0, i, 0)),
        ],
        out_specs=pl.BlockSpec((TB, D_FEAT), lambda i: (i, 0)),
    )(epsm1, feat_p, parts)


N_EXTRA = E_PAD - N_EDGES
_PAD_SRC = _np.arange(N_EXTRA, dtype=_np.int32) % N_NODES
_PAD_DST = (N_NODES
            + _np.arange(N_EXTRA, dtype=_np.int32) % (N_PAD - N_NODES))


def kernel(feat, edge_index, eps):
    edge_flat = edge_index.astype(jnp.int32).reshape(2 * N_EDGES)
    parts = _gin_sc(feat, edge_flat, jnp.asarray(_PAD_SRC),
                    jnp.asarray(_PAD_DST))
    epsm1 = (eps - 1.0).astype(jnp.float32)
    return _combine_tc(epsm1, feat, parts)

# --- scband reference (transcript-rebuilt; emitter-appended) ---
"""Pipeline reference for scband-my-ginconv-40570261078603 (READ-ONLY COPY).

The authoritative reference and input builder live on the scoring server;
editing this copy changes nothing except your own understanding.
"""

import jax, jax.numpy as jnp
import numpy as np

N_NODES = 10000
N_EDGES = 320000
D_FEAT = 128


def setup_inputs(seed: int = 0) -> dict:
    key = jax.random.key(seed)
    k_feat, k_edge = jax.random.split(key)
    feat = jax.random.normal(k_feat, (N_NODES, D_FEAT), dtype=jnp.float32)
    edge_index = jax.random.randint(k_edge, (2, N_EDGES), 0, N_NODES, dtype=jnp.int64)
    eps = jnp.zeros((1,), dtype=jnp.float32)  # non-learnable buffer, init_eps=0
    return {"feat": feat, "edge_index": edge_index, "eps": eps}


def reference(feat, edge_index, eps):
    # GINConv with aggregator_type='sum', apply_func=None, activation=None:
    #   neigh_i = sum_{j in N(i)} h_j   (message = copy_u, reduce = sum)
    #   rst = (1 + eps) * h_i + neigh_i
    #   out = sigmoid(rst)
    src = edge_index[0]
    dst = edge_index[1]
    messages = jnp.take(feat, src, axis=0)            # gather source features [E, D]
    neigh = jax.ops.segment_sum(messages, dst, num_segments=N_NODES)  # scatter-add to dst
    rst = (1.0 + eps[0]) * feat + neigh
    return jax.nn.sigmoid(rst)

if __name__ == "__main__":
    import jax
    _d = setup_inputs()
    print(jax.jit(kernel)(*tuple(_d.values())))

</pallas_src>

<mosaic_0001>
#map = affine_map<(d0, d1) -> (0, 0)>
#map1 = affine_map<(d0, d1) -> (0)>
#map2 = affine_map<(d0, d1) -> (0, 0, 0)>
module attributes {stable_mosaic.version = 14 : i64} {
  func.func @_gin_body(%arg0: i32, %arg1: i32, %arg2: memref<10000x128xf32, #tpu.memory_space<hbm>>, %arg3: memref<640000xi32, #tpu.memory_space<hbm>>, %arg4: memref<7680xi32, #tpu.memory_space<hbm>>, %arg5: memref<7680xi32, #tpu.memory_space<hbm>>, %arg6: memref<2x10000x128xf32, #tpu.memory_space<hbm>>, %arg7: memref<40x128xf32, #tpu.memory_space<vmem>>, %arg8: memref<40x128xf32, #tpu.memory_space<vmem>>, %arg9: memref<40x128xf32, #tpu.memory_space<vmem>>, %arg10: memref<40x128xf32, #tpu.memory_space<vmem>>, %arg11: memref<1280xi32, #tpu.memory_space<vmem>>, %arg12: memref<1280xi32, #tpu.memory_space<vmem>>, %arg13: memref<10240x128xf32, #tpu.memory_space<vmem_shared>>, %arg14: memref<!tpu.dma_semaphore, #tpu.memory_space<semaphore_mem>>, %arg15: memref<!tpu.dma_semaphore, #tpu.memory_space<semaphore_mem>>, %arg16: memref<!tpu.dma_semaphore, #tpu.memory_space<semaphore_mem>>, %arg17: memref<!tpu.dma_semaphore, #tpu.memory_space<semaphore_mem>>) attributes {dimension_semantics = [#tpu.dimension_semantics<core_parallel>, #tpu.dimension_semantics<subcore_parallel>], iteration_bounds = array<i64: 2, 16>, scalar_prefetch = 0 : i64, scratch_operands = 11 : i64, tpu.core_type = #tpu.core_type<sc_vector_subcore>, window_params = [{transform_indices = #map}, {transform_indices = #map1}, {transform_indices = #map1}, {transform_indices = #map1}, {transform_indices = #map2}]} {
    %mul3A = arith.constant 640 : i32
    %mul3A_0 = arith.muli %arg1, %mul3A : i32
    %mul3A_1 = arith.constant 16 : i32
    %mul3A_2 = arith.muli %arg0, %mul3A_1 : i32
    %add3A = arith.addi %mul3A_2, %arg1 : i32
    %mul3A_3 = arith.constant 256 : i32
    %mul3A_4 = arith.muli %add3A, %mul3A_3 : i32
    %lt3A = arith.constant 15 : i32
    %lt3A_5 = arith.cmpi slt, %arg1, %lt3A : i32
    %convert_element_type3A = arith.extui %lt3A_5 : i1 to i32
    %cond3A = arith.constant 0 : i32
    %cond3A_6 = arith.cmpi ne, %convert_element_type3A, %cond3A : i32
    scf.if %cond3A_6 {
      "tpu.region"() ({
        %run_scoped3A = tpu.sem_alloc : memref<!tpu.dma_semaphore, #tpu.memory_space<semaphore_mem>>
        %dma_start3A_316 = arith.constant 0 : i32
        %dma_start3A_317 = tpu.memref_slice %arg13[%mul3A_0, %dma_start3A_316] : memref<10240x128xf32, #tpu.memory_space<vmem_shared>> -> memref<640x128xf32, #tpu.memory_space<vmem_shared>>
        %dma_start3A_318 = arith.constant 0 : i32
        %dma_start3A_319 = tpu.memref_slice %arg2[%mul3A_0, %dma_start3A_318] : memref<10000x128xf32, #tpu.memory_space<hbm>> -> memref<640x128xf32, #tpu.memory_space<hbm>>
        tpu.enqueue_dma source(%dma_start3A_319 : memref<640x128xf32, #tpu.memory_space<hbm>>) target(%dma_start3A_317 : memref<640x128xf32, #tpu.memory_space<vmem_shared>>) target_semaphore(%run_scoped3A : memref<!tpu.dma_semaphore, #tpu.memory_space<semaphore_mem>>)
        %dma_wait3A = arith.constant 0 : i32
        %dma_wait3A_320 = tpu.memref_slice %arg13[%mul3A_0, %dma_wait3A] : memref<10240x128xf32, #tpu.memory_space<vmem_shared>> -> memref<640x128xf32, #tpu.memory_space<vmem_shared>>
        %dma_wait3A_321 = arith.constant 0 : i32
        %dma_wait3A_322 = tpu.memref_slice %arg2[%mul3A_0, %dma_wait3A_321] : memref<10000x128xf32, #tpu.memory_space<hbm>> -> memref<640x128xf32, #tpu.memory_space<hbm>>
        tpu.wait_dma2 semaphore(%run_scoped3A : memref<!tpu.dma_semaphore, #tpu.memory_space<semaphore_mem>>) src(%dma_wait3A_322 : memref<640x128xf32, #tpu.memory_space<hbm>>) dst(%dma_wait3A_320 : memref<640x128xf32, #tpu.memory_space<vmem_shared>>)
        tpu.yield
      }) : () -> ()
    } else {
    }
    %eq3A = arith.constant 15 : i32
    %eq3A_7 = arith.cmpi eq, %arg1, %eq3A : i32
    %convert_element_type3A_8 = arith.extui %eq3A_7 : i1 to i32
    %cond3A_9 = arith.constant 0 : i32
    %cond3A_10 = arith.cmpi ne, %convert_element_type3A_8, %cond3A_9 : i32
    scf.if %cond3A_10 {
      "tpu.region"() ({
        %run_scoped3A = tpu.sem_alloc : memref<!tpu.dma_semaphore, #tpu.memory_space<semaphore_mem>>
        %dma_start3A_316 = arith.constant 0 : i32
        %dma_start3A_317 = tpu.memref_slice %arg13[%mul3A_0, %dma_start3A_316] : memref<10240x128xf32, #tpu.memory_space<vmem_shared>> -> memref<400x128xf32, #tpu.memory_space<vmem_shared>>
        %dma_start3A_318 = arith.constant 0 : i32
        %dma_start3A_319 = tpu.memref_slice %arg2[%mul3A_0, %dma_start3A_318] : memref<10000x128xf32, #tpu.memory_space<hbm>> -> memref<400x128xf32, #tpu.memory_space<hbm>>
        tpu.enqueue_dma source(%dma_start3A_319 : memref<400x128xf32, #tpu.memory_space<hbm>>) target(%dma_start3A_317 : memref<400x128xf32, #tpu.memory_space<vmem_shared>>) target_semaphore(%run_scoped3A : memref<!tpu.dma_semaphore, #tpu.memory_space<semaphore_mem>>)
        %dma_wait3A = arith.constant 0 : i32
        %dma_wait3A_320 = tpu.memref_slice %arg13[%mul3A_0, %dma_wait3A] : memref<10240x128xf32, #tpu.memory_space<vmem_shared>> -> memref<400x128xf32, #tpu.memory_space<vmem_shared>>
        %dma_wait3A_321 = arith.constant 0 : i32
        %dma_wait3A_322 = tpu.memref_slice %arg2[%mul3A_0, %dma_wait3A_321] : memref<10000x128xf32, #tpu.memory_space<hbm>> -> memref<400x128xf32, #tpu.memory_space<hbm>>
        tpu.wait_dma2 semaphore(%run_scoped3A : memref<!tpu.dma_semaphore, #tpu.memory_space<semaphore_mem>>) src(%dma_wait3A_322 : memref<400x128xf32, #tpu.memory_space<hbm>>) dst(%dma_wait3A_320 : memref<400x128xf32, #tpu.memory_space<vmem_shared>>)
        tpu.yield
      }) : () -> ()
    } else {
    }
    %barrier3A = arith.constant 0 : index
    tpu.barrier barrier_id(%barrier3A)
    %mul3A_11 = arith.constant 16 : i32
    %mul3A_12 = arith.muli %arg0, %mul3A_11 : i32
    %add3A_13 = arith.addi %mul3A_12, %arg1 : i32
    %eq3A_14 = arith.constant 31 : i32
    %eq3A_15 = arith.cmpi eq, %add3A_13, %eq3A_14 : i32
    %add3A_16 = arith.constant 0 : i32
    %add3A_17 = arith.addi %mul3A_4, %add3A_16 : i32
    %mul3A_18 = arith.constant 40 : i32
    %mul3A_19 = arith.muli %add3A_17, %mul3A_18 : i32
    "tpu.region"() ({
      %run_scoped3A = tpu.sem_alloc : memref<!tpu.dma_semaphore, #tpu.memory_space<semaphore_mem>>
      %dma_start3A_316 = tpu.memref_slice %arg3[%mul3A_19] : memref<640000xi32, #tpu.memory_space<hbm>> -> memref<1280xi32, #tpu.memory_space<hbm>>
      %dma_start3A_317 = tpu.memref_slice %arg3[%mul3A_19] : memref<640000xi32, #tpu.memory_space<hbm>> -> memref<1280xi32, #tpu.memory_space<hbm>>
      tpu.enqueue_dma source(%dma_start3A_317 : memref<1280xi32, #tpu.memory_space<hbm>>) target(%arg11 : memref<1280xi32, #tpu.memory_space<vmem>>) target_semaphore(%run_scoped3A : memref<!tpu.dma_semaphore, #tpu.memory_space<semaphore_mem>>)
      %dma_wait3A = tpu.memref_slice %arg3[%mul3A_19] : memref<640000xi32, #tpu.memory_space<hbm>> -> memref<1280xi32, #tpu.memory_space<hbm>>
      %dma_wait3A_318 = tpu.memref_slice %arg3[%mul3A_19] : memref<640000xi32, #tpu.memory_space<hbm>> -> memref<1280xi32, #tpu.memory_space<hbm>>
      tpu.wait_dma2 semaphore(%run_scoped3A : memref<!tpu.dma_semaphore, #tpu.memory_space<semaphore_mem>>) src(%dma_wait3A_318 : memref<1280xi32, #tpu.memory_space<hbm>>) dst(%arg11 : memref<1280xi32, #tpu.memory_space<vmem>>)
      tpu.yield
    }) : () -> ()
    %add3A_20 = arith.constant 320000 : i32
    %add3A_21 = arith.addi %add3A_20, %mul3A_19 : i32
    "tpu.region"() ({
      %run_scoped3A = tpu.sem_alloc : memref<!tpu.dma_semaphore, #tpu.memory_space<semaphore_mem>>
      %dma_start3A_316 = tpu.memref_slice %arg3[%add3A_21] : memref<640000xi32, #tpu.memory_space<hbm>> -> memref<1280xi32, #tpu.memory_space<hbm>>
      %dma_start3A_317 = tpu.memref_slice %arg3[%add3A_21] : memref<640000xi32, #tpu.memory_space<hbm>> -> memref<1280xi32, #tpu.memory_space<hbm>>
      tpu.enqueue_dma source(%dma_start3A_317 : memref<1280xi32, #tpu.memory_space<hbm>>) target(%arg12 : memref<1280xi32, #tpu.memory_space<vmem>>) target_semaphore(%run_scoped3A : memref<!tpu.dma_semaphore, #tpu.memory_space<semaphore_mem>>)
      %dma_wait3A = tpu.memref_slice %arg3[%add3A_21] : memref<640000xi32, #tpu.memory_space<hbm>> -> memref<1280xi32, #tpu.memory_space<hbm>>
      %dma_wait3A_318 = tpu.memref_slice %arg3[%add3A_21] : memref<640000xi32, #tpu.memory_space<hbm>> -> memref<1280xi32, #tpu.memory_space<hbm>>
      tpu.wait_dma2 semaphore(%run_scoped3A : memref<!tpu.dma_semaphore, #tpu.memory_space<semaphore_mem>>) src(%dma_wait3A_318 : memref<1280xi32, #tpu.memory_space<hbm>>) dst(%arg12 : memref<1280xi32, #tpu.memory_space<vmem>>)
      tpu.yield
    }) : () -> ()
    %dma_start3A = arith.constant 0 : i32
    %dma_start3A_22 = tpu.memref_slice %arg11[%dma_start3A] : memref<1280xi32, #tpu.memory_space<vmem>> -> memref<40xi32, #tpu.memory_space<vmem>>
    %dma_start3A_23 = arith.constant 0 : i32
    %dma_start3A_24 = arith.constant 0 : i32
    %dma_start3A_25 = tpu.memref_slice %arg2[%dma_start3A_23, %dma_start3A_24] : memref<10000x128xf32, #tpu.memory_space<hbm>> -> memref<10000x128xf32, #tpu.memory_space<hbm>>
    tpu.enqueue_indirect_dma source(%dma_start3A_25 : memref<10000x128xf32, #tpu.memory_space<hbm>>) target(%arg7 : memref<40x128xf32, #tpu.memory_space<vmem>>) offsets(%dma_start3A_22 : memref<40xi32, #tpu.memory_space<vmem>>) semaphore(%arg14 : memref<!tpu.dma_semaphore, #tpu.memory_space<semaphore_mem>>)
    %dma_start3A_26 = arith.constant 40 : i32
    %dma_start3A_27 = tpu.memref_slice %arg11[%dma_start3A_26] : memref<1280xi32, #tpu.memory_space<vmem>> -> memref<40xi32, #tpu.memory_space<vmem>>
    %dma_start3A_28 = arith.constant 0 : i32
    %dma_start3A_29 = arith.constant 0 : i32
    %dma_start3A_30 = tpu.memref_slice %arg2[%dma_start3A_28, %dma_start3A_29] : memref<10000x128xf32, #tpu.memory_space<hbm>> -> memref<10000x128xf32, #tpu.memory_space<hbm>>
    tpu.enqueue_indirect_dma source(%dma_start3A_30 : memref<10000x128xf32, #tpu.memory_space<hbm>>) target(%arg8 : memref<40x128xf32, #tpu.memory_space<vmem>>) offsets(%dma_start3A_27 : memref<40xi32, #tpu.memory_space<vmem>>) semaphore(%arg15 : memref<!tpu.dma_semaphore, #tpu.memory_space<semaphore_mem>>)
    %dma_start3A_31 = arith.constant 80 : i32
    %dma_start3A_32 = tpu.memref_slice %arg11[%dma_start3A_31] : memref<1280xi32, #tpu.memory_space<vmem>> -> memref<40xi32, #tpu.memory_space<vmem>>
    %dma_start3A_33 = arith.constant 0 : i32
    %dma_start3A_34 = arith.constant 0 : i32
    %dma_start3A_35 = tpu.memref_slice %arg2[%dma_start3A_33, %dma_start3A_34] : memref<10000x128xf32, #tpu.memory_space<hbm>> -> memref<10000x128xf32, #tpu.memory_space<hbm>>
    tpu.enqueue_indirect_dma source(%dma_start3A_35 : memref<10000x128xf32, #tpu.memory_space<hbm>>) target(%arg9 : memref<40x128xf32, #tpu.memory_space<vmem>>) offsets(%dma_start3A_32 : memref<40xi32, #tpu.memory_space<vmem>>) semaphore(%arg16 : memref<!tpu.dma_semaphore, #tpu.memory_space<semaphore_mem>>)
    %dma_start3A_36 = arith.constant 120 : i32
    %dma_start3A_37 = tpu.memref_slice %arg11[%dma_start3A_36] : memref<1280xi32, #tpu.memory_space<vmem>> -> memref<40xi32, #tpu.memory_space<vmem>>
    %dma_start3A_38 = arith.constant 0 : i32
    %dma_start3A_39 = arith.constant 0 : i32
    %dma_start3A_40 = tpu.memref_slice %arg2[%dma_start3A_38, %dma_start3A_39] : memref<10000x128xf32, #tpu.memory_space<hbm>> -> memref<10000x128xf32, #tpu.memory_space<hbm>>
    tpu.enqueue_indirect_dma source(%dma_start3A_40 : memref<10000x128xf32, #tpu.memory_space<hbm>>) target(%arg10 : memref<40x128xf32, #tpu.memory_space<vmem>>) offsets(%dma_start3A_37 : memref<40xi32, #tpu.memory_space<vmem>>) semaphore(%arg17 : memref<!tpu.dma_semaphore, #tpu.memory_space<semaphore_mem>>)
    %scan3A = arith.constant 0 : i32
    %scan3A_41 = arith.constant 0 : i32
    %scan3A_42 = arith.constant 8 : i32
    %scan3A_43 = arith.addi %scan3A_41, %scan3A_42 : i32
    %scan3A_44 = arith.constant 1 : i32
    scf.for %scan3A_316 = %scan3A_41 to %scan3A_43 step %scan3A_44  : i32 {
      %mul3A_317 = arith.constant 4 : i32
      %mul3A_318 = arith.muli %mul3A_317, %scan3A_316 : i32
      %add3A_319 = arith.constant 0 : i32
      %add3A_320 = arith.addi %mul3A_318, %add3A_319 : i32
      %mul3A_321 = arith.constant 40 : i32
      %mul3A_322 = arith.muli %add3A_320, %mul3A_321 : i32
      %dma_wait3A = tpu.memref_slice %arg11[%mul3A_322] : memref<1280xi32, #tpu.memory_space<vmem>> -> memref<40xi32, #tpu.memory_space<vmem>>
      %dma_wait3A_323 = arith.constant 0 : i32
      %dma_wait3A_324 = arith.constant 0 : i32
      %dma_wait3A_325 = tpu.memref_slice %arg2[%dma_wait3A_323, %dma_wait3A_324] : memref<10000x128xf32, #tpu.memory_space<hbm>> -> memref<10000x128xf32, #tpu.memory_space<hbm>>
      tpu.wait_indirect_dma semaphore(%arg14 : memref<!tpu.dma_semaphore, #tpu.memory_space<semaphore_mem>>) src(%dma_wait3A_325 : memref<10000x128xf32, #tpu.memory_space<hbm>>) dst(%arg7 : memref<40x128xf32, #tpu.memory_space<vmem>>)
      %mul3A_326 = arith.constant 40 : i32
      %mul3A_327 = arith.muli %add3A_320, %mul3A_326 : i32
      "tpu.region"() ({
        %run_scoped3A = tpu.sem_alloc : memref<!tpu.dma_semaphore, #tpu.memory_space<semaphore_mem>>
        %dma_start3A_384 = tpu.memref_slice %arg12[%mul3A_327] : memref<1280xi32, #tpu.memory_space<vmem>> -> memref<40xi32, #tpu.memory_space<vmem>>
        %dma_start3A_385 = arith.constant 0 : i32
        %dma_start3A_386 = arith.constant 0 : i32
        %dma_start3A_387 = tpu.memref_slice %arg13[%dma_start3A_385, %dma_start3A_386] : memref<10240x128xf32, #tpu.memory_space<vmem_shared>> -> memref<10240x128xf32, #tpu.memory_space<vmem_shared>>
        tpu.enqueue_indirect_dma source(%arg7 : memref<40x128xf32, #tpu.memory_space<vmem>>) target(%dma_start3A_387 : memref<10240x128xf32, #tpu.memory_space<vmem_shared>>) offsets(%dma_start3A_384 : memref<40xi32, #tpu.memory_space<vmem>>) semaphore(%run_scoped3A : memref<!tpu.dma_semaphore, #tpu.memory_space<semaphore_mem>>) {add = true}
        %dma_wait3A_388 = tpu.memref_slice %arg12[%mul3A_327] : memref<1280xi32, #tpu.memory_space<vmem>> -> memref<40xi32, #tpu.memory_space<vmem>>
        %dma_wait3A_389 = arith.constant 0 : i32
        %dma_wait3A_390 = arith.constant 0 : i32
        %dma_wait3A_391 = tpu.memref_slice %arg13[%dma_wait3A_389, %dma_wait3A_390] : memref<10240x128xf32, #tpu.memory_space<vmem_shared>> -> memref<10240x128xf32, #tpu.memory_space<vmem_shared>>
        tpu.wait_indirect_dma semaphore(%run_scoped3A : memref<!tpu.dma_semaphore, #tpu.memory_space<semaphore_mem>>) src(%arg7 : memref<40x128xf32, #tpu.memory_space<vmem>>) dst(%dma_wait3A_391 : memref<10240x128xf32, #tpu.memory_space<vmem_shared>>)
        tpu.yield
      }) : () -> ()
      %lt3A_328 = arith.constant 7 : i32
      %lt3A_329 = arith.cmpi slt, %scan3A_316, %lt3A_328 : i32
      %convert_element_type3A_330 = arith.extui %lt3A_329 : i1 to i32
      %cond3A_331 = arith.constant 0 : i32
      %cond3A_332 = arith.cmpi ne, %convert_element_type3A_330, %cond3A_331 : i32
      scf.if %cond3A_332 {
        %add3A_384 = arith.constant 4 : i32
        %add3A_385 = arith.addi %add3A_320, %add3A_384 : i32
        %mul3A_386 = arith.constant 40 : i32
        %mul3A_387 = arith.muli %add3A_385, %mul3A_386 : i32
        %dma_start3A_388 = tpu.memref_slice %arg11[%mul3A_387] : memref<1280xi32, #tpu.memory_space<vmem>> -> memref<40xi32, #tpu.memory_space<vmem>>
        %dma_start3A_389 = arith.constant 0 : i32
        %dma_start3A_390 = arith.constant 0 : i32
        %dma_start3A_391 = tpu.memref_slice %arg2[%dma_start3A_389, %dma_start3A_390] : memref<10000x128xf32, #tpu.memory_space<hbm>> -> memref<10000x128xf32, #tpu.memory_space<hbm>>
        tpu.enqueue_indirect_dma source(%dma_start3A_391 : memref<10000x128xf32, #tpu.memory_space<hbm>>) target(%arg7 : memref<40x128xf32, #tpu.memory_space<vmem>>) offsets(%dma_start3A_388 : memref<40xi32, #tpu.memory_space<vmem>>) semaphore(%arg14 : memref<!tpu.dma_semaphore, #tpu.memory_space<semaphore_mem>>)
      } else {
      }
      %mul3A_333 = arith.constant 4 : i32
      %mul3A_334 = arith.muli %mul3A_333, %scan3A_316 : i32
      %add3A_335 = arith.constant 1 : i32
      %add3A_336 = arith.addi %mul3A_334, %add3A_335 : i32
      %mul3A_337 = arith.constant 40 : i32
      %mul3A_338 = arith.muli %add3A_336, %mul3A_337 : i32
      %dma_wait3A_339 = tpu.memref_slice %arg11[%mul3A_338] : memref<1280xi32, #tpu.memory_space<vmem>> -> memref<40xi32, #tpu.memory_space<vmem>>
      %dma_wait3A_340 = arith.constant 0 : i32
      %dma_wait3A_341 = arith.constant 0 : i32
      %dma_wait3A_342 = tpu.memref_slice %arg2[%dma_wait3A_340, %dma_wait3A_341] : memref<10000x128xf32, #tpu.memory_space<hbm>> -> memref<10000x128xf32, #tpu.memory_space<hbm>>
      tpu.wait_indirect_dma semaphore(%arg15 : memref<!tpu.dma_semaphore, #tpu.memory_space<semaphore_mem>>) src(%dma_wait3A_342 : memref<10000x128xf32, #tpu.memory_space<hbm>>) dst(%arg8 : memref<40x128xf32, #tpu.memory_space<vmem>>)
      %mul3A_343 = arith.constant 40 : i32
      %mul3A_344 = arith.muli %add3A_336, %mul3A_343 : i32
      "tpu.region"() ({
        %run_scoped3A = tpu.sem_alloc : memref<!tpu.dma_semaphore, #tpu.memory_space<semaphore_mem>>
        %dma_start3A_384 = tpu.memref_slice %arg12[%mul3A_344] : memref<1280xi32, #tpu.memory_space<vmem>> -> memref<40xi32, #tpu.memory_space<vmem>>
        %dma_start3A_385 = arith.constant 0 : i32
        %dma_start3A_386 = arith.constant 0 : i32
        %dma_start3A_387 = tpu.memref_slice %arg13[%dma_start3A_385, %dma_start3A_386] : memref<10240x128xf32, #tpu.memory_space<vmem_shared>> -> memref<10240x128xf32, #tpu.memory_space<vmem_shared>>
        tpu.enqueue_indirect_dma source(%arg8 : memref<40x128xf32, #tpu.memory_space<vmem>>) target(%dma_start3A_387 : memref<10240x128xf32, #tpu.memory_space<vmem_shared>>) offsets(%dma_start3A_384 : memref<40xi32, #tpu.memory_space<vmem>>) semaphore(%run_scoped3A : memref<!tpu.dma_semaphore, #tpu.memory_space<semaphore_mem>>) {add = true}
        %dma_wait3A_388 = tpu.memref_slice %arg12[%mul3A_344] : memref<1280xi32, #tpu.memory_space<vmem>> -> memref<40xi32, #tpu.memory_space<vmem>>
        %dma_wait3A_389 = arith.constant 0 : i32
        %dma_wait3A_390 = arith.constant 0 : i32
        %dma_wait3A_391 = tpu.memref_slice %arg13[%dma_wait3A_389, %dma_wait3A_390] : memref<10240x128xf32, #tpu.memory_space<vmem_shared>> -> memref<10240x128xf32, #tpu.memory_space<vmem_shared>>
        tpu.wait_indirect_dma semaphore(%run_scoped3A : memref<!tpu.dma_semaphore, #tpu.memory_space<semaphore_mem>>) src(%arg8 : memref<40x128xf32, #tpu.memory_space<vmem>>) dst(%dma_wait3A_391 : memref<10240x128xf32, #tpu.memory_space<vmem_shared>>)
        tpu.yield
      }) : () -> ()
      %lt3A_345 = arith.constant 7 : i32
      %lt3A_346 = arith.cmpi slt, %scan3A_316, %lt3A_345 : i32
      %convert_element_type3A_347 = arith.extui %lt3A_346 : i1 to i32
      %cond3A_348 = arith.constant 0 : i32
      %cond3A_349 = arith.cmpi ne, %convert_element_type3A_347, %cond3A_348 : i32
      scf.if %cond3A_349 {
        %add3A_384 = arith.constant 4 : i32
        %add3A_385 = arith.addi %add3A_336, %add3A_384 : i32
        %mul3A_386 = arith.constant 40 : i32
        %mul3A_387 = arith.muli %add3A_385, %mul3A_386 : i32
        %dma_start3A_388 = tpu.memref_slice %arg11[%mul3A_387] : memref<1280xi32, #tpu.memory_space<vmem>> -> memref<40xi32, #tpu.memory_space<vmem>>
        %dma_start3A_389 = arith.constant 0 : i32
        %dma_start3A_390 = arith.constant 0 : i32
        %dma_start3A_391 = tpu.memref_slice %arg2[%dma_start3A_389, %dma_start3A_390] : memref<10000x128xf32, #tpu.memory_space<hbm>> -> memref<10000x128xf32, #tpu.memory_space<hbm>>
        tpu.enqueue_indirect_dma source(%dma_start3A_391 : memref<10000x128xf32, #tpu.memory_space<hbm>>) target(%arg8 : memref<40x128xf32, #tpu.memory_space<vmem>>) offsets(%dma_start3A_388 : memref<40xi32, #tpu.memory_space<vmem>>) semaphore(%arg15 : memref<!tpu.dma_semaphore, #tpu.memory_space<semaphore_mem>>)
      } else {
      }
      %mul3A_350 = arith.constant 4 : i32
      %mul3A_351 = arith.muli %mul3A_350, %scan3A_316 : i32
      %add3A_352 = arith.constant 2 : i32
      %add3A_353 = arith.addi %mul3A_351, %add3A_352 : i32
      %mul3A_354 = arith.constant 40 : i32
      %mul3A_355 = arith.muli %add3A_353, %mul3A_354 : i32
      %dma_wait3A_356 = tpu.memref_slice %arg11[%mul3A_355] : memref<1280xi32, #tpu.memory_space<vmem>> -> memref<40xi32, #tpu.memory_space<vmem>>
      %dma_wait3A_357 = arith.constant 0 : i32
      %dma_wait3A_358 = arith.constant 0 : i32
      %dma_wait3A_359 = tpu.memref_slice %arg2[%dma_wait3A_357, %dma_wait3A_358] : memref<10000x128xf32, #tpu.memory_space<hbm>> -> memref<10000x128xf32, #tpu.memory_space<hbm>>
      tpu.wait_indirect_dma semaphore(%arg16 : memref<!tpu.dma_semaphore, #tpu.memory_space<semaphore_mem>>) src(%dma_wait3A_359 : memref<10000x128xf32, #tpu.memory_space<hbm>>) dst(%arg9 : memref<40x128xf32, #tpu.memory_space<vmem>>)
      %mul3A_360 = arith.constant 40 : i32
      %mul3A_361 = arith.muli %add3A_353, %mul3A_360 : i32
      "tpu.region"() ({
        %run_scoped3A = tpu.sem_alloc : memref<!tpu.dma_semaphore, #tpu.memory_space<semaphore_mem>>
        %dma_start3A_384 = tpu.memref_slice %arg12[%mul3A_361] : memref<1280xi32, #tpu.memory_space<vmem>> -> memref<40xi32, #tpu.memory_space<vmem>>
        %dma_start3A_385 = arith.constant 0 : i32
        %dma_start3A_386 = arith.constant 0 : i32
        %dma_start3A_387 = tpu.memref_slice %arg13[%dma_start3A_385, %dma_start3A_386] : memref<10240x128xf32, #tpu.memory_space<vmem_shared>> -> memref<10240x128xf32, #tpu.memory_space<vmem_shared>>
        tpu.enqueue_indirect_dma source(%arg9 : memref<40x128xf32, #tpu.memory_space<vmem>>) target(%dma_start3A_387 : memref<10240x128xf32, #tpu.memory_space<vmem_shared>>) offsets(%dma_start3A_384 : memref<40xi32, #tpu.memory_space<vmem>>) semaphore(%run_scoped3A : memref<!tpu.dma_semaphore, #tpu.memory_space<semaphore_mem>>) {add = true}
        %dma_wait3A_388 = tpu.memref_slice %arg12[%mul3A_361] : memref<1280xi32, #tpu.memory_space<vmem>> -> memref<40xi32, #tpu.memory_space<vmem>>
        %dma_wait3A_389 = arith.constant 0 : i32
        %dma_wait3A_390 = arith.constant 0 : i32
        %dma_wait3A_391 = tpu.memref_slice %arg13[%dma_wait3A_389, %dma_wait3A_390] : memref<10240x128xf32, #tpu.memory_space<vmem_shared>> -> memref<10240x128xf32, #tpu.memory_space<vmem_shared>>
        tpu.wait_indirect_dma semaphore(%run_scoped3A : memref<!tpu.dma_semaphore, #tpu.memory_space<semaphore_mem>>) src(%arg9 : memref<40x128xf32, #tpu.memory_space<vmem>>) dst(%dma_wait3A_391 : memref<10240x128xf32, #tpu.memory_space<vmem_shared>>)
        tpu.yield
      }) : () -> ()
      %lt3A_362 = arith.constant 7 : i32
      %lt3A_363 = arith.cmpi slt, %scan3A_316, %lt3A_362 : i32
      %convert_element_type3A_364 = arith.extui %lt3A_363 : i1 to i32
      %cond3A_365 = arith.constant 0 : i32
      %cond3A_366 = arith.cmpi ne, %convert_element_type3A_364, %cond3A_365 : i32
      scf.if %cond3A_366 {
        %add3A_384 = arith.constant 4 : i32
        %add3A_385 = arith.addi %add3A_353, %add3A_384 : i32
        %mul3A_386 = arith.constant 40 : i32
        %mul3A_387 = arith.muli %add3A_385, %mul3A_386 : i32
        %dma_start3A_388 = tpu.memref_slice %arg11[%mul3A_387] : memref<1280xi32, #tpu.memory_space<vmem>> -> memref<40xi32, #tpu.memory_space<vmem>>
        %dma_start3A_389 = arith.constant 0 : i32
        %dma_start3A_390 = arith.constant 0 : i32
        %dma_start3A_391 = tpu.memref_slice %arg2[%dma_start3A_389, %dma_start3A_390] : memref<10000x128xf32, #tpu.memory_space<hbm>> -> memref<10000x128xf32, #tpu.memory_space<hbm>>
        tpu.enqueue_indirect_dma source(%dma_start3A_391 : memref<10000x128xf32, #tpu.memory_space<hbm>>) target(%arg9 : memref<40x128xf32, #tpu.memory_space<vmem>>) offsets(%dma_start3A_388 : memref<40xi32, #tpu.memory_space<vmem>>) semaphore(%arg16 : memref<!tpu.dma_semaphore, #tpu.memory_space<semaphore_mem>>)
      } else {
      }
      %mul3A_367 = arith.constant 4 : i32
      %mul3A_368 = arith.muli %mul3A_367, %scan3A_316 : i32
      %add3A_369 = arith.constant 3 : i32
      %add3A_370 = arith.addi %mul3A_368, %add3A_369 : i32
      %mul3A_371 = arith.constant 40 : i32
      %mul3A_372 = arith.muli %add3A_370, %mul3A_371 : i32
      %dma_wait3A_373 = tpu.memref_slice %arg11[%mul3A_372] : memref<1280xi32, #tpu.memory_space<vmem>> -> memref<40xi32, #tpu.memory_space<vmem>>
      %dma_wait3A_374 = arith.constant 0 : i32
      %dma_wait3A_375 = arith.constant 0 : i32
      %dma_wait3A_376 = tpu.memref_slice %arg2[%dma_wait3A_374, %dma_wait3A_375] : memref<10000x128xf32, #tpu.memory_space<hbm>> -> memref<10000x128xf32, #tpu.memory_space<hbm>>
      tpu.wait_indirect_dma semaphore(%arg17 : memref<!tpu.dma_semaphore, #tpu.memory_space<semaphore_mem>>) src(%dma_wait3A_376 : memref<10000x128xf32, #tpu.memory_space<hbm>>) dst(%arg10 : memref<40x128xf32, #tpu.memory_space<vmem>>)
      %mul3A_377 = arith.constant 40 : i32
      %mul3A_378 = arith.muli %add3A_370, %mul3A_377 : i32
      "tpu.region"() ({
        %run_scoped3A = tpu.sem_alloc : memref<!tpu.dma_semaphore, #tpu.memory_space<semaphore_mem>>
        %dma_start3A_384 = tpu.memref_slice %arg12[%mul3A_378] : memref<1280xi32, #tpu.memory_space<vmem>> -> memref<40xi32, #tpu.memory_space<vmem>>
        %dma_start3A_385 = arith.constant 0 : i32
        %dma_start3A_386 = arith.constant 0 : i32
        %dma_start3A_387 = tpu.memref_slice %arg13[%dma_start3A_385, %dma_start3A_386] : memref<10240x128xf32, #tpu.memory_space<vmem_shared>> -> memref<10240x128xf32, #tpu.memory_space<vmem_shared>>
        tpu.enqueue_indirect_dma source(%arg10 : memref<40x128xf32, #tpu.memory_space<vmem>>) target(%dma_start3A_387 : memref<10240x128xf32, #tpu.memory_space<vmem_shared>>) offsets(%dma_start3A_384 : memref<40xi32, #tpu.memory_space<vmem>>) semaphore(%run_scoped3A : memref<!tpu.dma_semaphore, #tpu.memory_space<semaphore_mem>>) {add = true}
        %dma_wait3A_388 = tpu.memref_slice %arg12[%mul3A_378] : memref<1280xi32, #tpu.memory_space<vmem>> -> memref<40xi32, #tpu.memory_space<vmem>>
        %dma_wait3A_389 = arith.constant 0 : i32
        %dma_wait3A_390 = arith.constant 0 : i32
        %dma_wait3A_391 = tpu.memref_slice %arg13[%dma_wait3A_389, %dma_wait3A_390] : memref<10240x128xf32, #tpu.memory_space<vmem_shared>> -> memref<10240x128xf32, #tpu.memory_space<vmem_shared>>
        tpu.wait_indirect_dma semaphore(%run_scoped3A : memref<!tpu.dma_semaphore, #tpu.memory_space<semaphore_mem>>) src(%arg10 : memref<40x128xf32, #tpu.memory_space<vmem>>) dst(%dma_wait3A_391 : memref<10240x128xf32, #tpu.memory_space<vmem_shared>>)
        tpu.yield
      }) : () -> ()
      %lt3A_379 = arith.constant 7 : i32
      %lt3A_380 = arith.cmpi slt, %scan3A_316, %lt3A_379 : i32
      %convert_element_type3A_381 = arith.extui %lt3A_380 : i1 to i32
      %cond3A_382 = arith.constant 0 : i32
      %cond3A_383 = arith.cmpi ne, %convert_element_type3A_381, %cond3A_382 : i32
      scf.if %cond3A_383 {
        %add3A_384 = arith.constant 4 : i32
        %add3A_385 = arith.addi %add3A_370, %add3A_384 : i32
        %mul3A_386 = arith.constant 40 : i32
        %mul3A_387 = arith.muli %add3A_385, %mul3A_386 : i32
        %dma_start3A_388 = tpu.memref_slice %arg11[%mul3A_387] : memref<1280xi32, #tpu.memory_space<vmem>> -> memref<40xi32, #tpu.memory_space<vmem>>
        %dma_start3A_389 = arith.constant 0 : i32
        %dma_start3A_390 = arith.constant 0 : i32
        %dma_start3A_391 = tpu.memref_slice %arg2[%dma_start3A_389, %dma_start3A_390] : memref<10000x128xf32, #tpu.memory_space<hbm>> -> memref<10000x128xf32, #tpu.memory_space<hbm>>
        tpu.enqueue_indirect_dma source(%dma_start3A_391 : memref<10000x128xf32, #tpu.memory_space<hbm>>) target(%arg10 : memref<40x128xf32, #tpu.memory_space<vmem>>) offsets(%dma_start3A_388 : memref<40xi32, #tpu.memory_space<vmem>>) semaphore(%arg17 : memref<!tpu.dma_semaphore, #tpu.memory_space<semaphore_mem>>)
      } else {
      }
    }
    %scan3A_45 = arith.constant 8 : i32
    %add3A_46 = arith.constant 32 : i32
    %add3A_47 = arith.addi %mul3A_4, %add3A_46 : i32
    %mul3A_48 = arith.constant 40 : i32
    %mul3A_49 = arith.muli %add3A_47, %mul3A_48 : i32
    "tpu.region"() ({
      %run_scoped3A = tpu.sem_alloc : memref<!tpu.dma_semaphore, #tpu.memory_space<semaphore_mem>>
      %dma_start3A_316 = tpu.memref_slice %arg3[%mul3A_49] : memref<640000xi32, #tpu.memory_space<hbm>> -> memref<1280xi32, #tpu.memory_space<hbm>>
      %dma_start3A_317 = tpu.memref_slice %arg3[%mul3A_49] : memref<640000xi32, #tpu.memory_space<hbm>> -> memref<1280xi32, #tpu.memory_space<hbm>>
      tpu.enqueue_dma source(%dma_start3A_317 : memref<1280xi32, #tpu.memory_space<hbm>>) target(%arg11 : memref<1280xi32, #tpu.memory_space<vmem>>) target_semaphore(%run_scoped3A : memref<!tpu.dma_semaphore, #tpu.memory_space<semaphore_mem>>)
      %dma_wait3A = tpu.memref_slice %arg3[%mul3A_49] : memref<640000xi32, #tpu.memory_space<hbm>> -> memref<1280xi32, #tpu.memory_space<hbm>>
      %dma_wait3A_318 = tpu.memref_slice %arg3[%mul3A_49] : memref<640000xi32, #tpu.memory_space<hbm>> -> memref<1280xi32, #tpu.memory_space<hbm>>
      tpu.wait_dma2 semaphore(%run_scoped3A : memref<!tpu.dma_semaphore, #tpu.memory_space<semaphore_mem>>) src(%dma_wait3A_318 : memref<1280xi32, #tpu.memory_space<hbm>>) dst(%arg11 : memref<1280xi32, #tpu.memory_space<vmem>>)
      tpu.yield
    }) : () -> ()
    %add3A_50 = arith.constant 320000 : i32
    %add3A_51 = arith.addi %add3A_50, %mul3A_49 : i32
    "tpu.region"() ({
      %run_scoped3A = tpu.sem_alloc : memref<!tpu.dma_semaphore, #tpu.memory_space<semaphore_mem>>
      %dma_start3A_316 = tpu.memref_slice %arg3[%add3A_51] : memref<640000xi32, #tpu.memory_space<hbm>> -> memref<1280xi32, #tpu.memory_space<hbm>>
      %dma_start3A_317 = tpu.memref_slice %arg3[%add3A_51] : memref<640000xi32, #tpu.memory_space<hbm>> -> memref<1280xi32, #tpu.memory_space<hbm>>
      tpu.enqueue_dma source(%dma_start3A_317 : memref<1280xi32, #tpu.memory_space<hbm>>) target(%arg12 : memref<1280xi32, #tpu.memory_space<vmem>>) target_semaphore(%run_scoped3A : memref<!tpu.dma_semaphore, #tpu.memory_space<semaphore_mem>>)
      %dma_wait3A = tpu.memref_slice %arg3[%add3A_51] : memref<640000xi32, #tpu.memory_space<hbm>> -> memref<1280xi32, #tpu.memory_space<hbm>>
      %dma_wait3A_318 = tpu.memref_slice %arg3[%add3A_51] : memref<640000xi32, #tpu.memory_space<hbm>> -> memref<1280xi32, #tpu.memory_space<hbm>>
      tpu.wait_dma2 semaphore(%run_scoped3A : memref<!tpu.dma_semaphore, #tpu.memory_space<semaphore_mem>>) src(%dma_wait3A_318 : memref<1280xi32, #tpu.memory_space<hbm>>) dst(%arg12 : memref<1280xi32, #tpu.memory_space<vmem>>)
      tpu.yield
    }) : () -> ()
    %dma_start3A_52 = arith.constant 0 : i32
    %dma_start3A_53 = tpu.memref_slice %arg11[%dma_start3A_52] : memref<1280xi32, #tpu.memory_space<vmem>> -> memref<40xi32, #tpu.memory_space<vmem>>
    %dma_start3A_54 = arith.constant 0 : i32
    %dma_start3A_55 = arith.constant 0 : i32
    %dma_start3A_56 = tpu.memref_slice %arg2[%dma_start3A_54, %dma_start3A_55] : memref<10000x128xf32, #tpu.memory_space<hbm>> -> memref<10000x128xf32, #tpu.memory_space<hbm>>
    tpu.enqueue_indirect_dma source(%dma_start3A_56 : memref<10000x128xf32, #tpu.memory_space<hbm>>) target(%arg7 : memref<40x128xf32, #tpu.memory_space<vmem>>) offsets(%dma_start3A_53 : memref<40xi32, #tpu.memory_space<vmem>>) semaphore(%arg14 : memref<!tpu.dma_semaphore, #tpu.memory_space<semaphore_mem>>)
    %dma_start3A_57 = arith.constant 40 : i32
    %dma_start3A_58 = tpu.memref_slice %arg11[%dma_start3A_57] : memref<1280xi32, #tpu.memory_space<vmem>> -> memref<40xi32, #tpu.memory_space<vmem>>
    %dma_start3A_59 = arith.constant 0 : i32
    %dma_start3A_60 = arith.constant 0 : i32
    %dma_start3A_61 = tpu.memref_slice %arg2[%dma_start3A_59, %dma_start3A_60] : memref<10000x128xf32, #tpu.memory_space<hbm>> -> memref<10000x128xf32, #tpu.memory_space<hbm>>
    tpu.enqueue_indirect_dma source(%dma_start3A_61 : memref<10000x128xf32, #tpu.memory_space<hbm>>) target(%arg8 : memref<40x128xf32, #tpu.memory_space<vmem>>) offsets(%dma_start3A_58 : memref<40xi32, #tpu.memory_space<vmem>>) semaphore(%arg15 : memref<!tpu.dma_semaphore, #tpu.memory_space<semaphore_mem>>)
    %dma_start3A_62 = arith.constant 80 : i32
    %dma_start3A_63 = tpu.memref_slice %arg11[%dma_start3A_62] : memref<1280xi32, #tpu.memory_space<vmem>> -> memref<40xi32, #tpu.memory_space<vmem>>
    %dma_start3A_64 = arith.constant 0 : i32
    %dma_start3A_65 = arith.constant 0 : i32
    %dma_start3A_66 = tpu.memref_slice %arg2[%dma_start3A_64, %dma_start3A_65] : memref<10000x128xf32, #tpu.memory_space<hbm>> -> memref<10000x128xf32, #tpu.memory_space<hbm>>
    tpu.enqueue_indirect_dma source(%dma_start3A_66 : memref<10000x128xf32, #tpu.memory_space<hbm>>) target(%arg9 : memref<40x128xf32, #tpu.memory_space<vmem>>) offsets(%dma_start3A_63 : memref<40xi32, #tpu.memory_space<vmem>>) semaphore(%arg16 : memref<!tpu.dma_semaphore, #tpu.memory_space<semaphore_mem>>)
    %dma_start3A_67 = arith.constant 120 : i32
    %dma_start3A_68 = tpu.memref_slice %arg11[%dma_start3A_67] : memref<1280xi32, #tpu.memory_space<vmem>> -> memref<40xi32, #tpu.memory_space<vmem>>
    %dma_start3A_69 = arith.constant 0 : i32
    %dma_start3A_70 = arith.constant 0 : i32
    %dma_start3A_71 = tpu.memref_slice %arg2[%dma_start3A_69, %dma_start3A_70] : memref<10000x128xf32, #tpu.memory_space<hbm>> -> memref<10000x128xf32, #tpu.memory_space<hbm>>
    tpu.enqueue_indirect_dma source(%dma_start3A_71 : memref<10000x128xf32, #tpu.memory_space<hbm>>) target(%arg10 : memref<40x128xf32, #tpu.memory_space<vmem>>) offsets(%dma_start3A_68 : memref<40xi32, #tpu.memory_space<vmem>>) semaphore(%arg17 : memref<!tpu.dma_semaphore, #tpu.memory_space<semaphore_mem>>)
    %scan3A_72 = arith.constant 0 : i32
    %scan3A_73 = arith.constant 0 : i32
    %scan3A_74 = arith.constant 8 : i32
    %scan3A_75 = arith.addi %scan3A_73, %scan3A_74 : i32
    %scan3A_76 = arith.constant 1 : i32
    scf.for %scan3A_316 = %scan3A_73 to %scan3A_75 step %scan3A_76  : i32 {
      %mul3A_317 = arith.constant 4 : i32
      %mul3A_318 = arith.muli %mul3A_317, %scan3A_316 : i32
      %add3A_319 = arith.constant 0 : i32
      %add3A_320 = arith.addi %mul3A_318, %add3A_319 : i32
      %mul3A_321 = arith.constant 40 : i32
      %mul3A_322 = arith.muli %add3A_320, %mul3A_321 : i32
      %dma_wait3A = tpu.memref_slice %arg11[%mul3A_322] : memref<1280xi32, #tpu.memory_space<vmem>> -> memref<40xi32, #tpu.memory_space<vmem>>
      %dma_wait3A_323 = arith.constant 0 : i32
      %dma_wait3A_324 = arith.constant 0 : i32
      %dma_wait3A_325 = tpu.memref_slice %arg2[%dma_wait3A_323, %dma_wait3A_324] : memref<10000x128xf32, #tpu.memory_space<hbm>> -> memref<10000x128xf32, #tpu.memory_space<hbm>>
      tpu.wait_indirect_dma semaphore(%arg14 : memref<!tpu.dma_semaphore, #tpu.memory_space<semaphore_mem>>) src(%dma_wait3A_325 : memref<10000x128xf32, #tpu.memory_space<hbm>>) dst(%arg7 : memref<40x128xf32, #tpu.memory_space<vmem>>)
      %mul3A_326 = arith.constant 40 : i32
      %mul3A_327 = arith.muli %add3A_320, %mul3A_326 : i32
      "tpu.region"() ({
        %run_scoped3A = tpu.sem_alloc : memref<!tpu.dma_semaphore, #tpu.memory_space<semaphore_mem>>
        %dma_start3A_384 = tpu.memref_slice %arg12[%mul3A_327] : memref<1280xi32, #tpu.memory_space<vmem>> -> memref<40xi32, #tpu.memory_space<vmem>>
        %dma_start3A_385 = arith.constant 0 : i32
        %dma_start3A_386 = arith.constant 0 : i32
        %dma_start3A_387 = tpu.memref_slice %arg13[%dma_start3A_385, %dma_start3A_386] : memref<10240x128xf32, #tpu.memory_space<vmem_shared>> -> memref<10240x128xf32, #tpu.memory_space<vmem_shared>>
        tpu.enqueue_indirect_dma source(%arg7 : memref<40x128xf32, #tpu.memory_space<vmem>>) target(%dma_start3A_387 : memref<10240x128xf32, #tpu.memory_space<vmem_shared>>) offsets(%dma_start3A_384 : memref<40xi32, #tpu.memory_space<vmem>>) semaphore(%run_scoped3A : memref<!tpu.dma_semaphore, #tpu.memory_space<semaphore_mem>>) {add = true}
        %dma_wait3A_388 = tpu.memref_slice %arg12[%mul3A_327] : memref<1280xi32, #tpu.memory_space<vmem>> -> memref<40xi32, #tpu.memory_space<vmem>>
        %dma_wait3A_389 = arith.constant 0 : i32
        %dma_wait3A_390 = arith.constant 0 : i32
        %dma_wait3A_391 = tpu.memref_slice %arg13[%dma_wait3A_389, %dma_wait3A_390] : memref<10240x128xf32, #tpu.memory_space<vmem_shared>> -> memref<10240x128xf32, #tpu.memory_space<vmem_shared>>
        tpu.wait_indirect_dma semaphore(%run_scoped3A : memref<!tpu.dma_semaphore, #tpu.memory_space<semaphore_mem>>) src(%arg7 : memref<40x128xf32, #tpu.memory_space<vmem>>) dst(%dma_wait3A_391 : memref<10240x128xf32, #tpu.memory_space<vmem_shared>>)
        tpu.yield
      }) : () -> ()
      %lt3A_328 = arith.constant 7 : i32
      %lt3A_329 = arith.cmpi slt, %scan3A_316, %lt3A_328 : i32
      %convert_element_type3A_330 = arith.extui %lt3A_329 : i1 to i32
      %cond3A_331 = arith.constant 0 : i32
      %cond3A_332 = arith.cmpi ne, %convert_element_type3A_330, %cond3A_331 : i32
      scf.if %cond3A_332 {
        %add3A_384 = arith.constant 4 : i32
        %add3A_385 = arith.addi %add3A_320, %add3A_384 : i32
        %mul3A_386 = arith.constant 40 : i32
        %mul3A_387 = arith.muli %add3A_385, %mul3A_386 : i32
        %dma_start3A_388 = tpu.memref_slice %arg11[%mul3A_387] : memref<1280xi32, #tpu.memory_space<vmem>> -> memref<40xi32, #tpu.memory_space<vmem>>
        %dma_start3A_389 = arith.constant 0 : i32
        %dma_start3A_390 = arith.constant 0 : i32
        %dma_start3A_391 = tpu.memref_slice %arg2[%dma_start3A_389, %dma_start3A_390] : memref<10000x128xf32, #tpu.memory_space<hbm>> -> memref<10000x128xf32, #tpu.memory_space<hbm>>
        tpu.enqueue_indirect_dma source(%dma_start3A_391 : memref<10000x128xf32, #tpu.memory_space<hbm>>) target(%arg7 : memref<40x128xf32, #tpu.memory_space<vmem>>) offsets(%dma_start3A_388 : memref<40xi32, #tpu.memory_space<vmem>>) semaphore(%arg14 : memref<!tpu.dma_semaphore, #tpu.memory_space<semaphore_mem>>)
      } else {
      }
      %mul3A_333 = arith.constant 4 : i32
      %mul3A_334 = arith.muli %mul3A_333, %scan3A_316 : i32
      %add3A_335 = arith.constant 1 : i32
      %add3A_336 = arith.addi %mul3A_334, %add3A_335 : i32
      %mul3A_337 = arith.constant 40 : i32
      %mul3A_338 = arith.muli %add3A_336, %mul3A_337 : i32
      %dma_wait3A_339 = tpu.memref_slice %arg11[%mul3A_338] : memref<1280xi32, #tpu.memory_space<vmem>> -> memref<40xi32, #tpu.memory_space<vmem>>
      %dma_wait3A_340 = arith.constant 0 : i32
      %dma_wait3A_341 = arith.constant 0 : i32
      %dma_wait3A_342 = tpu.memref_slice %arg2[%dma_wait3A_340, %dma_wait3A_341] : memref<10000x128xf32, #tpu.memory_space<hbm>> -> memref<10000x128xf32, #tpu.memory_space<hbm>>
      tpu.wait_indirect_dma semaphore(%arg15 : memref<!tpu.dma_semaphore, #tpu.memory_space<semaphore_mem>>) src(%dma_wait3A_342 : memref<10000x128xf32, #tpu.memory_space<hbm>>) dst(%arg8 : memref<40x128xf32, #tpu.memory_space<vmem>>)
      %mul3A_343 = arith.constant 40 : i32
      %mul3A_344 = arith.muli %add3A_336, %mul3A_343 : i32
      "tpu.region"() ({
        %run_scoped3A = tpu.sem_alloc : memref<!tpu.dma_semaphore, #tpu.memory_space<semaphore_mem>>
        %dma_start3A_384 = tpu.memref_slice %arg12[%mul3A_344] : memref<1280xi32, #tpu.memory_space<vmem>> -> memref<40xi32, #tpu.memory_space<vmem>>
        %dma_start3A_385 = arith.constant 0 : i32
        %dma_start3A_386 = arith.constant 0 : i32
        %dma_start3A_387 = tpu.memref_slice %arg13[%dma_start3A_385, %dma_start3A_386] : memref<10240x128xf32, #tpu.memory_space<vmem_shared>> -> memref<10240x128xf32, #tpu.memory_space<vmem_shared>>
        tpu.enqueue_indirect_dma source(%arg8 : memref<40x128xf32, #tpu.memory_space<vmem>>) target(%dma_start3A_387 : memref<10240x128xf32, #tpu.memory_space<vmem_shared>>) offsets(%dma_start3A_384 : memref<40xi32, #tpu.memory_space<vmem>>) semaphore(%run_scoped3A : memref<!tpu.dma_semaphore, #tpu.memory_space<semaphore_mem>>) {add = true}
        %dma_wait3A_388 = tpu.memref_slice %arg12[%mul3A_344] : memref<1280xi32, #tpu.memory_space<vmem>> -> memref<40xi32, #tpu.memory_space<vmem>>
        %dma_wait3A_389 = arith.constant 0 : i32
        %dma_wait3A_390 = arith.constant 0 : i32
        %dma_wait3A_391 = tpu.memref_slice %arg13[%dma_wait3A_389, %dma_wait3A_390] : memref<10240x128xf32, #tpu.memory_space<vmem_shared>> -> memref<10240x128xf32, #tpu.memory_space<vmem_shared>>
        tpu.wait_indirect_dma semaphore(%run_scoped3A : memref<!tpu.dma_semaphore, #tpu.memory_space<semaphore_mem>>) src(%arg8 : memref<40x128xf32, #tpu.memory_space<vmem>>) dst(%dma_wait3A_391 : memref<10240x128xf32, #tpu.memory_space<vmem_shared>>)
        tpu.yield
      }) : () -> ()
      %lt3A_345 = arith.constant 7 : i32
      %lt3A_346 = arith.cmpi slt, %scan3A_316, %lt3A_345 : i32
      %convert_element_type3A_347 = arith.extui %lt3A_346 : i1 to i32
      %cond3A_348 = arith.constant 0 : i32
      %cond3A_349 = arith.cmpi ne, %convert_element_type3A_347, %cond3A_348 : i32
      scf.if %cond3A_349 {
        %add3A_384 = arith.constant 4 : i32
        %add3A_385 = arith.addi %add3A_336, %add3A_384 : i32
        %mul3A_386 = arith.constant 40 : i32
        %mul3A_387 = arith.muli %add3A_385, %mul3A_386 : i32
        %dma_start3A_388 = tpu.memref_slice %arg11[%mul3A_387] : memref<1280xi32, #tpu.memory_space<vmem>> -> memref<40xi32, #tpu.memory_space<vmem>>
        %dma_start3A_389 = arith.constant 0 : i32
        %dma_start3A_390 = arith.constant 0 : i32
        %dma_start3A_391 = tpu.memref_slice %arg2[%dma_start3A_389, %dma_start3A_390] : memref<10000x128xf32, #tpu.memory_space<hbm>> -> memref<10000x128xf32, #tpu.memory_space<hbm>>
        tpu.enqueue_indirect_dma source(%dma_start3A_391 : memref<10000x128xf32, #tpu.memory_space<hbm>>) target(%arg8 : memref<40x128xf32, #tpu.memory_space<vmem>>) offsets(%dma_start3A_388 : memref<40xi32, #tpu.memory_space<vmem>>) semaphore(%arg15 : memref<!tpu.dma_semaphore, #tpu.memory_space<semaphore_mem>>)
      } else {
      }
      %mul3A_350 = arith.constant 4 : i32
      %mul3A_351 = arith.muli %mul3A_350, %scan3A_316 : i32
      %add3A_352 = arith.constant 2 : i32
      %add3A_353 = arith.addi %mul3A_351, %add3A_352 : i32
      %mul3A_354 = arith.constant 40 : i32
      %mul3A_355 = arith.muli %add3A_353, %mul3A_354 : i32
      %dma_wait3A_356 = tpu.memref_slice %arg11[%mul3A_355] : memref<1280xi32, #tpu.memory_space<vmem>> -> memref<40xi32, #tpu.memory_space<vmem>>
      %dma_wait3A_357 = arith.constant 0 : i32
      %dma_wait3A_358 = arith.constant 0 : i32
      %dma_wait3A_359 = tpu.memref_slice %arg2[%dma_wait3A_357, %dma_wait3A_358] : memref<10000x128xf32, #tpu.memory_space<hbm>> -> memref<10000x128xf32, #tpu.memory_space<hbm>>
      tpu.wait_indirect_dma semaphore(%arg16 : memref<!tpu.dma_semaphore, #tpu.memory_space<semaphore_mem>>) src(%dma_wait3A_359 : memref<10000x128xf32, #tpu.memory_space<hbm>>) dst(%arg9 : memref<40x128xf32, #tpu.memory_space<vmem>>)
      %mul3A_360 = arith.constant 40 : i32
      %mul3A_361 = arith.muli %add3A_353, %mul3A_360 : i32
      "tpu.region"() ({
        %run_scoped3A = tpu.sem_alloc : memref<!tpu.dma_semaphore, #tpu.memory_space<semaphore_mem>>
        %dma_start3A_384 = tpu.memref_slice %arg12[%mul3A_361] : memref<1280xi32, #tpu.memory_space<vmem>> -> memref<40xi32, #tpu.memory_space<vmem>>
        %dma_start3A_385 = arith.constant 0 : i32
        %dma_start3A_386 = arith.constant 0 : i32
        %dma_start3A_387 = tpu.memref_slice %arg13[%dma_start3A_385, %dma_start3A_386] : memref<10240x128xf32, #tpu.memory_space<vmem_shared>> -> memref<10240x128xf32, #tpu.memory_space<vmem_shared>>
        tpu.enqueue_indirect_dma source(%arg9 : memref<40x128xf32, #tpu.memory_space<vmem>>) target(%dma_start3A_387 : memref<10240x128xf32, #tpu.memory_space<vmem_shared>>) offsets(%dma_start3A_384 : memref<40xi32, #tpu.memory_space<vmem>>) semaphore(%run_scoped3A : memref<!tpu.dma_semaphore, #tpu.memory_space<semaphore_mem>>) {add = true}
        %dma_wait3A_388 = tpu.memref_slice %arg12[%mul3A_361] : memref<1280xi32, #tpu.memory_space<vmem>> -> memref<40xi32, #tpu.memory_space<vmem>>
        %dma_wait3A_389 = arith.constant 0 : i32
        %dma_wait3A_390 = arith.constant 0 : i32
        %dma_wait3A_391 = tpu.memref_slice %arg13[%dma_wait3A_389, %dma_wait3A_390] : memref<10240x128xf32, #tpu.memory_space<vmem_shared>> -> memref<10240x128xf32, #tpu.memory_space<vmem_shared>>
        tpu.wait_indirect_dma semaphore(%run_scoped3A : memref<!tpu.dma_semaphore, #tpu.memory_space<semaphore_mem>>) src(%arg9 : memref<40x128xf32, #tpu.memory_space<vmem>>) dst(%dma_wait3A_391 : memref<10240x128xf32, #tpu.memory_space<vmem_shared>>)
        tpu.yield
      }) : () -> ()
      %lt3A_362 = arith.constant 7 : i32
      %lt3A_363 = arith.cmpi slt, %scan3A_316, %lt3A_362 : i32
      %convert_element_type3A_364 = arith.extui %lt3A_363 : i1 to i32
      %cond3A_365 = arith.constant 0 : i32
      %cond3A_366 = arith.cmpi ne, %convert_element_type3A_364, %cond3A_365 : i32
      scf.if %cond3A_366 {
        %add3A_384 = arith.constant 4 : i32
        %add3A_385 = arith.addi %add3A_353, %add3A_384 : i32
        %mul3A_386 = arith.constant 40 : i32
        %mul3A_387 = arith.muli %add3A_385, %mul3A_386 : i32
        %dma_start3A_388 = tpu.memref_slice %arg11[%mul3A_387] : memref<1280xi32, #tpu.memory_space<vmem>> -> memref<40xi32, #tpu.memory_space<vmem>>
        %dma_start3A_389 = arith.constant 0 : i32
        %dma_start3A_390 = arith.constant 0 : i32
        %dma_start3A_391 = tpu.memref_slice %arg2[%dma_start3A_389, %dma_start3A_390] : memref<10000x128xf32, #tpu.memory_space<hbm>> -> memref<10000x128xf32, #tpu.memory_space<hbm>>
        tpu.enqueue_indirect_dma source(%dma_start3A_391 : memref<10000x128xf32, #tpu.memory_space<hbm>>) target(%arg9 : memref<40x128xf32, #tpu.memory_space<vmem>>) offsets(%dma_start3A_388 : memref<40xi32, #tpu.memory_space<vmem>>) semaphore(%arg16 : memref<!tpu.dma_semaphore, #tpu.memory_space<semaphore_mem>>)
      } else {
      }
      %mul3A_367 = arith.constant 4 : i32
      %mul3A_368 = arith.muli %mul3A_367, %scan3A_316 : i32
      %add3A_369 = arith.constant 3 : i32
      %add3A_370 = arith.addi %mul3A_368, %add3A_369 : i32
      %mul3A_371 = arith.constant 40 : i32
      %mul3A_372 = arith.muli %add3A_370, %mul3A_371 : i32
      %dma_wait3A_373 = tpu.memref_slice %arg11[%mul3A_372] : memref<1280xi32, #tpu.memory_space<vmem>> -> memref<40xi32, #tpu.memory_space<vmem>>
      %dma_wait3A_374 = arith.constant 0 : i32
      %dma_wait3A_375 = arith.constant 0 : i32
      %dma_wait3A_376 = tpu.memref_slice %arg2[%dma_wait3A_374, %dma_wait3A_375] : memref<10000x128xf32, #tpu.memory_space<hbm>> -> memref<10000x128xf32, #tpu.memory_space<hbm>>
      tpu.wait_indirect_dma semaphore(%arg17 : memref<!tpu.dma_semaphore, #tpu.memory_space<semaphore_mem>>) src(%dma_wait3A_376 : memref<10000x128xf32, #tpu.memory_space<hbm>>) dst(%arg10 : memref<40x128xf32, #tpu.memory_space<vmem>>)
      %mul3A_377 = arith.constant 40 : i32
      %mul3A_378 = arith.muli %add3A_370, %mul3A_377 : i32
      "tpu.region"() ({
        %run_scoped3A = tpu.sem_alloc : memref<!tpu.dma_semaphore, #tpu.memory_space<semaphore_mem>>
        %dma_start3A_384 = tpu.memref_slice %arg12[%mul3A_378] : memref<1280xi32, #tpu.memory_space<vmem>> -> memref<40xi32, #tpu.memory_space<vmem>>
        %dma_start3A_385 = arith.constant 0 : i32
        %dma_start3A_386 = arith.constant 0 : i32
        %dma_start3A_387 = tpu.memref_slice %arg13[%dma_start3A_385, %dma_start3A_386] : memref<10240x128xf32, #tpu.memory_space<vmem_shared>> -> memref<10240x128xf32, #tpu.memory_space<vmem_shared>>
        tpu.enqueue_indirect_dma source(%arg10 : memref<40x128xf32, #tpu.memory_space<vmem>>) target(%dma_start3A_387 : memref<10240x128xf32, #tpu.memory_space<vmem_shared>>) offsets(%dma_start3A_384 : memref<40xi32, #tpu.memory_space<vmem>>) semaphore(%run_scoped3A : memref<!tpu.dma_semaphore, #tpu.memory_space<semaphore_mem>>) {add = true}
        %dma_wait3A_388 = tpu.memref_slice %arg12[%mul3A_378] : memref<1280xi32, #tpu.memory_space<vmem>> -> memref<40xi32, #tpu.memory_space<vmem>>
        %dma_wait3A_389 = arith.constant 0 : i32
        %dma_wait3A_390 = arith.constant 0 : i32
        %dma_wait3A_391 = tpu.memref_slice %arg13[%dma_wait3A_389, %dma_wait3A_390] : memref<10240x128xf32, #tpu.memory_space<vmem_shared>> -> memref<10240x128xf32, #tpu.memory_space<vmem_shared>>
        tpu.wait_indirect_dma semaphore(%run_scoped3A : memref<!tpu.dma_semaphore, #tpu.memory_space<semaphore_mem>>) src(%arg10 : memref<40x128xf32, #tpu.memory_space<vmem>>) dst(%dma_wait3A_391 : memref<10240x128xf32, #tpu.memory_space<vmem_shared>>)
        tpu.yield
      }) : () -> ()
      %lt3A_379 = arith.constant 7 : i32
      %lt3A_380 = arith.cmpi slt, %scan3A_316, %lt3A_379 : i32
      %convert_element_type3A_381 = arith.extui %lt3A_380 : i1 to i32
      %cond3A_382 = arith.constant 0 : i32
      %cond3A_383 = arith.cmpi ne, %convert_element_type3A_381, %cond3A_382 : i32
      scf.if %cond3A_383 {
        %add3A_384 = arith.constant 4 : i32
        %add3A_385 = arith.addi %add3A_370, %add3A_384 : i32
        %mul3A_386 = arith.constant 40 : i32
        %mul3A_387 = arith.muli %add3A_385, %mul3A_386 : i32
        %dma_start3A_388 = tpu.memref_slice %arg11[%mul3A_387] : memref<1280xi32, #tpu.memory_space<vmem>> -> memref<40xi32, #tpu.memory_space<vmem>>
        %dma_start3A_389 = arith.constant 0 : i32
        %dma_start3A_390 = arith.constant 0 : i32
        %dma_start3A_391 = tpu.memref_slice %arg2[%dma_start3A_389, %dma_start3A_390] : memref<10000x128xf32, #tpu.memory_space<hbm>> -> memref<10000x128xf32, #tpu.memory_space<hbm>>
        tpu.enqueue_indirect_dma source(%dma_start3A_391 : memref<10000x128xf32, #tpu.memory_space<hbm>>) target(%arg10 : memref<40x128xf32, #tpu.memory_space<vmem>>) offsets(%dma_start3A_388 : memref<40xi32, #tpu.memory_space<vmem>>) semaphore(%arg17 : memref<!tpu.dma_semaphore, #tpu.memory_space<semaphore_mem>>)
      } else {
      }
    }
    %scan3A_77 = arith.constant 8 : i32
    %add3A_78 = arith.constant 64 : i32
    %add3A_79 = arith.addi %mul3A_4, %add3A_78 : i32
    %mul3A_80 = arith.constant 40 : i32
    %mul3A_81 = arith.muli %add3A_79, %mul3A_80 : i32
    %not3A = arith.constant true
    %not3A_82 = arith.xori %eq3A_15, %not3A : i1
    %convert_element_type3A_83 = arith.extui %not3A_82 : i1 to i32
    %cond3A_84 = arith.constant 0 : i32
    %cond3A_85 = arith.cmpi ne, %convert_element_type3A_83, %cond3A_84 : i32
    scf.if %cond3A_85 {
      "tpu.region"() ({
        %run_scoped3A = tpu.sem_alloc : memref<!tpu.dma_semaphore, #tpu.memory_space<semaphore_mem>>
        %dma_start3A_318 = tpu.memref_slice %arg3[%mul3A_81] : memref<640000xi32, #tpu.memory_space<hbm>> -> memref<1280xi32, #tpu.memory_space<hbm>>
        %dma_start3A_319 = tpu.memref_slice %arg3[%mul3A_81] : memref<640000xi32, #tpu.memory_space<hbm>> -> memref<1280xi32, #tpu.memory_space<hbm>>
        tpu.enqueue_dma source(%dma_start3A_319 : memref<1280xi32, #tpu.memory_space<hbm>>) target(%arg11 : memref<1280xi32, #tpu.memory_space<vmem>>) target_semaphore(%run_scoped3A : memref<!tpu.dma_semaphore, #tpu.memory_space<semaphore_mem>>)
        %dma_wait3A = tpu.memref_slice %arg3[%mul3A_81] : memref<640000xi32, #tpu.memory_space<hbm>> -> memref<1280xi32, #tpu.memory_space<hbm>>
        %dma_wait3A_320 = tpu.memref_slice %arg3[%mul3A_81] : memref<640000xi32, #tpu.memory_space<hbm>> -> memref<1280xi32, #tpu.memory_space<hbm>>
        tpu.wait_dma2 semaphore(%run_scoped3A : memref<!tpu.dma_semaphore, #tpu.memory_space<semaphore_mem>>) src(%dma_wait3A_320 : memref<1280xi32, #tpu.memory_space<hbm>>) dst(%arg11 : memref<1280xi32, #tpu.memory_space<vmem>>)
        tpu.yield
      }) : () -> ()
      %add3A_316 = arith.constant 320000 : i32
      %add3A_317 = arith.addi %add3A_316, %mul3A_81 : i32
      "tpu.region"() ({
        %run_scoped3A = tpu.sem_alloc : memref<!tpu.dma_semaphore, #tpu.memory_space<semaphore_mem>>
        %dma_start3A_318 = tpu.memref_slice %arg3[%add3A_317] : memref<640000xi32, #tpu.memory_space<hbm>> -> memref<1280xi32, #tpu.memory_space<hbm>>
        %dma_start3A_319 = tpu.memref_slice %arg3[%add3A_317] : memref<640000xi32, #tpu.memory_space<hbm>> -> memref<1280xi32, #tpu.memory_space<hbm>>
        tpu.enqueue_dma source(%dma_start3A_319 : memref<1280xi32, #tpu.memory_space<hbm>>) target(%arg12 : memref<1280xi32, #tpu.memory_space<vmem>>) target_semaphore(%run_scoped3A : memref<!tpu.dma_semaphore, #tpu.memory_space<semaphore_mem>>)
        %dma_wait3A = tpu.memref_slice %arg3[%add3A_317] : memref<640000xi32, #tpu.memory_space<hbm>> -> memref<1280xi32, #tpu.memory_space<hbm>>
        %dma_wait3A_320 = tpu.memref_slice %arg3[%add3A_317] : memref<640000xi32, #tpu.memory_space<hbm>> -> memref<1280xi32, #tpu.memory_space<hbm>>
        tpu.wait_dma2 semaphore(%run_scoped3A : memref<!tpu.dma_semaphore, #tpu.memory_space<semaphore_mem>>) src(%dma_wait3A_320 : memref<1280xi32, #tpu.memory_space<hbm>>) dst(%arg12 : memref<1280xi32, #tpu.memory_space<vmem>>)
        tpu.yield
      }) : () -> ()
    } else {
    }
    %convert_element_type3A_86 = arith.extui %eq3A_15 : i1 to i32
    %cond3A_87 = arith.constant 0 : i32
    %cond3A_88 = arith.cmpi ne, %convert_element_type3A_86, %cond3A_87 : i32
    scf.if %cond3A_88 {
      "tpu.region"() ({
        %run_scoped3A = tpu.sem_alloc : memref<!tpu.dma_semaphore, #tpu.memory_space<semaphore_mem>>
        %dma_start3A_316 = arith.constant 0 : i32
        %dma_start3A_317 = tpu.memref_slice %arg4[%dma_start3A_316] : memref<7680xi32, #tpu.memory_space<hbm>> -> memref<1280xi32, #tpu.memory_space<hbm>>
        %dma_start3A_318 = arith.constant 0 : i32
        %dma_start3A_319 = tpu.memref_slice %arg4[%dma_start3A_318] : memref<7680xi32, #tpu.memory_space<hbm>> -> memref<1280xi32, #tpu.memory_space<hbm>>
        tpu.enqueue_dma source(%dma_start3A_319 : memref<1280xi32, #tpu.memory_space<hbm>>) target(%arg11 : memref<1280xi32, #tpu.memory_space<vmem>>) target_semaphore(%run_scoped3A : memref<!tpu.dma_semaphore, #tpu.memory_space<semaphore_mem>>)
        %dma_wait3A = arith.constant 0 : i32
        %dma_wait3A_320 = tpu.memref_slice %arg4[%dma_wait3A] : memref<7680xi32, #tpu.memory_space<hbm>> -> memref<1280xi32, #tpu.memory_space<hbm>>
        %dma_wait3A_321 = arith.constant 0 : i32
        %dma_wait3A_322 = tpu.memref_slice %arg4[%dma_wait3A_321] : memref<7680xi32, #tpu.memory_space<hbm>> -> memref<1280xi32, #tpu.memory_space<hbm>>
        tpu.wait_dma2 semaphore(%run_scoped3A : memref<!tpu.dma_semaphore, #tpu.memory_space<semaphore_mem>>) src(%dma_wait3A_322 : memref<1280xi32, #tpu.memory_space<hbm>>) dst(%arg11 : memref<1280xi32, #tpu.memory_space<vmem>>)
        tpu.yield
      }) : () -> ()
      "tpu.region"() ({
        %run_scoped3A = tpu.sem_alloc : memref<!tpu.dma_semaphore, #tpu.memory_space<semaphore_mem>>
        %dma_start3A_316 = arith.constant 0 : i32
        %dma_start3A_317 = tpu.memref_slice %arg5[%dma_start3A_316] : memref<7680xi32, #tpu.memory_space<hbm>> -> memref<1280xi32, #tpu.memory_space<hbm>>
        %dma_start3A_318 = arith.constant 0 : i32
        %dma_start3A_319 = tpu.memref_slice %arg5[%dma_start3A_318] : memref<7680xi32, #tpu.memory_space<hbm>> -> memref<1280xi32, #tpu.memory_space<hbm>>
        tpu.enqueue_dma source(%dma_start3A_319 : memref<1280xi32, #tpu.memory_space<hbm>>) target(%arg12 : memref<1280xi32, #tpu.memory_space<vmem>>) target_semaphore(%run_scoped3A : memref<!tpu.dma_semaphore, #tpu.memory_space<semaphore_mem>>)
        %dma_wait3A = arith.constant 0 : i32
        %dma_wait3A_320 = tpu.memref_slice %arg5[%dma_wait3A] : memref<7680xi32, #tpu.memory_space<hbm>> -> memref<1280xi32, #tpu.memory_space<hbm>>
        %dma_wait3A_321 = arith.constant 0 : i32
        %dma_wait3A_322 = tpu.memref_slice %arg5[%dma_wait3A_321] : memref<7680xi32, #tpu.memory_space<hbm>> -> memref<1280xi32, #tpu.memory_space<hbm>>
        tpu.wait_dma2 semaphore(%run_scoped3A : memref<!tpu.dma_semaphore, #tpu.memory_space<semaphore_mem>>) src(%dma_wait3A_322 : memref<1280xi32, #tpu.memory_space<hbm>>) dst(%arg12 : memref<1280xi32, #tpu.memory_space<vmem>>)
        tpu.yield
      }) : () -> ()
    } else {
    }
    %dma_start3A_89 = arith.constant 0 : i32
    %dma_start3A_90 = tpu.memref_slice %arg11[%dma_start3A_89] : memref<1280xi32, #tpu.memory_space<vmem>> -> memref<40xi32, #tpu.memory_space<vmem>>
    %dma_start3A_91 = arith.constant 0 : i32
    %dma_start3A_92 = arith.constant 0 : i32
    %dma_start3A_93 = tpu.memref_slice %arg2[%dma_start3A_91, %dma_start3A_92] : memref<10000x128xf32, #tpu.memory_space<hbm>> -> memref<10000x128xf32, #tpu.memory_space<hbm>>
    tpu.enqueue_indirect_dma source(%dma_start3A_93 : memref<10000x128xf32, #tpu.memory_space<hbm>>) target(%arg7 : memref<40x128xf32, #tpu.memory_space<vmem>>) offsets(%dma_start3A_90 : memref<40xi32, #tpu.memory_space<vmem>>) semaphore(%arg14 : memref<!tpu.dma_semaphore, #tpu.memory_space<semaphore_mem>>)
    %dma_start3A_94 = arith.constant 40 : i32
    %dma_start3A_95 = tpu.memref_slice %arg11[%dma_start3A_94] : memref<1280xi32, #tpu.memory_space<vmem>> -> memref<40xi32, #tpu.memory_space<vmem>>
    %dma_start3A_96 = arith.constant 0 : i32
    %dma_start3A_97 = arith.constant 0 : i32
    %dma_start3A_98 = tpu.memref_slice %arg2[%dma_start3A_96, %dma_start3A_97] : memref<10000x128xf32, #tpu.memory_space<hbm>> -> memref<10000x128xf32, #tpu.memory_space<hbm>>
    tpu.enqueue_indirect_dma source(%dma_start3A_98 : memref<10000x128xf32, #tpu.memory_space<hbm>>) target(%arg8 : memref<40x128xf32, #tpu.memory_space<vmem>>) offsets(%dma_start3A_95 : memref<40xi32, #tpu.memory_space<vmem>>) semaphore(%arg15 : memref<!tpu.dma_semaphore, #tpu.memory_space<semaphore_mem>>)
    %dma_start3A_99 = arith.constant 80 : i32
    %dma_start3A_100 = tpu.memref_slice %arg11[%dma_start3A_99] : memref<1280xi32, #tpu.memory_space<vmem>> -> memref<40xi32, #tpu.memory_space<vmem>>
    %dma_start3A_101 = arith.constant 0 : i32
    %dma_start3A_102 = arith.constant 0 : i32
    %dma_start3A_103 = tpu.memref_slice %arg2[%dma_start3A_101, %dma_start3A_102] : memref<10000x128xf32, #tpu.memory_space<hbm>> -> memref<10000x128xf32, #tpu.memory_space<hbm>>
    tpu.enqueue_indirect_dma source(%dma_start3A_103 : memref<10000x128xf32, #tpu.memory_space<hbm>>) target(%arg9 : memref<40x128xf32, #tpu.memory_space<vmem>>) offsets(%dma_start3A_100 : memref<40xi32, #tpu.memory_space<vmem>>) semaphore(%arg16 : memref<!tpu.dma_semaphore, #tpu.memory_space<semaphore_mem>>)
    %dma_start3A_104 = arith.constant 120 : i32
    %dma_start3A_105 = tpu.memref_slice %arg11[%dma_start3A_104] : memref<1280xi32, #tpu.memory_space<vmem>> -> memref<40xi32, #tpu.memory_space<vmem>>
    %dma_start3A_106 = arith.constant 0 : i32
    %dma_start3A_107 = arith.constant 0 : i32
    %dma_start3A_108 = tpu.memref_slice %arg2[%dma_start3A_106, %dma_start3A_107] : memref<10000x128xf32, #tpu.memory_space<hbm>> -> memref<10000x128xf32, #tpu.memory_space<hbm>>
    tpu.enqueue_indirect_dma source(%dma_start3A_108 : memref<10000x128xf32, #tpu.memory_space<hbm>>) target(%arg10 : memref<40x128xf32, #tpu.memory_space<vmem>>) offsets(%dma_start3A_105 : memref<40xi32, #tpu.memory_space<vmem>>) semaphore(%arg17 : memref<!tpu.dma_semaphore, #tpu.memory_space<semaphore_mem>>)
    %scan3A_109 = arith.constant 0 : i32
    %scan3A_110 = arith.constant 0 : i32
    %scan3A_111 = arith.constant 8 : i32
    %scan3A_112 = arith.addi %scan3A_110, %scan3A_111 : i32
    %scan3A_113 = arith.constant 1 : i32
    scf.for %scan3A_316 = %scan3A_110 to %scan3A_112 step %scan3A_113  : i32 {
      %mul3A_317 = arith.constant 4 : i32
      %mul3A_318 = arith.muli %mul3A_317, %scan3A_316 : i32
      %add3A_319 = arith.constant 0 : i32
      %add3A_320 = arith.addi %mul3A_318, %add3A_319 : i32
      %mul3A_321 = arith.constant 40 : i32
      %mul3A_322 = arith.muli %add3A_320, %mul3A_321 : i32
      %dma_wait3A = tpu.memref_slice %arg11[%mul3A_322] : memref<1280xi32, #tpu.memory_space<vmem>> -> memref<40xi32, #tpu.memory_space<vmem>>
      %dma_wait3A_323 = arith.constant 0 : i32
      %dma_wait3A_324 = arith.constant 0 : i32
      %dma_wait3A_325 = tpu.memref_slice %arg2[%dma_wait3A_323, %dma_wait3A_324] : memref<10000x128xf32, #tpu.memory_space<hbm>> -> memref<10000x128xf32, #tpu.memory_space<hbm>>
      tpu.wait_indirect_dma semaphore(%arg14 : memref<!tpu.dma_semaphore, #tpu.memory_space<semaphore_mem>>) src(%dma_wait3A_325 : memref<10000x128xf32, #tpu.memory_space<hbm>>) dst(%arg7 : memref<40x128xf32, #tpu.memory_space<vmem>>)
      %mul3A_326 = arith.constant 40 : i32
      %mul3A_327 = arith.muli %add3A_320, %mul3A_326 : i32
      "tpu.region"() ({
        %run_scoped3A = tpu.sem_alloc : memref<!tpu.dma_semaphore, #tpu.memory_space<semaphore_mem>>
        %dma_start3A_384 = tpu.memref_slice %arg12[%mul3A_327] : memref<1280xi32, #tpu.memory_space<vmem>> -> memref<40xi32, #tpu.memory_space<vmem>>
        %dma_start3A_385 = arith.constant 0 : i32
        %dma_start3A_386 = arith.constant 0 : i32
        %dma_start3A_387 = tpu.memref_slice %arg13[%dma_start3A_385, %dma_start3A_386] : memref<10240x128xf32, #tpu.memory_space<vmem_shared>> -> memref<10240x128xf32, #tpu.memory_space<vmem_shared>>
        tpu.enqueue_indirect_dma source(%arg7 : memref<40x128xf32, #tpu.memory_space<vmem>>) target(%dma_start3A_387 : memref<10240x128xf32, #tpu.memory_space<vmem_shared>>) offsets(%dma_start3A_384 : memref<40xi32, #tpu.memory_space<vmem>>) semaphore(%run_scoped3A : memref<!tpu.dma_semaphore, #tpu.memory_space<semaphore_mem>>) {add = true}
        %dma_wait3A_388 = tpu.memref_slice %arg12[%mul3A_327] : memref<1280xi32, #tpu.memory_space<vmem>> -> memref<40xi32, #tpu.memory_space<vmem>>
        %dma_wait3A_389 = arith.constant 0 : i32
        %dma_wait3A_390 = arith.constant 0 : i32
        %dma_wait3A_391 = tpu.memref_slice %arg13[%dma_wait3A_389, %dma_wait3A_390] : memref<10240x128xf32, #tpu.memory_space<vmem_shared>> -> memref<10240x128xf32, #tpu.memory_space<vmem_shared>>
        tpu.wait_indirect_dma semaphore(%run_scoped3A : memref<!tpu.dma_semaphore, #tpu.memory_space<semaphore_mem>>) src(%arg7 : memref<40x128xf32, #tpu.memory_space<vmem>>) dst(%dma_wait3A_391 : memref<10240x128xf32, #tpu.memory_space<vmem_shared>>)
        tpu.yield
      }) : () -> ()
      %lt3A_328 = arith.constant 7 : i32
      %lt3A_329 = arith.cmpi slt, %scan3A_316, %lt3A_328 : i32
      %convert_element_type3A_330 = arith.extui %lt3A_329 : i1 to i32
      %cond3A_331 = arith.constant 0 : i32
      %cond3A_332 = arith.cmpi ne, %convert_element_type3A_330, %cond3A_331 : i32
      scf.if %cond3A_332 {
        %add3A_384 = arith.constant 4 : i32
        %add3A_385 = arith.addi %add3A_320, %add3A_384 : i32
        %mul3A_386 = arith.constant 40 : i32
        %mul3A_387 = arith.muli %add3A_385, %mul3A_386 : i32
        %dma_start3A_388 = tpu.memref_slice %arg11[%mul3A_387] : memref<1280xi32, #tpu.memory_space<vmem>> -> memref<40xi32, #tpu.memory_space<vmem>>
        %dma_start3A_389 = arith.constant 0 : i32
        %dma_start3A_390 = arith.constant 0 : i32
        %dma_start3A_391 = tpu.memref_slice %arg2[%dma_start3A_389, %dma_start3A_390] : memref<10000x128xf32, #tpu.memory_space<hbm>> -> memref<10000x128xf32, #tpu.memory_space<hbm>>
        tpu.enqueue_indirect_dma source(%dma_start3A_391 : memref<10000x128xf32, #tpu.memory_space<hbm>>) target(%arg7 : memref<40x128xf32, #tpu.memory_space<vmem>>) offsets(%dma_start3A_388 : memref<40xi32, #tpu.memory_space<vmem>>) semaphore(%arg14 : memref<!tpu.dma_semaphore, #tpu.memory_space<semaphore_mem>>)
      } else {
      }
      %mul3A_333 = arith.constant 4 : i32
      %mul3A_334 = arith.muli %mul3A_333, %scan3A_316 : i32
      %add3A_335 = arith.constant 1 : i32
      %add3A_336 = arith.addi %mul3A_334, %add3A_335 : i32
      %mul3A_337 = arith.constant 40 : i32
      %mul3A_338 = arith.muli %add3A_336, %mul3A_337 : i32
      %dma_wait3A_339 = tpu.memref_slice %arg11[%mul3A_338] : memref<1280xi32, #tpu.memory_space<vmem>> -> memref<40xi32, #tpu.memory_space<vmem>>
      %dma_wait3A_340 = arith.constant 0 : i32
      %dma_wait3A_341 = arith.constant 0 : i32
      %dma_wait3A_342 = tpu.memref_slice %arg2[%dma_wait3A_340, %dma_wait3A_341] : memref<10000x128xf32, #tpu.memory_space<hbm>> -> memref<10000x128xf32, #tpu.memory_space<hbm>>
      tpu.wait_indirect_dma semaphore(%arg15 : memref<!tpu.dma_semaphore, #tpu.memory_space<semaphore_mem>>) src(%dma_wait3A_342 : memref<10000x128xf32, #tpu.memory_space<hbm>>) dst(%arg8 : memref<40x128xf32, #tpu.memory_space<vmem>>)
      %mul3A_343 = arith.constant 40 : i32
      %mul3A_344 = arith.muli %add3A_336, %mul3A_343 : i32
      "tpu.region"() ({
        %run_scoped3A = tpu.sem_alloc : memref<!tpu.dma_semaphore, #tpu.memory_space<semaphore_mem>>
        %dma_start3A_384 = tpu.memref_slice %arg12[%mul3A_344] : memref<1280xi32, #tpu.memory_space<vmem>> -> memref<40xi32, #tpu.memory_space<vmem>>
        %dma_start3A_385 = arith.constant 0 : i32
        %dma_start3A_386 = arith.constant 0 : i32
        %dma_start3A_387 = tpu.memref_slice %arg13[%dma_start3A_385, %dma_start3A_386] : memref<10240x128xf32, #tpu.memory_space<vmem_shared>> -> memref<10240x128xf32, #tpu.memory_space<vmem_shared>>
        tpu.enqueue_indirect_dma source(%arg8 : memref<40x128xf32, #tpu.memory_space<vmem>>) target(%dma_start3A_387 : memref<10240x128xf32, #tpu.memory_space<vmem_shared>>) offsets(%dma_start3A_384 : memref<40xi32, #tpu.memory_space<vmem>>) semaphore(%run_scoped3A : memref<!tpu.dma_semaphore, #tpu.memory_space<semaphore_mem>>) {add = true}
        %dma_wait3A_388 = tpu.memref_slice %arg12[%mul3A_344] : memref<1280xi32, #tpu.memory_space<vmem>> -> memref<40xi32, #tpu.memory_space<vmem>>
        %dma_wait3A_389 = arith.constant 0 : i32
        %dma_wait3A_390 = arith.constant 0 : i32
        %dma_wait3A_391 = tpu.memref_slice %arg13[%dma_wait3A_389, %dma_wait3A_390] : memref<10240x128xf32, #tpu.memory_space<vmem_shared>> -> memref<10240x128xf32, #tpu.memory_space<vmem_shared>>
        tpu.wait_indirect_dma semaphore(%run_scoped3A : memref<!tpu.dma_semaphore, #tpu.memory_space<semaphore_mem>>) src(%arg8 : memref<40x128xf32, #tpu.memory_space<vmem>>) dst(%dma_wait3A_391 : memref<10240x128xf32, #tpu.memory_space<vmem_shared>>)
        tpu.yield
      }) : () -> ()
      %lt3A_345 = arith.constant 7 : i32
      %lt3A_346 = arith.cmpi slt, %scan3A_316, %lt3A_345 : i32
      %convert_element_type3A_347 = arith.extui %lt3A_346 : i1 to i32
      %cond3A_348 = arith.constant 0 : i32
      %cond3A_349 = arith.cmpi ne, %convert_element_type3A_347, %cond3A_348 : i32
      scf.if %cond3A_349 {
        %add3A_384 = arith.constant 4 : i32
        %add3A_385 = arith.addi %add3A_336, %add3A_384 : i32
        %mul3A_386 = arith.constant 40 : i32
        %mul3A_387 = arith.muli %add3A_385, %mul3A_386 : i32
        %dma_start3A_388 = tpu.memref_slice %arg11[%mul3A_387] : memref<1280xi32, #tpu.memory_space<vmem>> -> memref<40xi32, #tpu.memory_space<vmem>>
        %dma_start3A_389 = arith.constant 0 : i32
        %dma_start3A_390 = arith.constant 0 : i32
        %dma_start3A_391 = tpu.memref_slice %arg2[%dma_start3A_389, %dma_start3A_390] : memref<10000x128xf32, #tpu.memory_space<hbm>> -> memref<10000x128xf32, #tpu.memory_space<hbm>>
        tpu.enqueue_indirect_dma source(%dma_start3A_391 : memref<10000x128xf32, #tpu.memory_space<hbm>>) target(%arg8 : memref<40x128xf32, #tpu.memory_space<vmem>>) offsets(%dma_start3A_388 : memref<40xi32, #tpu.memory_space<vmem>>) semaphore(%arg15 : memref<!tpu.dma_semaphore, #tpu.memory_space<semaphore_mem>>)
      } else {
      }
      %mul3A_350 = arith.constant 4 : i32
      %mul3A_351 = arith.muli %mul3A_350, %scan3A_316 : i32
      %add3A_352 = arith.constant 2 : i32
      %add3A_353 = arith.addi %mul3A_351, %add3A_352 : i32
      %mul3A_354 = arith.constant 40 : i32
      %mul3A_355 = arith.muli %add3A_353, %mul3A_354 : i32
      %dma_wait3A_356 = tpu.memref_slice %arg11[%mul3A_355] : memref<1280xi32, #tpu.memory_space<vmem>> -> memref<40xi32, #tpu.memory_space<vmem>>
      %dma_wait3A_357 = arith.constant 0 : i32
      %dma_wait3A_358 = arith.constant 0 : i32
      %dma_wait3A_359 = tpu.memref_slice %arg2[%dma_wait3A_357, %dma_wait3A_358] : memref<10000x128xf32, #tpu.memory_space<hbm>> -> memref<10000x128xf32, #tpu.memory_space<hbm>>
      tpu.wait_indirect_dma semaphore(%arg16 : memref<!tpu.dma_semaphore, #tpu.memory_space<semaphore_mem>>) src(%dma_wait3A_359 : memref<10000x128xf32, #tpu.memory_space<hbm>>) dst(%arg9 : memref<40x128xf32, #tpu.memory_space<vmem>>)
      %mul3A_360 = arith.constant 40 : i32
      %mul3A_361 = arith.muli %add3A_353, %mul3A_360 : i32
      "tpu.region"() ({
        %run_scoped3A = tpu.sem_alloc : memref<!tpu.dma_semaphore, #tpu.memory_space<semaphore_mem>>
        %dma_start3A_384 = tpu.memref_slice %arg12[%mul3A_361] : memref<1280xi32, #tpu.memory_space<vmem>> -> memref<40xi32, #tpu.memory_space<vmem>>
        %dma_start3A_385 = arith.constant 0 : i32
        %dma_start3A_386 = arith.constant 0 : i32
        %dma_start3A_387 = tpu.memref_slice %arg13[%dma_start3A_385, %dma_start3A_386] : memref<10240x128xf32, #tpu.memory_space<vmem_shared>> -> memref<10240x128xf32, #tpu.memory_space<vmem_shared>>
        tpu.enqueue_indirect_dma source(%arg9 : memref<40x128xf32, #tpu.memory_space<vmem>>) target(%dma_start3A_387 : memref<10240x128xf32, #tpu.memory_space<vmem_shared>>) offsets(%dma_start3A_384 : memref<40xi32, #tpu.memory_space<vmem>>) semaphore(%run_scoped3A : memref<!tpu.dma_semaphore, #tpu.memory_space<semaphore_mem>>) {add = true}
        %dma_wait3A_388 = tpu.memref_slice %arg12[%mul3A_361] : memref<1280xi32, #tpu.memory_space<vmem>> -> memref<40xi32, #tpu.memory_space<vmem>>
        %dma_wait3A_389 = arith.constant 0 : i32
        %dma_wait3A_390 = arith.constant 0 : i32
        %dma_wait3A_391 = tpu.memref_slice %arg13[%dma_wait3A_389, %dma_wait3A_390] : memref<10240x128xf32, #tpu.memory_space<vmem_shared>> -> memref<10240x128xf32, #tpu.memory_space<vmem_shared>>
        tpu.wait_indirect_dma semaphore(%run_scoped3A : memref<!tpu.dma_semaphore, #tpu.memory_space<semaphore_mem>>) src(%arg9 : memref<40x128xf32, #tpu.memory_space<vmem>>) dst(%dma_wait3A_391 : memref<10240x128xf32, #tpu.memory_space<vmem_shared>>)
        tpu.yield
      }) : () -> ()
      %lt3A_362 = arith.constant 7 : i32
      %lt3A_363 = arith.cmpi slt, %scan3A_316, %lt3A_362 : i32
      %convert_element_type3A_364 = arith.extui %lt3A_363 : i1 to i32
      %cond3A_365 = arith.constant 0 : i32
      %cond3A_366 = arith.cmpi ne, %convert_element_type3A_364, %cond3A_365 : i32
      scf.if %cond3A_366 {
        %add3A_384 = arith.constant 4 : i32
        %add3A_385 = arith.addi %add3A_353, %add3A_384 : i32
        %mul3A_386 = arith.constant 40 : i32
        %mul3A_387 = arith.muli %add3A_385, %mul3A_386 : i32
        %dma_start3A_388 = tpu.memref_slice %arg11[%mul3A_387] : memref<1280xi32, #tpu.memory_space<vmem>> -> memref<40xi32, #tpu.memory_space<vmem>>
        %dma_start3A_389 = arith.constant 0 : i32
        %dma_start3A_390 = arith.constant 0 : i32
        %dma_start3A_391 = tpu.memref_slice %arg2[%dma_start3A_389, %dma_start3A_390] : memref<10000x128xf32, #tpu.memory_space<hbm>> -> memref<10000x128xf32, #tpu.memory_space<hbm>>
        tpu.enqueue_indirect_dma source(%dma_start3A_391 : memref<10000x128xf32, #tpu.memory_space<hbm>>) target(%arg9 : memref<40x128xf32, #tpu.memory_space<vmem>>) offsets(%dma_start3A_388 : memref<40xi32, #tpu.memory_space<vmem>>) semaphore(%arg16 : memref<!tpu.dma_semaphore, #tpu.memory_space<semaphore_mem>>)
      } else {
      }
      %mul3A_367 = arith.constant 4 : i32
      %mul3A_368 = arith.muli %mul3A_367, %scan3A_316 : i32
      %add3A_369 = arith.constant 3 : i32
      %add3A_370 = arith.addi %mul3A_368, %add3A_369 : i32
      %mul3A_371 = arith.constant 40 : i32
      %mul3A_372 = arith.muli %add3A_370, %mul3A_371 : i32
      %dma_wait3A_373 = tpu.memref_slice %arg11[%mul3A_372] : memref<1280xi32, #tpu.memory_space<vmem>> -> memref<40xi32, #tpu.memory_space<vmem>>
      %dma_wait3A_374 = arith.constant 0 : i32
      %dma_wait3A_375 = arith.constant 0 : i32
      %dma_wait3A_376 = tpu.memref_slice %arg2[%dma_wait3A_374, %dma_wait3A_375] : memref<10000x128xf32, #tpu.memory_space<hbm>> -> memref<10000x128xf32, #tpu.memory_space<hbm>>
      tpu.wait_indirect_dma semaphore(%arg17 : memref<!tpu.dma_semaphore, #tpu.memory_space<semaphore_mem>>) src(%dma_wait3A_376 : memref<10000x128xf32, #tpu.memory_space<hbm>>) dst(%arg10 : memref<40x128xf32, #tpu.memory_space<vmem>>)
      %mul3A_377 = arith.constant 40 : i32
      %mul3A_378 = arith.muli %add3A_370, %mul3A_377 : i32
      "tpu.region"() ({
        %run_scoped3A = tpu.sem_alloc : memref<!tpu.dma_semaphore, #tpu.memory_space<semaphore_mem>>
        %dma_start3A_384 = tpu.memref_slice %arg12[%mul3A_378] : memref<1280xi32, #tpu.memory_space<vmem>> -> memref<40xi32, #tpu.memory_space<vmem>>
        %dma_start3A_385 = arith.constant 0 : i32
        %dma_start3A_386 = arith.constant 0 : i32
        %dma_start3A_387 = tpu.memref_slice %arg13[%dma_start3A_385, %dma_start3A_386] : memref<10240x128xf32, #tpu.memory_space<vmem_shared>> -> memref<10240x128xf32, #tpu.memory_space<vmem_shared>>
        tpu.enqueue_indirect_dma source(%arg10 : memref<40x128xf32, #tpu.memory_space<vmem>>) target(%dma_start3A_387 : memref<10240x128xf32, #tpu.memory_space<vmem_shared>>) offsets(%dma_start3A_384 : memref<40xi32, #tpu.memory_space<vmem>>) semaphore(%run_scoped3A : memref<!tpu.dma_semaphore, #tpu.memory_space<semaphore_mem>>) {add = true}
        %dma_wait3A_388 = tpu.memref_slice %arg12[%mul3A_378] : memref<1280xi32, #tpu.memory_space<vmem>> -> memref<40xi32, #tpu.memory_space<vmem>>
        %dma_wait3A_389 = arith.constant 0 : i32
        %dma_wait3A_390 = arith.constant 0 : i32
        %dma_wait3A_391 = tpu.memref_slice %arg13[%dma_wait3A_389, %dma_wait3A_390] : memref<10240x128xf32, #tpu.memory_space<vmem_shared>> -> memref<10240x128xf32, #tpu.memory_space<vmem_shared>>
        tpu.wait_indirect_dma semaphore(%run_scoped3A : memref<!tpu.dma_semaphore, #tpu.memory_space<semaphore_mem>>) src(%arg10 : memref<40x128xf32, #tpu.memory_space<vmem>>) dst(%dma_wait3A_391 : memref<10240x128xf32, #tpu.memory_space<vmem_shared>>)
        tpu.yield
      }) : () -> ()
      %lt3A_379 = arith.constant 7 : i32
      %lt3A_380 = arith.cmpi slt, %scan3A_316, %lt3A_379 : i32
      %convert_element_type3A_381 = arith.extui %lt3A_380 : i1 to i32
      %cond3A_382 = arith.constant 0 : i32
      %cond3A_383 = arith.cmpi ne, %convert_element_type3A_381, %cond3A_382 : i32
      scf.if %cond3A_383 {
        %add3A_384 = arith.constant 4 : i32
        %add3A_385 = arith.addi %add3A_370, %add3A_384 : i32
        %mul3A_386 = arith.constant 40 : i32
        %mul3A_387 = arith.muli %add3A_385, %mul3A_386 : i32
        %dma_start3A_388 = tpu.memref_slice %arg11[%mul3A_387] : memref<1280xi32, #tpu.memory_space<vmem>> -> memref<40xi32, #tpu.memory_space<vmem>>
        %dma_start3A_389 = arith.constant 0 : i32
        %dma_start3A_390 = arith.constant 0 : i32
        %dma_start3A_391 = tpu.memref_slice %arg2[%dma_start3A_389, %dma_start3A_390] : memref<10000x128xf32, #tpu.memory_space<hbm>> -> memref<10000x128xf32, #tpu.memory_space<hbm>>
        tpu.enqueue_indirect_dma source(%dma_start3A_391 : memref<10000x128xf32, #tpu.memory_space<hbm>>) target(%arg10 : memref<40x128xf32, #tpu.memory_space<vmem>>) offsets(%dma_start3A_388 : memref<40xi32, #tpu.memory_space<vmem>>) semaphore(%arg17 : memref<!tpu.dma_semaphore, #tpu.memory_space<semaphore_mem>>)
      } else {
      }
    }
    %scan3A_114 = arith.constant 8 : i32
    %add3A_115 = arith.constant 96 : i32
    %add3A_116 = arith.addi %mul3A_4, %add3A_115 : i32
    %mul3A_117 = arith.constant 40 : i32
    %mul3A_118 = arith.muli %add3A_116, %mul3A_117 : i32
    %not3A_119 = arith.constant true
    %not3A_120 = arith.xori %eq3A_15, %not3A_119 : i1
    %convert_element_type3A_121 = arith.extui %not3A_120 : i1 to i32
    %cond3A_122 = arith.constant 0 : i32
    %cond3A_123 = arith.cmpi ne, %convert_element_type3A_121, %cond3A_122 : i32
    scf.if %cond3A_123 {
      "tpu.region"() ({
        %run_scoped3A = tpu.sem_alloc : memref<!tpu.dma_semaphore, #tpu.memory_space<semaphore_mem>>
        %dma_start3A_318 = tpu.memref_slice %arg3[%mul3A_118] : memref<640000xi32, #tpu.memory_space<hbm>> -> memref<1280xi32, #tpu.memory_space<hbm>>
        %dma_start3A_319 = tpu.memref_slice %arg3[%mul3A_118] : memref<640000xi32, #tpu.memory_space<hbm>> -> memref<1280xi32, #tpu.memory_space<hbm>>
        tpu.enqueue_dma source(%dma_start3A_319 : memref<1280xi32, #tpu.memory_space<hbm>>) target(%arg11 : memref<1280xi32, #tpu.memory_space<vmem>>) target_semaphore(%run_scoped3A : memref<!tpu.dma_semaphore, #tpu.memory_space<semaphore_mem>>)
        %dma_wait3A = tpu.memref_slice %arg3[%mul3A_118] : memref<640000xi32, #tpu.memory_space<hbm>> -> memref<1280xi32, #tpu.memory_space<hbm>>
        %dma_wait3A_320 = tpu.memref_slice %arg3[%mul3A_118] : memref<640000xi32, #tpu.memory_space<hbm>> -> memref<1280xi32, #tpu.memory_space<hbm>>
        tpu.wait_dma2 semaphore(%run_scoped3A : memref<!tpu.dma_semaphore, #tpu.memory_space<semaphore_mem>>) src(%dma_wait3A_320 : memref<1280xi32, #tpu.memory_space<hbm>>) dst(%arg11 : memref<1280xi32, #tpu.memory_space<vmem>>)
        tpu.yield
      }) : () -> ()
      %add3A_316 = arith.constant 320000 : i32
      %add3A_317 = arith.addi %add3A_316, %mul3A_118 : i32
      "tpu.region"() ({
        %run_scoped3A = tpu.sem_alloc : memref<!tpu.dma_semaphore, #tpu.memory_space<semaphore_mem>>
        %dma_start3A_318 = tpu.memref_slice %arg3[%add3A_317] : memref<640000xi32, #tpu.memory_space<hbm>> -> memref<1280xi32, #tpu.memory_space<hbm>>
        %dma_start3A_319 = tpu.memref_slice %arg3[%add3A_317] : memref<640000xi32, #tpu.memory_space<hbm>> -> memref<1280xi32, #tpu.memory_space<hbm>>
        tpu.enqueue_dma source(%dma_start3A_319 : memref<1280xi32, #tpu.memory_space<hbm>>) target(%arg12 : memref<1280xi32, #tpu.memory_space<vmem>>) target_semaphore(%run_scoped3A : memref<!tpu.dma_semaphore, #tpu.memory_space<semaphore_mem>>)
        %dma_wait3A = tpu.memref_slice %arg3[%add3A_317] : memref<640000xi32, #tpu.memory_space<hbm>> -> memref<1280xi32, #tpu.memory_space<hbm>>
        %dma_wait3A_320 = tpu.memref_slice %arg3[%add3A_317] : memref<640000xi32, #tpu.memory_space<hbm>> -> memref<1280xi32, #tpu.memory_space<hbm>>
        tpu.wait_dma2 semaphore(%run_scoped3A : memref<!tpu.dma_semaphore, #tpu.memory_space<semaphore_mem>>) src(%dma_wait3A_320 : memref<1280xi32, #tpu.memory_space<hbm>>) dst(%arg12 : memref<1280xi32, #tpu.memory_space<vmem>>)
        tpu.yield
      }) : () -> ()
    } else {
    }
    %convert_element_type3A_124 = arith.extui %eq3A_15 : i1 to i32
    %cond3A_125 = arith.constant 0 : i32
    %cond3A_126 = arith.cmpi ne, %convert_element_type3A_124, %cond3A_125 : i32
    scf.if %cond3A_126 {
      "tpu.region"() ({
        %run_scoped3A = tpu.sem_alloc : memref<!tpu.dma_semaphore, #tpu.memory_space<semaphore_mem>>
        %dma_start3A_316 = arith.constant 1280 : i32
        %dma_start3A_317 = tpu.memref_slice %arg4[%dma_start3A_316] : memref<7680xi32, #tpu.memory_space<hbm>> -> memref<1280xi32, #tpu.memory_space<hbm>>
        %dma_start3A_318 = arith.constant 1280 : i32
        %dma_start3A_319 = tpu.memref_slice %arg4[%dma_start3A_318] : memref<7680xi32, #tpu.memory_space<hbm>> -> memref<1280xi32, #tpu.memory_space<hbm>>
        tpu.enqueue_dma source(%dma_start3A_319 : memref<1280xi32, #tpu.memory_space<hbm>>) target(%arg11 : memref<1280xi32, #tpu.memory_space<vmem>>) target_semaphore(%run_scoped3A : memref<!tpu.dma_semaphore, #tpu.memory_space<semaphore_mem>>)
        %dma_wait3A = arith.constant 1280 : i32
        %dma_wait3A_320 = tpu.memref_slice %arg4[%dma_wait3A] : memref<7680xi32, #tpu.memory_space<hbm>> -> memref<1280xi32, #tpu.memory_space<hbm>>
        %dma_wait3A_321 = arith.constant 1280 : i32
        %dma_wait3A_322 = tpu.memref_slice %arg4[%dma_wait3A_321] : memref<7680xi32, #tpu.memory_space<hbm>> -> memref<1280xi32, #tpu.memory_space<hbm>>
        tpu.wait_dma2 semaphore(%run_scoped3A : memref<!tpu.dma_semaphore, #tpu.memory_space<semaphore_mem>>) src(%dma_wait3A_322 : memref<1280xi32, #tpu.memory_space<hbm>>) dst(%arg11 : memref<1280xi32, #tpu.memory_space<vmem>>)
        tpu.yield
      }) : () -> ()
      "tpu.region"() ({
        %run_scoped3A = tpu.sem_alloc : memref<!tpu.dma_semaphore, #tpu.memory_space<semaphore_mem>>
        %dma_start3A_316 = arith.constant 1280 : i32
        %dma_start3A_317 = tpu.memref_slice %arg5[%dma_start3A_316] : memref<7680xi32, #tpu.memory_space<hbm>> -> memref<1280xi32, #tpu.memory_space<hbm>>
        %dma_start3A_318 = arith.constant 1280 : i32
        %dma_start3A_319 = tpu.memref_slice %arg5[%dma_start3A_318] : memref<7680xi32, #tpu.memory_space<hbm>> -> memref<1280xi32, #tpu.memory_space<hbm>>
        tpu.enqueue_dma source(%dma_start3A_319 : memref<1280xi32, #tpu.memory_space<hbm>>) target(%arg12 : memref<1280xi32, #tpu.memory_space<vmem>>) target_semaphore(%run_scoped3A : memref<!tpu.dma_semaphore, #tpu.memory_space<semaphore_mem>>)
        %dma_wait3A = arith.constant 1280 : i32
        %dma_wait3A_320 = tpu.memref_slice %arg5[%dma_wait3A] : memref<7680xi32, #tpu.memory_space<hbm>> -> memref<1280xi32, #tpu.memory_space<hbm>>
        %dma_wait3A_321 = arith.constant 1280 : i32
        %dma_wait3A_322 = tpu.memref_slice %arg5[%dma_wait3A_321] : memref<7680xi32, #tpu.memory_space<hbm>> -> memref<1280xi32, #tpu.memory_space<hbm>>
        tpu.wait_dma2 semaphore(%run_scoped3A : memref<!tpu.dma_semaphore, #tpu.memory_space<semaphore_mem>>) src(%dma_wait3A_322 : memref<1280xi32, #tpu.memory_space<hbm>>) dst(%arg12 : memref<1280xi32, #tpu.memory_space<vmem>>)
        tpu.yield
      }) : () -> ()
    } else {
    }
    %dma_start3A_127 = arith.constant 0 : i32
    %dma_start3A_128 = tpu.memref_slice %arg11[%dma_start3A_127] : memref<1280xi32, #tpu.memory_space<vmem>> -> memref<40xi32, #tpu.memory_space<vmem>>
    %dma_start3A_129 = arith.constant 0 : i32
    %dma_start3A_130 = arith.constant 0 : i32
    %dma_start3A_131 = tpu.memref_slice %arg2[%dma_start3A_129, %dma_start3A_130] : memref<10000x128xf32, #tpu.memory_space<hbm>> -> memref<10000x128xf32, #tpu.memory_space<hbm>>
    tpu.enqueue_indirect_dma source(%dma_start3A_131 : memref<10000x128xf32, #tpu.memory_space<hbm>>) target(%arg7 : memref<40x128xf32, #tpu.memory_space<vmem>>) offsets(%dma_start3A_128 : memref<40xi32, #tpu.memory_space<vmem>>) semaphore(%arg14 : memref<!tpu.dma_semaphore, #tpu.memory_space<semaphore_mem>>)
    %dma_start3A_132 = arith.constant 40 : i32
    %dma_start3A_133 = tpu.memref_slice %arg11[%dma_start3A_132] : memref<1280xi32, #tpu.memory_space<vmem>> -> memref<40xi32, #tpu.memory_space<vmem>>
    %dma_start3A_134 = arith.constant 0 : i32
    %dma_start3A_135 = arith.constant 0 : i32
    %dma_start3A_136 = tpu.memref_slice %arg2[%dma_start3A_134, %dma_start3A_135] : memref<10000x128xf32, #tpu.memory_space<hbm>> -> memref<10000x128xf32, #tpu.memory_space<hbm>>
    tpu.enqueue_indirect_dma source(%dma_start3A_136 : memref<10000x128xf32, #tpu.memory_space<hbm>>) target(%arg8 : memref<40x128xf32, #tpu.memory_space<vmem>>) offsets(%dma_start3A_133 : memref<40xi32, #tpu.memory_space<vmem>>) semaphore(%arg15 : memref<!tpu.dma_semaphore, #tpu.memory_space<semaphore_mem>>)
    %dma_start3A_137 = arith.constant 80 : i32
    %dma_start3A_138 = tpu.memref_slice %arg11[%dma_start3A_137] : memref<1280xi32, #tpu.memory_space<vmem>> -> memref<40xi32, #tpu.memory_space<vmem>>
    %dma_start3A_139 = arith.constant 0 : i32
    %dma_start3A_140 = arith.constant 0 : i32
    %dma_start3A_141 = tpu.memref_slice %arg2[%dma_start3A_139, %dma_start3A_140] : memref<10000x128xf32, #tpu.memory_space<hbm>> -> memref<10000x128xf32, #tpu.memory_space<hbm>>
    tpu.enqueue_indirect_dma source(%dma_start3A_141 : memref<10000x128xf32, #tpu.memory_space<hbm>>) target(%arg9 : memref<40x128xf32, #tpu.memory_space<vmem>>) offsets(%dma_start3A_138 : memref<40xi32, #tpu.memory_space<vmem>>) semaphore(%arg16 : memref<!tpu.dma_semaphore, #tpu.memory_space<semaphore_mem>>)
    %dma_start3A_142 = arith.constant 120 : i32
    %dma_start3A_143 = tpu.memref_slice %arg11[%dma_start3A_142] : memref<1280xi32, #tpu.memory_space<vmem>> -> memref<40xi32, #tpu.memory_space<vmem>>
    %dma_start3A_144 = arith.constant 0 : i32
    %dma_start3A_145 = arith.constant 0 : i32
    %dma_start3A_146 = tpu.memref_slice %arg2[%dma_start3A_144, %dma_start3A_145] : memref<10000x128xf32, #tpu.memory_space<hbm>> -> memref<10000x128xf32, #tpu.memory_space<hbm>>
    tpu.enqueue_indirect_dma source(%dma_start3A_146 : memref<10000x128xf32, #tpu.memory_space<hbm>>) target(%arg10 : memref<40x128xf32, #tpu.memory_space<vmem>>) offsets(%dma_start3A_143 : memref<40xi32, #tpu.memory_space<vmem>>) semaphore(%arg17 : memref<!tpu.dma_semaphore, #tpu.memory_space<semaphore_mem>>)
    %scan3A_147 = arith.constant 0 : i32
    %scan3A_148 = arith.constant 0 : i32
    %scan3A_149 = arith.constant 8 : i32
    %scan3A_150 = arith.addi %scan3A_148, %scan3A_149 : i32
    %scan3A_151 = arith.constant 1 : i32
    scf.for %scan3A_316 = %scan3A_148 to %scan3A_150 step %scan3A_151  : i32 {
      %mul3A_317 = arith.constant 4 : i32
      %mul3A_318 = arith.muli %mul3A_317, %scan3A_316 : i32
      %add3A_319 = arith.constant 0 : i32
      %add3A_320 = arith.addi %mul3A_318, %add3A_319 : i32
      %mul3A_321 = arith.constant 40 : i32
      %mul3A_322 = arith.muli %add3A_320, %mul3A_321 : i32
      %dma_wait3A = tpu.memref_slice %arg11[%mul3A_322] : memref<1280xi32, #tpu.memory_space<vmem>> -> memref<40xi32, #tpu.memory_space<vmem>>
      %dma_wait3A_323 = arith.constant 0 : i32
      %dma_wait3A_324 = arith.constant 0 : i32
      %dma_wait3A_325 = tpu.memref_slice %arg2[%dma_wait3A_323, %dma_wait3A_324] : memref<10000x128xf32, #tpu.memory_space<hbm>> -> memref<10000x128xf32, #tpu.memory_space<hbm>>
      tpu.wait_indirect_dma semaphore(%arg14 : memref<!tpu.dma_semaphore, #tpu.memory_space<semaphore_mem>>) src(%dma_wait3A_325 : memref<10000x128xf32, #tpu.memory_space<hbm>>) dst(%arg7 : memref<40x128xf32, #tpu.memory_space<vmem>>)
      %mul3A_326 = arith.constant 40 : i32
      %mul3A_327 = arith.muli %add3A_320, %mul3A_326 : i32
      "tpu.region"() ({
        %run_scoped3A = tpu.sem_alloc : memref<!tpu.dma_semaphore, #tpu.memory_space<semaphore_mem>>
        %dma_start3A_384 = tpu.memref_slice %arg12[%mul3A_327] : memref<1280xi32, #tpu.memory_space<vmem>> -> memref<40xi32, #tpu.memory_space<vmem>>
        %dma_start3A_385 = arith.constant 0 : i32
        %dma_start3A_386 = arith.constant 0 : i32
        %dma_start3A_387 = tpu.memref_slice %arg13[%dma_start3A_385, %dma_start3A_386] : memref<10240x128xf32, #tpu.memory_space<vmem_shared>> -> memref<10240x128xf32, #tpu.memory_space<vmem_shared>>
        tpu.enqueue_indirect_dma source(%arg7 : memref<40x128xf32, #tpu.memory_space<vmem>>) target(%dma_start3A_387 : memref<10240x128xf32, #tpu.memory_space<vmem_shared>>) offsets(%dma_start3A_384 : memref<40xi32, #tpu.memory_space<vmem>>) semaphore(%run_scoped3A : memref<!tpu.dma_semaphore, #tpu.memory_space<semaphore_mem>>) {add = true}
        %dma_wait3A_388 = tpu.memref_slice %arg12[%mul3A_327] : memref<1280xi32, #tpu.memory_space<vmem>> -> memref<40xi32, #tpu.memory_space<vmem>>
        %dma_wait3A_389 = arith.constant 0 : i32
        %dma_wait3A_390 = arith.constant 0 : i32
        %dma_wait3A_391 = tpu.memref_slice %arg13[%dma_wait3A_389, %dma_wait3A_390] : memref<10240x128xf32, #tpu.memory_space<vmem_shared>> -> memref<10240x128xf32, #tpu.memory_space<vmem_shared>>
        tpu.wait_indirect_dma semaphore(%run_scoped3A : memref<!tpu.dma_semaphore, #tpu.memory_space<semaphore_mem>>) src(%arg7 : memref<40x128xf32, #tpu.memory_space<vmem>>) dst(%dma_wait3A_391 : memref<10240x128xf32, #tpu.memory_space<vmem_shared>>)
        tpu.yield
      }) : () -> ()
      %lt3A_328 = arith.constant 7 : i32
      %lt3A_329 = arith.cmpi slt, %scan3A_316, %lt3A_328 : i32
      %convert_element_type3A_330 = arith.extui %lt3A_329 : i1 to i32
      %cond3A_331 = arith.constant 0 : i32
      %cond3A_332 = arith.cmpi ne, %convert_element_type3A_330, %cond3A_331 : i32
      scf.if %cond3A_332 {
        %add3A_384 = arith.constant 4 : i32
        %add3A_385 = arith.addi %add3A_320, %add3A_384 : i32
        %mul3A_386 = arith.constant 40 : i32
        %mul3A_387 = arith.muli %add3A_385, %mul3A_386 : i32
        %dma_start3A_388 = tpu.memref_slice %arg11[%mul3A_387] : memref<1280xi32, #tpu.memory_space<vmem>> -> memref<40xi32, #tpu.memory_space<vmem>>
        %dma_start3A_389 = arith.constant 0 : i32
        %dma_start3A_390 = arith.constant 0 : i32
        %dma_start3A_391 = tpu.memref_slice %arg2[%dma_start3A_389, %dma_start3A_390] : memref<10000x128xf32, #tpu.memory_space<hbm>> -> memref<10000x128xf32, #tpu.memory_space<hbm>>
        tpu.enqueue_indirect_dma source(%dma_start3A_391 : memref<10000x128xf32, #tpu.memory_space<hbm>>) target(%arg7 : memref<40x128xf32, #tpu.memory_space<vmem>>) offsets(%dma_start3A_388 : memref<40xi32, #tpu.memory_space<vmem>>) semaphore(%arg14 : memref<!tpu.dma_semaphore, #tpu.memory_space<semaphore_mem>>)
      } else {
      }
      %mul3A_333 = arith.constant 4 : i32
      %mul3A_334 = arith.muli %mul3A_333, %scan3A_316 : i32
      %add3A_335 = arith.constant 1 : i32
      %add3A_336 = arith.addi %mul3A_334, %add3A_335 : i32
      %mul3A_337 = arith.constant 40 : i32
      %mul3A_338 = arith.muli %add3A_336, %mul3A_337 : i32
      %dma_wait3A_339 = tpu.memref_slice %arg11[%mul3A_338] : memref<1280xi32, #tpu.memory_space<vmem>> -> memref<40xi32, #tpu.memory_space<vmem>>
      %dma_wait3A_340 = arith.constant 0 : i32
      %dma_wait3A_341 = arith.constant 0 : i32
      %dma_wait3A_342 = tpu.memref_slice %arg2[%dma_wait3A_340, %dma_wait3A_341] : memref<10000x128xf32, #tpu.memory_space<hbm>> -> memref<10000x128xf32, #tpu.memory_space<hbm>>
      tpu.wait_indirect_dma semaphore(%arg15 : memref<!tpu.dma_semaphore, #tpu.memory_space<semaphore_mem>>) src(%dma_wait3A_342 : memref<10000x128xf32, #tpu.memory_space<hbm>>) dst(%arg8 : memref<40x128xf32, #tpu.memory_space<vmem>>)
      %mul3A_343 = arith.constant 40 : i32
      %mul3A_344 = arith.muli %add3A_336, %mul3A_343 : i32
      "tpu.region"() ({
        %run_scoped3A = tpu.sem_alloc : memref<!tpu.dma_semaphore, #tpu.memory_space<semaphore_mem>>
        %dma_start3A_384 = tpu.memref_slice %arg12[%mul3A_344] : memref<1280xi32, #tpu.memory_space<vmem>> -> memref<40xi32, #tpu.memory_space<vmem>>
        %dma_start3A_385 = arith.constant 0 : i32
        %dma_start3A_386 = arith.constant 0 : i32
        %dma_start3A_387 = tpu.memref_slice %arg13[%dma_start3A_385, %dma_start3A_386] : memref<10240x128xf32, #tpu.memory_space<vmem_shared>> -> memref<10240x128xf32, #tpu.memory_space<vmem_shared>>
        tpu.enqueue_indirect_dma source(%arg8 : memref<40x128xf32, #tpu.memory_space<vmem>>) target(%dma_start3A_387 : memref<10240x128xf32, #tpu.memory_space<vmem_shared>>) offsets(%dma_start3A_384 : memref<40xi32, #tpu.memory_space<vmem>>) semaphore(%run_scoped3A : memref<!tpu.dma_semaphore, #tpu.memory_space<semaphore_mem>>) {add = true}
        %dma_wait3A_388 = tpu.memref_slice %arg12[%mul3A_344] : memref<1280xi32, #tpu.memory_space<vmem>> -> memref<40xi32, #tpu.memory_space<vmem>>
        %dma_wait3A_389 = arith.constant 0 : i32
        %dma_wait3A_390 = arith.constant 0 : i32
        %dma_wait3A_391 = tpu.memref_slice %arg13[%dma_wait3A_389, %dma_wait3A_390] : memref<10240x128xf32, #tpu.memory_space<vmem_shared>> -> memref<10240x128xf32, #tpu.memory_space<vmem_shared>>
        tpu.wait_indirect_dma semaphore(%run_scoped3A : memref<!tpu.dma_semaphore, #tpu.memory_space<semaphore_mem>>) src(%arg8 : memref<40x128xf32, #tpu.memory_space<vmem>>) dst(%dma_wait3A_391 : memref<10240x128xf32, #tpu.memory_space<vmem_shared>>)
        tpu.yield
      }) : () -> ()
      %lt3A_345 = arith.constant 7 : i32
      %lt3A_346 = arith.cmpi slt, %scan3A_316, %lt3A_345 : i32
      %convert_element_type3A_347 = arith.extui %lt3A_346 : i1 to i32
      %cond3A_348 = arith.constant 0 : i32
      %cond3A_349 = arith.cmpi ne, %convert_element_type3A_347, %cond3A_348 : i32
      scf.if %cond3A_349 {
        %add3A_384 = arith.constant 4 : i32
        %add3A_385 = arith.addi %add3A_336, %add3A_384 : i32
        %mul3A_386 = arith.constant 40 : i32
        %mul3A_387 = arith.muli %add3A_385, %mul3A_386 : i32
        %dma_start3A_388 = tpu.memref_slice %arg11[%mul3A_387] : memref<1280xi32, #tpu.memory_space<vmem>> -> memref<40xi32, #tpu.memory_space<vmem>>
        %dma_start3A_389 = arith.constant 0 : i32
        %dma_start3A_390 = arith.constant 0 : i32
        %dma_start3A_391 = tpu.memref_slice %arg2[%dma_start3A_389, %dma_start3A_390] : memref<10000x128xf32, #tpu.memory_space<hbm>> -> memref<10000x128xf32, #tpu.memory_space<hbm>>
        tpu.enqueue_indirect_dma source(%dma_start3A_391 : memref<10000x128xf32, #tpu.memory_space<hbm>>) target(%arg8 : memref<40x128xf32, #tpu.memory_space<vmem>>) offsets(%dma_start3A_388 : memref<40xi32, #tpu.memory_space<vmem>>) semaphore(%arg15 : memref<!tpu.dma_semaphore, #tpu.memory_space<semaphore_mem>>)
      } else {
      }
      %mul3A_350 = arith.constant 4 : i32
      %mul3A_351 = arith.muli %mul3A_350, %scan3A_316 : i32
      %add3A_352 = arith.constant 2 : i32
      %add3A_353 = arith.addi %mul3A_351, %add3A_352 : i32
      %mul3A_354 = arith.constant 40 : i32
      %mul3A_355 = arith.muli %add3A_353, %mul3A_354 : i32
      %dma_wait3A_356 = tpu.memref_slice %arg11[%mul3A_355] : memref<1280xi32, #tpu.memory_space<vmem>> -> memref<40xi32, #tpu.memory_space<vmem>>
      %dma_wait3A_357 = arith.constant 0 : i32
      %dma_wait3A_358 = arith.constant 0 : i32
      %dma_wait3A_359 = tpu.memref_slice %arg2[%dma_wait3A_357, %dma_wait3A_358] : memref<10000x128xf32, #tpu.memory_space<hbm>> -> memref<10000x128xf32, #tpu.memory_space<hbm>>
      tpu.wait_indirect_dma semaphore(%arg16 : memref<!tpu.dma_semaphore, #tpu.memory_space<semaphore_mem>>) src(%dma_wait3A_359 : memref<10000x128xf32, #tpu.memory_space<hbm>>) dst(%arg9 : memref<40x128xf32, #tpu.memory_space<vmem>>)
      %mul3A_360 = arith.constant 40 : i32
      %mul3A_361 = arith.muli %add3A_353, %mul3A_360 : i32
      "tpu.region"() ({
        %run_scoped3A = tpu.sem_alloc : memref<!tpu.dma_semaphore, #tpu.memory_space<semaphore_mem>>
        %dma_start3A_384 = tpu.memref_slice %arg12[%mul3A_361] : memref<1280xi32, #tpu.memory_space<vmem>> -> memref<40xi32, #tpu.memory_space<vmem>>
        %dma_start3A_385 = arith.constant 0 : i32
        %dma_start3A_386 = arith.constant 0 : i32
        %dma_start3A_387 = tpu.memref_slice %arg13[%dma_start3A_385, %dma_start3A_386] : memref<10240x128xf32, #tpu.memory_space<vmem_shared>> -> memref<10240x128xf32, #tpu.memory_space<vmem_shared>>
        tpu.enqueue_indirect_dma source(%arg9 : memref<40x128xf32, #tpu.memory_space<vmem>>) target(%dma_start3A_387 : memref<10240x128xf32, #tpu.memory_space<vmem_shared>>) offsets(%dma_start3A_384 : memref<40xi32, #tpu.memory_space<vmem>>) semaphore(%run_scoped3A : memref<!tpu.dma_semaphore, #tpu.memory_space<semaphore_mem>>) {add = true}
        %dma_wait3A_388 = tpu.memref_slice %arg12[%mul3A_361] : memref<1280xi32, #tpu.memory_space<vmem>> -> memref<40xi32, #tpu.memory_space<vmem>>
        %dma_wait3A_389 = arith.constant 0 : i32
        %dma_wait3A_390 = arith.constant 0 : i32
        %dma_wait3A_391 = tpu.memref_slice %arg13[%dma_wait3A_389, %dma_wait3A_390] : memref<10240x128xf32, #tpu.memory_space<vmem_shared>> -> memref<10240x128xf32, #tpu.memory_space<vmem_shared>>
        tpu.wait_indirect_dma semaphore(%run_scoped3A : memref<!tpu.dma_semaphore, #tpu.memory_space<semaphore_mem>>) src(%arg9 : memref<40x128xf32, #tpu.memory_space<vmem>>) dst(%dma_wait3A_391 : memref<10240x128xf32, #tpu.memory_space<vmem_shared>>)
        tpu.yield
      }) : () -> ()
      %lt3A_362 = arith.constant 7 : i32
      %lt3A_363 = arith.cmpi slt, %scan3A_316, %lt3A_362 : i32
      %convert_element_type3A_364 = arith.extui %lt3A_363 : i1 to i32
      %cond3A_365 = arith.constant 0 : i32
      %cond3A_366 = arith.cmpi ne, %convert_element_type3A_364, %cond3A_365 : i32
      scf.if %cond3A_366 {
        %add3A_384 = arith.constant 4 : i32
        %add3A_385 = arith.addi %add3A_353, %add3A_384 : i32
        %mul3A_386 = arith.constant 40 : i32
        %mul3A_387 = arith.muli %add3A_385, %mul3A_386 : i32
        %dma_start3A_388 = tpu.memref_slice %arg11[%mul3A_387] : memref<1280xi32, #tpu.memory_space<vmem>> -> memref<40xi32, #tpu.memory_space<vmem>>
        %dma_start3A_389 = arith.constant 0 : i32
        %dma_start3A_390 = arith.constant 0 : i32
        %dma_start3A_391 = tpu.memref_slice %arg2[%dma_start3A_389, %dma_start3A_390] : memref<10000x128xf32, #tpu.memory_space<hbm>> -> memref<10000x128xf32, #tpu.memory_space<hbm>>
        tpu.enqueue_indirect_dma source(%dma_start3A_391 : memref<10000x128xf32, #tpu.memory_space<hbm>>) target(%arg9 : memref<40x128xf32, #tpu.memory_space<vmem>>) offsets(%dma_start3A_388 : memref<40xi32, #tpu.memory_space<vmem>>) semaphore(%arg16 : memref<!tpu.dma_semaphore, #tpu.memory_space<semaphore_mem>>)
      } else {
      }
      %mul3A_367 = arith.constant 4 : i32
      %mul3A_368 = arith.muli %mul3A_367, %scan3A_316 : i32
      %add3A_369 = arith.constant 3 : i32
      %add3A_370 = arith.addi %mul3A_368, %add3A_369 : i32
      %mul3A_371 = arith.constant 40 : i32
      %mul3A_372 = arith.muli %add3A_370, %mul3A_371 : i32
      %dma_wait3A_373 = tpu.memref_slice %arg11[%mul3A_372] : memref<1280xi32, #tpu.memory_space<vmem>> -> memref<40xi32, #tpu.memory_space<vmem>>
      %dma_wait3A_374 = arith.constant 0 : i32
      %dma_wait3A_375 = arith.constant 0 : i32
      %dma_wait3A_376 = tpu.memref_slice %arg2[%dma_wait3A_374, %dma_wait3A_375] : memref<10000x128xf32, #tpu.memory_space<hbm>> -> memref<10000x128xf32, #tpu.memory_space<hbm>>
      tpu.wait_indirect_dma semaphore(%arg17 : memref<!tpu.dma_semaphore, #tpu.memory_space<semaphore_mem>>) src(%dma_wait3A_376 : memref<10000x128xf32, #tpu.memory_space<hbm>>) dst(%arg10 : memref<40x128xf32, #tpu.memory_space<vmem>>)
      %mul3A_377 = arith.constant 40 : i32
      %mul3A_378 = arith.muli %add3A_370, %mul3A_377 : i32
      "tpu.region"() ({
        %run_scoped3A = tpu.sem_alloc : memref<!tpu.dma_semaphore, #tpu.memory_space<semaphore_mem>>
        %dma_start3A_384 = tpu.memref_slice %arg12[%mul3A_378] : memref<1280xi32, #tpu.memory_space<vmem>> -> memref<40xi32, #tpu.memory_space<vmem>>
        %dma_start3A_385 = arith.constant 0 : i32
        %dma_start3A_386 = arith.constant 0 : i32
        %dma_start3A_387 = tpu.memref_slice %arg13[%dma_start3A_385, %dma_start3A_386] : memref<10240x128xf32, #tpu.memory_space<vmem_shared>> -> memref<10240x128xf32, #tpu.memory_space<vmem_shared>>
        tpu.enqueue_indirect_dma source(%arg10 : memref<40x128xf32, #tpu.memory_space<vmem>>) target(%dma_start3A_387 : memref<10240x128xf32, #tpu.memory_space<vmem_shared>>) offsets(%dma_start3A_384 : memref<40xi32, #tpu.memory_space<vmem>>) semaphore(%run_scoped3A : memref<!tpu.dma_semaphore, #tpu.memory_space<semaphore_mem>>) {add = true}
        %dma_wait3A_388 = tpu.memref_slice %arg12[%mul3A_378] : memref<1280xi32, #tpu.memory_space<vmem>> -> memref<40xi32, #tpu.memory_space<vmem>>
        %dma_wait3A_389 = arith.constant 0 : i32
        %dma_wait3A_390 = arith.constant 0 : i32
        %dma_wait3A_391 = tpu.memref_slice %arg13[%dma_wait3A_389, %dma_wait3A_390] : memref<10240x128xf32, #tpu.memory_space<vmem_shared>> -> memref<10240x128xf32, #tpu.memory_space<vmem_shared>>
        tpu.wait_indirect_dma semaphore(%run_scoped3A : memref<!tpu.dma_semaphore, #tpu.memory_space<semaphore_mem>>) src(%arg10 : memref<40x128xf32, #tpu.memory_space<vmem>>) dst(%dma_wait3A_391 : memref<10240x128xf32, #tpu.memory_space<vmem_shared>>)
        tpu.yield
      }) : () -> ()
      %lt3A_379 = arith.constant 7 : i32
      %lt3A_380 = arith.cmpi slt, %scan3A_316, %lt3A_379 : i32
      %convert_element_type3A_381 = arith.extui %lt3A_380 : i1 to i32
      %cond3A_382 = arith.constant 0 : i32
      %cond3A_383 = arith.cmpi ne, %convert_element_type3A_381, %cond3A_382 : i32
      scf.if %cond3A_383 {
        %add3A_384 = arith.constant 4 : i32
        %add3A_385 = arith.addi %add3A_370, %add3A_384 : i32
        %mul3A_386 = arith.constant 40 : i32
        %mul3A_387 = arith.muli %add3A_385, %mul3A_386 : i32
        %dma_start3A_388 = tpu.memref_slice %arg11[%mul3A_387] : memref<1280xi32, #tpu.memory_space<vmem>> -> memref<40xi32, #tpu.memory_space<vmem>>
        %dma_start3A_389 = arith.constant 0 : i32
        %dma_start3A_390 = arith.constant 0 : i32
        %dma_start3A_391 = tpu.memref_slice %arg2[%dma_start3A_389, %dma_start3A_390] : memref<10000x128xf32, #tpu.memory_space<hbm>> -> memref<10000x128xf32, #tpu.memory_space<hbm>>
        tpu.enqueue_indirect_dma source(%dma_start3A_391 : memref<10000x128xf32, #tpu.memory_space<hbm>>) target(%arg10 : memref<40x128xf32, #tpu.memory_space<vmem>>) offsets(%dma_start3A_388 : memref<40xi32, #tpu.memory_space<vmem>>) semaphore(%arg17 : memref<!tpu.dma_semaphore, #tpu.memory_space<semaphore_mem>>)
      } else {
      }
    }
    %scan3A_152 = arith.constant 8 : i32
    %add3A_153 = arith.constant 128 : i32
    %add3A_154 = arith.addi %mul3A_4, %add3A_153 : i32
    %mul3A_155 = arith.constant 40 : i32
    %mul3A_156 = arith.muli %add3A_154, %mul3A_155 : i32
    %not3A_157 = arith.constant true
    %not3A_158 = arith.xori %eq3A_15, %not3A_157 : i1
    %convert_element_type3A_159 = arith.extui %not3A_158 : i1 to i32
    %cond3A_160 = arith.constant 0 : i32
    %cond3A_161 = arith.cmpi ne, %convert_element_type3A_159, %cond3A_160 : i32
    scf.if %cond3A_161 {
      "tpu.region"() ({
        %run_scoped3A = tpu.sem_alloc : memref<!tpu.dma_semaphore, #tpu.memory_space<semaphore_mem>>
        %dma_start3A_318 = tpu.memref_slice %arg3[%mul3A_156] : memref<640000xi32, #tpu.memory_space<hbm>> -> memref<1280xi32, #tpu.memory_space<hbm>>
        %dma_start3A_319 = tpu.memref_slice %arg3[%mul3A_156] : memref<640000xi32, #tpu.memory_space<hbm>> -> memref<1280xi32, #tpu.memory_space<hbm>>
        tpu.enqueue_dma source(%dma_start3A_319 : memref<1280xi32, #tpu.memory_space<hbm>>) target(%arg11 : memref<1280xi32, #tpu.memory_space<vmem>>) target_semaphore(%run_scoped3A : memref<!tpu.dma_semaphore, #tpu.memory_space<semaphore_mem>>)
        %dma_wait3A = tpu.memref_slice %arg3[%mul3A_156] : memref<640000xi32, #tpu.memory_space<hbm>> -> memref<1280xi32, #tpu.memory_space<hbm>>
        %dma_wait3A_320 = tpu.memref_slice %arg3[%mul3A_156] : memref<640000xi32, #tpu.memory_space<hbm>> -> memref<1280xi32, #tpu.memory_space<hbm>>
        tpu.wait_dma2 semaphore(%run_scoped3A : memref<!tpu.dma_semaphore, #tpu.memory_space<semaphore_mem>>) src(%dma_wait3A_320 : memref<1280xi32, #tpu.memory_space<hbm>>) dst(%arg11 : memref<1280xi32, #tpu.memory_space<vmem>>)
        tpu.yield
      }) : () -> ()
      %add3A_316 = arith.constant 320000 : i32
      %add3A_317 = arith.addi %add3A_316, %mul3A_156 : i32
      "tpu.region"() ({
        %run_scoped3A = tpu.sem_alloc : memref<!tpu.dma_semaphore, #tpu.memory_space<semaphore_mem>>
        %dma_start3A_318 = tpu.memref_slice %arg3[%add3A_317] : memref<640000xi32, #tpu.memory_space<hbm>> -> memref<1280xi32, #tpu.memory_space<hbm>>
        %dma_start3A_319 = tpu.memref_slice %arg3[%add3A_317] : memref<640000xi32, #tpu.memory_space<hbm>> -> memref<1280xi32, #tpu.memory_space<hbm>>
        tpu.enqueue_dma source(%dma_start3A_319 : memref<1280xi32, #tpu.memory_space<hbm>>) target(%arg12 : memref<1280xi32, #tpu.memory_space<vmem>>) target_semaphore(%run_scoped3A : memref<!tpu.dma_semaphore, #tpu.memory_space<semaphore_mem>>)
        %dma_wait3A = tpu.memref_slice %arg3[%add3A_317] : memref<640000xi32, #tpu.memory_space<hbm>> -> memref<1280xi32, #tpu.memory_space<hbm>>
        %dma_wait3A_320 = tpu.memref_slice %arg3[%add3A_317] : memref<640000xi32, #tpu.memory_space<hbm>> -> memref<1280xi32, #tpu.memory_space<hbm>>
        tpu.wait_dma2 semaphore(%run_scoped3A : memref<!tpu.dma_semaphore, #tpu.memory_space<semaphore_mem>>) src(%dma_wait3A_320 : memref<1280xi32, #tpu.memory_space<hbm>>) dst(%arg12 : memref<1280xi32, #tpu.memory_space<vmem>>)
        tpu.yield
      }) : () -> ()
    } else {
    }
    %convert_element_type3A_162 = arith.extui %eq3A_15 : i1 to i32
    %cond3A_163 = arith.constant 0 : i32
    %cond3A_164 = arith.cmpi ne, %convert_element_type3A_162, %cond3A_163 : i32
    scf.if %cond3A_164 {
      "tpu.region"() ({
        %run_scoped3A = tpu.sem_alloc : memref<!tpu.dma_semaphore, #tpu.memory_space<semaphore_mem>>
        %dma_start3A_316 = arith.constant 2560 : i32
        %dma_start3A_317 = tpu.memref_slice %arg4[%dma_start3A_316] : memref<7680xi32, #tpu.memory_space<hbm>> -> memref<1280xi32, #tpu.memory_space<hbm>>
        %dma_start3A_318 = arith.constant 2560 : i32
        %dma_start3A_319 = tpu.memref_slice %arg4[%dma_start3A_318] : memref<7680xi32, #tpu.memory_space<hbm>> -> memref<1280xi32, #tpu.memory_space<hbm>>
        tpu.enqueue_dma source(%dma_start3A_319 : memref<1280xi32, #tpu.memory_space<hbm>>) target(%arg11 : memref<1280xi32, #tpu.memory_space<vmem>>) target_semaphore(%run_scoped3A : memref<!tpu.dma_semaphore, #tpu.memory_space<semaphore_mem>>)
        %dma_wait3A = arith.constant 2560 : i32
        %dma_wait3A_320 = tpu.memref_slice %arg4[%dma_wait3A] : memref<7680xi32, #tpu.memory_space<hbm>> -> memref<1280xi32, #tpu.memory_space<hbm>>
        %dma_wait3A_321 = arith.constant 2560 : i32
        %dma_wait3A_322 = tpu.memref_slice %arg4[%dma_wait3A_321] : memref<7680xi32, #tpu.memory_space<hbm>> -> memref<1280xi32, #tpu.memory_space<hbm>>
        tpu.wait_dma2 semaphore(%run_scoped3A : memref<!tpu.dma_semaphore, #tpu.memory_space<semaphore_mem>>) src(%dma_wait3A_322 : memref<1280xi32, #tpu.memory_space<hbm>>) dst(%arg11 : memref<1280xi32, #tpu.memory_space<vmem>>)
        tpu.yield
      }) : () -> ()
      "tpu.region"() ({
        %run_scoped3A = tpu.sem_alloc : memref<!tpu.dma_semaphore, #tpu.memory_space<semaphore_mem>>
        %dma_start3A_316 = arith.constant 2560 : i32
        %dma_start3A_317 = tpu.memref_slice %arg5[%dma_start3A_316] : memref<7680xi32, #tpu.memory_space<hbm>> -> memref<1280xi32, #tpu.memory_space<hbm>>
        %dma_start3A_318 = arith.constant 2560 : i32
        %dma_start3A_319 = tpu.memref_slice %arg5[%dma_start3A_318] : memref<7680xi32, #tpu.memory_space<hbm>> -> memref<1280xi32, #tpu.memory_space<hbm>>
        tpu.enqueue_dma source(%dma_start3A_319 : memref<1280xi32, #tpu.memory_space<hbm>>) target(%arg12 : memref<1280xi32, #tpu.memory_space<vmem>>) target_semaphore(%run_scoped3A : memref<!tpu.dma_semaphore, #tpu.memory_space<semaphore_mem>>)
        %dma_wait3A = arith.constant 2560 : i32
        %dma_wait3A_320 = tpu.memref_slice %arg5[%dma_wait3A] : memref<7680xi32, #tpu.memory_space<hbm>> -> memref<1280xi32, #tpu.memory_space<hbm>>
        %dma_wait3A_321 = arith.constant 2560 : i32
        %dma_wait3A_322 = tpu.memref_slice %arg5[%dma_wait3A_321] : memref<7680xi32, #tpu.memory_space<hbm>> -> memref<1280xi32, #tpu.memory_space<hbm>>
        tpu.wait_dma2 semaphore(%run_scoped3A : memref<!tpu.dma_semaphore, #tpu.memory_space<semaphore_mem>>) src(%dma_wait3A_322 : memref<1280xi32, #tpu.memory_space<hbm>>) dst(%arg12 : memref<1280xi32, #tpu.memory_space<vmem>>)
        tpu.yield
      }) : () -> ()
    } else {
    }
    %dma_start3A_165 = arith.constant 0 : i32
    %dma_start3A_166 = tpu.memref_slice %arg11[%dma_start3A_165] : memref<1280xi32, #tpu.memory_space<vmem>> -> memref<40xi32, #tpu.memory_space<vmem>>
    %dma_start3A_167 = arith.constant 0 : i32
    %dma_start3A_168 = arith.constant 0 : i32
    %dma_start3A_169 = tpu.memref_slice %arg2[%dma_start3A_167, %dma_start3A_168] : memref<10000x128xf32, #tpu.memory_space<hbm>> -> memref<10000x128xf32, #tpu.memory_space<hbm>>
    tpu.enqueue_indirect_dma source(%dma_start3A_169 : memref<10000x128xf32, #tpu.memory_space<hbm>>) target(%arg7 : memref<40x128xf32, #tpu.memory_space<vmem>>) offsets(%dma_start3A_166 : memref<40xi32, #tpu.memory_space<vmem>>) semaphore(%arg14 : memref<!tpu.dma_semaphore, #tpu.memory_space<semaphore_mem>>)
    %dma_start3A_170 = arith.constant 40 : i32
    %dma_start3A_171 = tpu.memref_slice %arg11[%dma_start3A_170] : memref<1280xi32, #tpu.memory_space<vmem>> -> memref<40xi32, #tpu.memory_space<vmem>>
    %dma_start3A_172 = arith.constant 0 : i32
    %dma_start3A_173 = arith.constant 0 : i32
    %dma_start3A_174 = tpu.memref_slice %arg2[%dma_start3A_172, %dma_start3A_173] : memref<10000x128xf32, #tpu.memory_space<hbm>> -> memref<10000x128xf32, #tpu.memory_space<hbm>>
    tpu.enqueue_indirect_dma source(%dma_start3A_174 : memref<10000x128xf32, #tpu.memory_space<hbm>>) target(%arg8 : memref<40x128xf32, #tpu.memory_space<vmem>>) offsets(%dma_start3A_171 : memref<40xi32, #tpu.memory_space<vmem>>) semaphore(%arg15 : memref<!tpu.dma_semaphore, #tpu.memory_space<semaphore_mem>>)
    %dma_start3A_175 = arith.constant 80 : i32
    %dma_start3A_176 = tpu.memref_slice %arg11[%dma_start3A_175] : memref<1280xi32, #tpu.memory_space<vmem>> -> memref<40xi32, #tpu.memory_space<vmem>>
    %dma_start3A_177 = arith.constant 0 : i32
    %dma_start3A_178 = arith.constant 0 : i32
    %dma_start3A_179 = tpu.memref_slice %arg2[%dma_start3A_177, %dma_start3A_178] : memref<10000x128xf32, #tpu.memory_space<hbm>> -> memref<10000x128xf32, #tpu.memory_space<hbm>>
    tpu.enqueue_indirect_dma source(%dma_start3A_179 : memref<10000x128xf32, #tpu.memory_space<hbm>>) target(%arg9 : memref<40x128xf32, #tpu.memory_space<vmem>>) offsets(%dma_start3A_176 : memref<40xi32, #tpu.memory_space<vmem>>) semaphore(%arg16 : memref<!tpu.dma_semaphore, #tpu.memory_space<semaphore_mem>>)
    %dma_start3A_180 = arith.constant 120 : i32
    %dma_start3A_181 = tpu.memref_slice %arg11[%dma_start3A_180] : memref<1280xi32, #tpu.memory_space<vmem>> -> memref<40xi32, #tpu.memory_space<vmem>>
    %dma_start3A_182 = arith.constant 0 : i32
    %dma_start3A_183 = arith.constant 0 : i32
    %dma_start3A_184 = tpu.memref_slice %arg2[%dma_start3A_182, %dma_start3A_183] : memref<10000x128xf32, #tpu.memory_space<hbm>> -> memref<10000x128xf32, #tpu.memory_space<hbm>>
    tpu.enqueue_indirect_dma source(%dma_start3A_184 : memref<10000x128xf32, #tpu.memory_space<hbm>>) target(%arg10 : memref<40x128xf32, #tpu.memory_space<vmem>>) offsets(%dma_start3A_181 : memref<40xi32, #tpu.memory_space<vmem>>) semaphore(%arg17 : memref<!tpu.dma_semaphore, #tpu.memory_space<semaphore_mem>>)
    %scan3A_185 = arith.constant 0 : i32
    %scan3A_186 = arith.constant 0 : i32
    %scan3A_187 = arith.constant 8 : i32
    %scan3A_188 = arith.addi %scan3A_186, %scan3A_187 : i32
    %scan3A_189 = arith.constant 1 : i32
    scf.for %scan3A_316 = %scan3A_186 to %scan3A_188 step %scan3A_189  : i32 {
      %mul3A_317 = arith.constant 4 : i32
      %mul3A_318 = arith.muli %mul3A_317, %scan3A_316 : i32
      %add3A_319 = arith.constant 0 : i32
      %add3A_320 = arith.addi %mul3A_318, %add3A_319 : i32
      %mul3A_321 = arith.constant 40 : i32
      %mul3A_322 = arith.muli %add3A_320, %mul3A_321 : i32
      %dma_wait3A = tpu.memref_slice %arg11[%mul3A_322] : memref<1280xi32, #tpu.memory_space<vmem>> -> memref<40xi32, #tpu.memory_space<vmem>>
      %dma_wait3A_323 = arith.constant 0 : i32
      %dma_wait3A_324 = arith.constant 0 : i32
      %dma_wait3A_325 = tpu.memref_slice %arg2[%dma_wait3A_323, %dma_wait3A_324] : memref<10000x128xf32, #tpu.memory_space<hbm>> -> memref<10000x128xf32, #tpu.memory_space<hbm>>
      tpu.wait_indirect_dma semaphore(%arg14 : memref<!tpu.dma_semaphore, #tpu.memory_space<semaphore_mem>>) src(%dma_wait3A_325 : memref<10000x128xf32, #tpu.memory_space<hbm>>) dst(%arg7 : memref<40x128xf32, #tpu.memory_space<vmem>>)
      %mul3A_326 = arith.constant 40 : i32
      %mul3A_327 = arith.muli %add3A_320, %mul3A_326 : i32
      "tpu.region"() ({
        %run_scoped3A = tpu.sem_alloc : memref<!tpu.dma_semaphore, #tpu.memory_space<semaphore_mem>>
        %dma_start3A_384 = tpu.memref_slice %arg12[%mul3A_327] : memref<1280xi32, #tpu.memory_space<vmem>> -> memref<40xi32, #tpu.memory_space<vmem>>
        %dma_start3A_385 = arith.constant 0 : i32
        %dma_start3A_386 = arith.constant 0 : i32
        %dma_start3A_387 = tpu.memref_slice %arg13[%dma_start3A_385, %dma_start3A_386] : memref<10240x128xf32, #tpu.memory_space<vmem_shared>> -> memref<10240x128xf32, #tpu.memory_space<vmem_shared>>
        tpu.enqueue_indirect_dma source(%arg7 : memref<40x128xf32, #tpu.memory_space<vmem>>) target(%dma_start3A_387 : memref<10240x128xf32, #tpu.memory_space<vmem_shared>>) offsets(%dma_start3A_384 : memref<40xi32, #tpu.memory_space<vmem>>) semaphore(%run_scoped3A : memref<!tpu.dma_semaphore, #tpu.memory_space<semaphore_mem>>) {add = true}
        %dma_wait3A_388 = tpu.memref_slice %arg12[%mul3A_327] : memref<1280xi32, #tpu.memory_space<vmem>> -> memref<40xi32, #tpu.memory_space<vmem>>
        %dma_wait3A_389 = arith.constant 0 : i32
        %dma_wait3A_390 = arith.constant 0 : i32
        %dma_wait3A_391 = tpu.memref_slice %arg13[%dma_wait3A_389, %dma_wait3A_390] : memref<10240x128xf32, #tpu.memory_space<vmem_shared>> -> memref<10240x128xf32, #tpu.memory_space<vmem_shared>>
        tpu.wait_indirect_dma semaphore(%run_scoped3A : memref<!tpu.dma_semaphore, #tpu.memory_space<semaphore_mem>>) src(%arg7 : memref<40x128xf32, #tpu.memory_space<vmem>>) dst(%dma_wait3A_391 : memref<10240x128xf32, #tpu.memory_space<vmem_shared>>)
        tpu.yield
      }) : () -> ()
      %lt3A_328 = arith.constant 7 : i32
      %lt3A_329 = arith.cmpi slt, %scan3A_316, %lt3A_328 : i32
      %convert_element_type3A_330 = arith.extui %lt3A_329 : i1 to i32
      %cond3A_331 = arith.constant 0 : i32
      %cond3A_332 = arith.cmpi ne, %convert_element_type3A_330, %cond3A_331 : i32
      scf.if %cond3A_332 {
        %add3A_384 = arith.constant 4 : i32
        %add3A_385 = arith.addi %add3A_320, %add3A_384 : i32
        %mul3A_386 = arith.constant 40 : i32
        %mul3A_387 = arith.muli %add3A_385, %mul3A_386 : i32
        %dma_start3A_388 = tpu.memref_slice %arg11[%mul3A_387] : memref<1280xi32, #tpu.memory_space<vmem>> -> memref<40xi32, #tpu.memory_space<vmem>>
        %dma_start3A_389 = arith.constant 0 : i32
        %dma_start3A_390 = arith.constant 0 : i32
        %dma_start3A_391 = tpu.memref_slice %arg2[%dma_start3A_389, %dma_start3A_390] : memref<10000x128xf32, #tpu.memory_space<hbm>> -> memref<10000x128xf32, #tpu.memory_space<hbm>>
        tpu.enqueue_indirect_dma source(%dma_start3A_391 : memref<10000x128xf32, #tpu.memory_space<hbm>>) target(%arg7 : memref<40x128xf32, #tpu.memory_space<vmem>>) offsets(%dma_start3A_388 : memref<40xi32, #tpu.memory_space<vmem>>) semaphore(%arg14 : memref<!tpu.dma_semaphore, #tpu.memory_space<semaphore_mem>>)
      } else {
      }
      %mul3A_333 = arith.constant 4 : i32
      %mul3A_334 = arith.muli %mul3A_333, %scan3A_316 : i32
      %add3A_335 = arith.constant 1 : i32
      %add3A_336 = arith.addi %mul3A_334, %add3A_335 : i32
      %mul3A_337 = arith.constant 40 : i32
      %mul3A_338 = arith.muli %add3A_336, %mul3A_337 : i32
      %dma_wait3A_339 = tpu.memref_slice %arg11[%mul3A_338] : memref<1280xi32, #tpu.memory_space<vmem>> -> memref<40xi32, #tpu.memory_space<vmem>>
      %dma_wait3A_340 = arith.constant 0 : i32
      %dma_wait3A_341 = arith.constant 0 : i32
      %dma_wait3A_342 = tpu.memref_slice %arg2[%dma_wait3A_340, %dma_wait3A_341] : memref<10000x128xf32, #tpu.memory_space<hbm>> -> memref<10000x128xf32, #tpu.memory_space<hbm>>
      tpu.wait_indirect_dma semaphore(%arg15 : memref<!tpu.dma_semaphore, #tpu.memory_space<semaphore_mem>>) src(%dma_wait3A_342 : memref<10000x128xf32, #tpu.memory_space<hbm>>) dst(%arg8 : memref<40x128xf32, #tpu.memory_space<vmem>>)
      %mul3A_343 = arith.constant 40 : i32
      %mul3A_344 = arith.muli %add3A_336, %mul3A_343 : i32
      "tpu.region"() ({
        %run_scoped3A = tpu.sem_alloc : memref<!tpu.dma_semaphore, #tpu.memory_space<semaphore_mem>>
        %dma_start3A_384 = tpu.memref_slice %arg12[%mul3A_344] : memref<1280xi32, #tpu.memory_space<vmem>> -> memref<40xi32, #tpu.memory_space<vmem>>
        %dma_start3A_385 = arith.constant 0 : i32
        %dma_start3A_386 = arith.constant 0 : i32
        %dma_start3A_387 = tpu.memref_slice %arg13[%dma_start3A_385, %dma_start3A_386] : memref<10240x128xf32, #tpu.memory_space<vmem_shared>> -> memref<10240x128xf32, #tpu.memory_space<vmem_shared>>
        tpu.enqueue_indirect_dma source(%arg8 : memref<40x128xf32, #tpu.memory_space<vmem>>) target(%dma_start3A_387 : memref<10240x128xf32, #tpu.memory_space<vmem_shared>>) offsets(%dma_start3A_384 : memref<40xi32, #tpu.memory_space<vmem>>) semaphore(%run_scoped3A : memref<!tpu.dma_semaphore, #tpu.memory_space<semaphore_mem>>) {add = true}
        %dma_wait3A_388 = tpu.memref_slice %arg12[%mul3A_344] : memref<1280xi32, #tpu.memory_space<vmem>> -> memref<40xi32, #tpu.memory_space<vmem>>
        %dma_wait3A_389 = arith.constant 0 : i32
        %dma_wait3A_390 = arith.constant 0 : i32
        %dma_wait3A_391 = tpu.memref_slice %arg13[%dma_wait3A_389, %dma_wait3A_390] : memref<10240x128xf32, #tpu.memory_space<vmem_shared>> -> memref<10240x128xf32, #tpu.memory_space<vmem_shared>>
        tpu.wait_indirect_dma semaphore(%run_scoped3A : memref<!tpu.dma_semaphore, #tpu.memory_space<semaphore_mem>>) src(%arg8 : memref<40x128xf32, #tpu.memory_space<vmem>>) dst(%dma_wait3A_391 : memref<10240x128xf32, #tpu.memory_space<vmem_shared>>)
        tpu.yield
      }) : () -> ()
      %lt3A_345 = arith.constant 7 : i32
      %lt3A_346 = arith.cmpi slt, %scan3A_316, %lt3A_345 : i32
      %convert_element_type3A_347 = arith.extui %lt3A_346 : i1 to i32
      %cond3A_348 = arith.constant 0 : i32
      %cond3A_349 = arith.cmpi ne, %convert_element_type3A_347, %cond3A_348 : i32
      scf.if %cond3A_349 {
        %add3A_384 = arith.constant 4 : i32
        %add3A_385 = arith.addi %add3A_336, %add3A_384 : i32
        %mul3A_386 = arith.constant 40 : i32
        %mul3A_387 = arith.muli %add3A_385, %mul3A_386 : i32
        %dma_start3A_388 = tpu.memref_slice %arg11[%mul3A_387] : memref<1280xi32, #tpu.memory_space<vmem>> -> memref<40xi32, #tpu.memory_space<vmem>>
        %dma_start3A_389 = arith.constant 0 : i32
        %dma_start3A_390 = arith.constant 0 : i32
        %dma_start3A_391 = tpu.memref_slice %arg2[%dma_start3A_389, %dma_start3A_390] : memref<10000x128xf32, #tpu.memory_space<hbm>> -> memref<10000x128xf32, #tpu.memory_space<hbm>>
        tpu.enqueue_indirect_dma source(%dma_start3A_391 : memref<10000x128xf32, #tpu.memory_space<hbm>>) target(%arg8 : memref<40x128xf32, #tpu.memory_space<vmem>>) offsets(%dma_start3A_388 : memref<40xi32, #tpu.memory_space<vmem>>) semaphore(%arg15 : memref<!tpu.dma_semaphore, #tpu.memory_space<semaphore_mem>>)
      } else {
      }
      %mul3A_350 = arith.constant 4 : i32
      %mul3A_351 = arith.muli %mul3A_350, %scan3A_316 : i32
      %add3A_352 = arith.constant 2 : i32
      %add3A_353 = arith.addi %mul3A_351, %add3A_352 : i32
      %mul3A_354 = arith.constant 40 : i32
      %mul3A_355 = arith.muli %add3A_353, %mul3A_354 : i32
      %dma_wait3A_356 = tpu.memref_slice %arg11[%mul3A_355] : memref<1280xi32, #tpu.memory_space<vmem>> -> memref<40xi32, #tpu.memory_space<vmem>>
      %dma_wait3A_357 = arith.constant 0 : i32
      %dma_wait3A_358 = arith.constant 0 : i32
      %dma_wait3A_359 = tpu.memref_slice %arg2[%dma_wait3A_357, %dma_wait3A_358] : memref<10000x128xf32, #tpu.memory_space<hbm>> -> memref<10000x128xf32, #tpu.memory_space<hbm>>
      tpu.wait_indirect_dma semaphore(%arg16 : memref<!tpu.dma_semaphore, #tpu.memory_space<semaphore_mem>>) src(%dma_wait3A_359 : memref<10000x128xf32, #tpu.memory_space<hbm>>) dst(%arg9 : memref<40x128xf32, #tpu.memory_space<vmem>>)
      %mul3A_360 = arith.constant 40 : i32
      %mul3A_361 = arith.muli %add3A_353, %mul3A_360 : i32
      "tpu.region"() ({
        %run_scoped3A = tpu.sem_alloc : memref<!tpu.dma_semaphore, #tpu.memory_space<semaphore_mem>>
        %dma_start3A_384 = tpu.memref_slice %arg12[%mul3A_361] : memref<1280xi32, #tpu.memory_space<vmem>> -> memref<40xi32, #tpu.memory_space<vmem>>
        %dma_start3A_385 = arith.constant 0 : i32
        %dma_start3A_386 = arith.constant 0 : i32
        %dma_start3A_387 = tpu.memref_slice %arg13[%dma_start3A_385, %dma_start3A_386] : memref<10240x128xf32, #tpu.memory_space<vmem_shared>> -> memref<10240x128xf32, #tpu.memory_space<vmem_shared>>
        tpu.enqueue_indirect_dma source(%arg9 : memref<40x128xf32, #tpu.memory_space<vmem>>) target(%dma_start3A_387 : memref<10240x128xf32, #tpu.memory_space<vmem_shared>>) offsets(%dma_start3A_384 : memref<40xi32, #tpu.memory_space<vmem>>) semaphore(%run_scoped3A : memref<!tpu.dma_semaphore, #tpu.memory_space<semaphore_mem>>) {add = true}
        %dma_wait3A_388 = tpu.memref_slice %arg12[%mul3A_361] : memref<1280xi32, #tpu.memory_space<vmem>> -> memref<40xi32, #tpu.memory_space<vmem>>
        %dma_wait3A_389 = arith.constant 0 : i32
        %dma_wait3A_390 = arith.constant 0 : i32
        %dma_wait3A_391 = tpu.memref_slice %arg13[%dma_wait3A_389, %dma_wait3A_390] : memref<10240x128xf32, #tpu.memory_space<vmem_shared>> -> memref<10240x128xf32, #tpu.memory_space<vmem_shared>>
        tpu.wait_indirect_dma semaphore(%run_scoped3A : memref<!tpu.dma_semaphore, #tpu.memory_space<semaphore_mem>>) src(%arg9 : memref<40x128xf32, #tpu.memory_space<vmem>>) dst(%dma_wait3A_391 : memref<10240x128xf32, #tpu.memory_space<vmem_shared>>)
        tpu.yield
      }) : () -> ()
      %lt3A_362 = arith.constant 7 : i32
      %lt3A_363 = arith.cmpi slt, %scan3A_316, %lt3A_362 : i32
      %convert_element_type3A_364 = arith.extui %lt3A_363 : i1 to i32
      %cond3A_365 = arith.constant 0 : i32
      %cond3A_366 = arith.cmpi ne, %convert_element_type3A_364, %cond3A_365 : i32
      scf.if %cond3A_366 {
        %add3A_384 = arith.constant 4 : i32
        %add3A_385 = arith.addi %add3A_353, %add3A_384 : i32
        %mul3A_386 = arith.constant 40 : i32
        %mul3A_387 = arith.muli %add3A_385, %mul3A_386 : i32
        %dma_start3A_388 = tpu.memref_slice %arg11[%mul3A_387] : memref<1280xi32, #tpu.memory_space<vmem>> -> memref<40xi32, #tpu.memory_space<vmem>>
        %dma_start3A_389 = arith.constant 0 : i32
        %dma_start3A_390 = arith.constant 0 : i32
        %dma_start3A_391 = tpu.memref_slice %arg2[%dma_start3A_389, %dma_start3A_390] : memref<10000x128xf32, #tpu.memory_space<hbm>> -> memref<10000x128xf32, #tpu.memory_space<hbm>>
        tpu.enqueue_indirect_dma source(%dma_start3A_391 : memref<10000x128xf32, #tpu.memory_space<hbm>>) target(%arg9 : memref<40x128xf32, #tpu.memory_space<vmem>>) offsets(%dma_start3A_388 : memref<40xi32, #tpu.memory_space<vmem>>) semaphore(%arg16 : memref<!tpu.dma_semaphore, #tpu.memory_space<semaphore_mem>>)
      } else {
      }
      %mul3A_367 = arith.constant 4 : i32
      %mul3A_368 = arith.muli %mul3A_367, %scan3A_316 : i32
      %add3A_369 = arith.constant 3 : i32
      %add3A_370 = arith.addi %mul3A_368, %add3A_369 : i32
      %mul3A_371 = arith.constant 40 : i32
      %mul3A_372 = arith.muli %add3A_370, %mul3A_371 : i32
      %dma_wait3A_373 = tpu.memref_slice %arg11[%mul3A_372] : memref<1280xi32, #tpu.memory_space<vmem>> -> memref<40xi32, #tpu.memory_space<vmem>>
      %dma_wait3A_374 = arith.constant 0 : i32
      %dma_wait3A_375 = arith.constant 0 : i32
      %dma_wait3A_376 = tpu.memref_slice %arg2[%dma_wait3A_374, %dma_wait3A_375] : memref<10000x128xf32, #tpu.memory_space<hbm>> -> memref<10000x128xf32, #tpu.memory_space<hbm>>
      tpu.wait_indirect_dma semaphore(%arg17 : memref<!tpu.dma_semaphore, #tpu.memory_space<semaphore_mem>>) src(%dma_wait3A_376 : memref<10000x128xf32, #tpu.memory_space<hbm>>) dst(%arg10 : memref<40x128xf32, #tpu.memory_space<vmem>>)
      %mul3A_377 = arith.constant 40 : i32
      %mul3A_378 = arith.muli %add3A_370, %mul3A_377 : i32
      "tpu.region"() ({
        %run_scoped3A = tpu.sem_alloc : memref<!tpu.dma_semaphore, #tpu.memory_space<semaphore_mem>>
        %dma_start3A_384 = tpu.memref_slice %arg12[%mul3A_378] : memref<1280xi32, #tpu.memory_space<vmem>> -> memref<40xi32, #tpu.memory_space<vmem>>
        %dma_start3A_385 = arith.constant 0 : i32
        %dma_start3A_386 = arith.constant 0 : i32
        %dma_start3A_387 = tpu.memref_slice %arg13[%dma_start3A_385, %dma_start3A_386] : memref<10240x128xf32, #tpu.memory_space<vmem_shared>> -> memref<10240x128xf32, #tpu.memory_space<vmem_shared>>
        tpu.enqueue_indirect_dma source(%arg10 : memref<40x128xf32, #tpu.memory_space<vmem>>) target(%dma_start3A_387 : memref<10240x128xf32, #tpu.memory_space<vmem_shared>>) offsets(%dma_start3A_384 : memref<40xi32, #tpu.memory_space<vmem>>) semaphore(%run_scoped3A : memref<!tpu.dma_semaphore, #tpu.memory_space<semaphore_mem>>) {add = true}
        %dma_wait3A_388 = tpu.memref_slice %arg12[%mul3A_378] : memref<1280xi32, #tpu.memory_space<vmem>> -> memref<40xi32, #tpu.memory_space<vmem>>
        %dma_wait3A_389 = arith.constant 0 : i32
        %dma_wait3A_390 = arith.constant 0 : i32
        %dma_wait3A_391 = tpu.memref_slice %arg13[%dma_wait3A_389, %dma_wait3A_390] : memref<10240x128xf32, #tpu.memory_space<vmem_shared>> -> memref<10240x128xf32, #tpu.memory_space<vmem_shared>>
        tpu.wait_indirect_dma semaphore(%run_scoped3A : memref<!tpu.dma_semaphore, #tpu.memory_space<semaphore_mem>>) src(%arg10 : memref<40x128xf32, #tpu.memory_space<vmem>>) dst(%dma_wait3A_391 : memref<10240x128xf32, #tpu.memory_space<vmem_shared>>)
        tpu.yield
      }) : () -> ()
      %lt3A_379 = arith.constant 7 : i32
      %lt3A_380 = arith.cmpi slt, %scan3A_316, %lt3A_379 : i32
      %convert_element_type3A_381 = arith.extui %lt3A_380 : i1 to i32
      %cond3A_382 = arith.constant 0 : i32
      %cond3A_383 = arith.cmpi ne, %convert_element_type3A_381, %cond3A_382 : i32
      scf.if %cond3A_383 {
        %add3A_384 = arith.constant 4 : i32
        %add3A_385 = arith.addi %add3A_370, %add3A_384 : i32
        %mul3A_386 = arith.constant 40 : i32
        %mul3A_387 = arith.muli %add3A_385, %mul3A_386 : i32
        %dma_start3A_388 = tpu.memref_slice %arg11[%mul3A_387] : memref<1280xi32, #tpu.memory_space<vmem>> -> memref<40xi32, #tpu.memory_space<vmem>>
        %dma_start3A_389 = arith.constant 0 : i32
        %dma_start3A_390 = arith.constant 0 : i32
        %dma_start3A_391 = tpu.memref_slice %arg2[%dma_start3A_389, %dma_start3A_390] : memref<10000x128xf32, #tpu.memory_space<hbm>> -> memref<10000x128xf32, #tpu.memory_space<hbm>>
        tpu.enqueue_indirect_dma source(%dma_start3A_391 : memref<10000x128xf32, #tpu.memory_space<hbm>>) target(%arg10 : memref<40x128xf32, #tpu.memory_space<vmem>>) offsets(%dma_start3A_388 : memref<40xi32, #tpu.memory_space<vmem>>) semaphore(%arg17 : memref<!tpu.dma_semaphore, #tpu.memory_space<semaphore_mem>>)
      } else {
      }
    }
    %scan3A_190 = arith.constant 8 : i32
    %add3A_191 = arith.constant 160 : i32
    %add3A_192 = arith.addi %mul3A_4, %add3A_191 : i32
    %mul3A_193 = arith.constant 40 : i32
    %mul3A_194 = arith.muli %add3A_192, %mul3A_193 : i32
    %not3A_195 = arith.constant true
    %not3A_196 = arith.xori %eq3A_15, %not3A_195 : i1
    %convert_element_type3A_197 = arith.extui %not3A_196 : i1 to i32
    %cond3A_198 = arith.constant 0 : i32
    %cond3A_199 = arith.cmpi ne, %convert_element_type3A_197, %cond3A_198 : i32
    scf.if %cond3A_199 {
      "tpu.region"() ({
        %run_scoped3A = tpu.sem_alloc : memref<!tpu.dma_semaphore, #tpu.memory_space<semaphore_mem>>
        %dma_start3A_318 = tpu.memref_slice %arg3[%mul3A_194] : memref<640000xi32, #tpu.memory_space<hbm>> -> memref<1280xi32, #tpu.memory_space<hbm>>
        %dma_start3A_319 = tpu.memref_slice %arg3[%mul3A_194] : memref<640000xi32, #tpu.memory_space<hbm>> -> memref<1280xi32, #tpu.memory_space<hbm>>
        tpu.enqueue_dma source(%dma_start3A_319 : memref<1280xi32, #tpu.memory_space<hbm>>) target(%arg11 : memref<1280xi32, #tpu.memory_space<vmem>>) target_semaphore(%run_scoped3A : memref<!tpu.dma_semaphore, #tpu.memory_space<semaphore_mem>>)
        %dma_wait3A = tpu.memref_slice %arg3[%mul3A_194] : memref<640000xi32, #tpu.memory_space<hbm>> -> memref<1280xi32, #tpu.memory_space<hbm>>
        %dma_wait3A_320 = tpu.memref_slice %arg3[%mul3A_194] : memref<640000xi32, #tpu.memory_space<hbm>> -> memref<1280xi32, #tpu.memory_space<hbm>>
        tpu.wait_dma2 semaphore(%run_scoped3A : memref<!tpu.dma_semaphore, #tpu.memory_space<semaphore_mem>>) src(%dma_wait3A_320 : memref<1280xi32, #tpu.memory_space<hbm>>) dst(%arg11 : memref<1280xi32, #tpu.memory_space<vmem>>)
        tpu.yield
      }) : () -> ()
      %add3A_316 = arith.constant 320000 : i32
      %add3A_317 = arith.addi %add3A_316, %mul3A_194 : i32
      "tpu.region"() ({
        %run_scoped3A = tpu.sem_alloc : memref<!tpu.dma_semaphore, #tpu.memory_space<semaphore_mem>>
        %dma_start3A_318 = tpu.memref_slice %arg3[%add3A_317] : memref<640000xi32, #tpu.memory_space<hbm>> -> memref<1280xi32, #tpu.memory_space<hbm>>
        %dma_start3A_319 = tpu.memref_slice %arg3[%add3A_317] : memref<640000xi32, #tpu.memory_space<hbm>> -> memref<1280xi32, #tpu.memory_space<hbm>>
        tpu.enqueue_dma source(%dma_start3A_319 : memref<1280xi32, #tpu.memory_space<hbm>>) target(%arg12 : memref<1280xi32, #tpu.memory_space<vmem>>) target_semaphore(%run_scoped3A : memref<!tpu.dma_semaphore, #tpu.memory_space<semaphore_mem>>)
        %dma_wait3A = tpu.memref_slice %arg3[%add3A_317] : memref<640000xi32, #tpu.memory_space<hbm>> -> memref<1280xi32, #tpu.memory_space<hbm>>
        %dma_wait3A_320 = tpu.memref_slice %arg3[%add3A_317] : memref<640000xi32, #tpu.memory_space<hbm>> -> memref<1280xi32, #tpu.memory_space<hbm>>
        tpu.wait_dma2 semaphore(%run_scoped3A : memref<!tpu.dma_semaphore, #tpu.memory_space<semaphore_mem>>) src(%dma_wait3A_320 : memref<1280xi32, #tpu.memory_space<hbm>>) dst(%arg12 : memref<1280xi32, #tpu.memory_space<vmem>>)
        tpu.yield
      }) : () -> ()
    } else {
    }
    %convert_element_type3A_200 = arith.extui %eq3A_15 : i1 to i32
    %cond3A_201 = arith.constant 0 : i32
    %cond3A_202 = arith.cmpi ne, %convert_element_type3A_200, %cond3A_201 : i32
    scf.if %cond3A_202 {
      "tpu.region"() ({
        %run_scoped3A = tpu.sem_alloc : memref<!tpu.dma_semaphore, #tpu.memory_space<semaphore_mem>>
        %dma_start3A_316 = arith.constant 3840 : i32
        %dma_start3A_317 = tpu.memref_slice %arg4[%dma_start3A_316] : memref<7680xi32, #tpu.memory_space<hbm>> -> memref<1280xi32, #tpu.memory_space<hbm>>
        %dma_start3A_318 = arith.constant 3840 : i32
        %dma_start3A_319 = tpu.memref_slice %arg4[%dma_start3A_318] : memref<7680xi32, #tpu.memory_space<hbm>> -> memref<1280xi32, #tpu.memory_space<hbm>>
        tpu.enqueue_dma source(%dma_start3A_319 : memref<1280xi32, #tpu.memory_space<hbm>>) target(%arg11 : memref<1280xi32, #tpu.memory_space<vmem>>) target_semaphore(%run_scoped3A : memref<!tpu.dma_semaphore, #tpu.memory_space<semaphore_mem>>)
        %dma_wait3A = arith.constant 3840 : i32
        %dma_wait3A_320 = tpu.memref_slice %arg4[%dma_wait3A] : memref<7680xi32, #tpu.memory_space<hbm>> -> memref<1280xi32, #tpu.memory_space<hbm>>
        %dma_wait3A_321 = arith.constant 3840 : i32
        %dma_wait3A_322 = tpu.memref_slice %arg4[%dma_wait3A_321] : memref<7680xi32, #tpu.memory_space<hbm>> -> memref<1280xi32, #tpu.memory_space<hbm>>
        tpu.wait_dma2 semaphore(%run_scoped3A : memref<!tpu.dma_semaphore, #tpu.memory_space<semaphore_mem>>) src(%dma_wait3A_322 : memref<1280xi32, #tpu.memory_space<hbm>>) dst(%arg11 : memref<1280xi32, #tpu.memory_space<vmem>>)
        tpu.yield
      }) : () -> ()
      "tpu.region"() ({
        %run_scoped3A = tpu.sem_alloc : memref<!tpu.dma_semaphore, #tpu.memory_space<semaphore_mem>>
        %dma_start3A_316 = arith.constant 3840 : i32
        %dma_start3A_317 = tpu.memref_slice %arg5[%dma_start3A_316] : memref<7680xi32, #tpu.memory_space<hbm>> -> memref<1280xi32, #tpu.memory_space<hbm>>
        %dma_start3A_318 = arith.constant 3840 : i32
        %dma_start3A_319 = tpu.memref_slice %arg5[%dma_start3A_318] : memref<7680xi32, #tpu.memory_space<hbm>> -> memref<1280xi32, #tpu.memory_space<hbm>>
        tpu.enqueue_dma source(%dma_start3A_319 : memref<1280xi32, #tpu.memory_space<hbm>>) target(%arg12 : memref<1280xi32, #tpu.memory_space<vmem>>) target_semaphore(%run_scoped3A : memref<!tpu.dma_semaphore, #tpu.memory_space<semaphore_mem>>)
        %dma_wait3A = arith.constant 3840 : i32
        %dma_wait3A_320 = tpu.memref_slice %arg5[%dma_wait3A] : memref<7680xi32, #tpu.memory_space<hbm>> -> memref<1280xi32, #tpu.memory_space<hbm>>
        %dma_wait3A_321 = arith.constant 3840 : i32
        %dma_wait3A_322 = tpu.memref_slice %arg5[%dma_wait3A_321] : memref<7680xi32, #tpu.memory_space<hbm>> -> memref<1280xi32, #tpu.memory_space<hbm>>
        tpu.wait_dma2 semaphore(%run_scoped3A : memref<!tpu.dma_semaphore, #tpu.memory_space<semaphore_mem>>) src(%dma_wait3A_322 : memref<1280xi32, #tpu.memory_space<hbm>>) dst(%arg12 : memref<1280xi32, #tpu.memory_space<vmem>>)
        tpu.yield
      }) : () -> ()
    } else {
    }
    %dma_start3A_203 = arith.constant 0 : i32
    %dma_start3A_204 = tpu.memref_slice %arg11[%dma_start3A_203] : memref<1280xi32, #tpu.memory_space<vmem>> -> memref<40xi32, #tpu.memory_space<vmem>>
    %dma_start3A_205 = arith.constant 0 : i32
    %dma_start3A_206 = arith.constant 0 : i32
    %dma_start3A_207 = tpu.memref_slice %arg2[%dma_start3A_205, %dma_start3A_206] : memref<10000x128xf32, #tpu.memory_space<hbm>> -> memref<10000x128xf32, #tpu.memory_space<hbm>>
    tpu.enqueue_indirect_dma source(%dma_start3A_207 : memref<10000x128xf32, #tpu.memory_space<hbm>>) target(%arg7 : memref<40x128xf32, #tpu.memory_space<vmem>>) offsets(%dma_start3A_204 : memref<40xi32, #tpu.memory_space<vmem>>) semaphore(%arg14 : memref<!tpu.dma_semaphore, #tpu.memory_space<semaphore_mem>>)
    %dma_start3A_208 = arith.constant 40 : i32
    %dma_start3A_209 = tpu.memref_slice %arg11[%dma_start3A_208] : memref<1280xi32, #tpu.memory_space<vmem>> -> memref<40xi32, #tpu.memory_space<vmem>>
    %dma_start3A_210 = arith.constant 0 : i32
    %dma_start3A_211 = arith.constant 0 : i32
    %dma_start3A_212 = tpu.memref_slice %arg2[%dma_start3A_210, %dma_start3A_211] : memref<10000x128xf32, #tpu.memory_space<hbm>> -> memref<10000x128xf32, #tpu.memory_space<hbm>>
    tpu.enqueue_indirect_dma source(%dma_start3A_212 : memref<10000x128xf32, #tpu.memory_space<hbm>>) target(%arg8 : memref<40x128xf32, #tpu.memory_space<vmem>>) offsets(%dma_start3A_209 : memref<40xi32, #tpu.memory_space<vmem>>) semaphore(%arg15 : memref<!tpu.dma_semaphore, #tpu.memory_space<semaphore_mem>>)
    %dma_start3A_213 = arith.constant 80 : i32
    %dma_start3A_214 = tpu.memref_slice %arg11[%dma_start3A_213] : memref<1280xi32, #tpu.memory_space<vmem>> -> memref<40xi32, #tpu.memory_space<vmem>>
    %dma_start3A_215 = arith.constant 0 : i32
    %dma_start3A_216 = arith.constant 0 : i32
    %dma_start3A_217 = tpu.memref_slice %arg2[%dma_start3A_215, %dma_start3A_216] : memref<10000x128xf32, #tpu.memory_space<hbm>> -> memref<10000x128xf32, #tpu.memory_space<hbm>>
    tpu.enqueue_indirect_dma source(%dma_start3A_217 : memref<10000x128xf32, #tpu.memory_space<hbm>>) target(%arg9 : memref<40x128xf32, #tpu.memory_space<vmem>>) offsets(%dma_start3A_214 : memref<40xi32, #tpu.memory_space<vmem>>) semaphore(%arg16 : memref<!tpu.dma_semaphore, #tpu.memory_space<semaphore_mem>>)
    %dma_start3A_218 = arith.constant 120 : i32
    %dma_start3A_219 = tpu.memref_slice %arg11[%dma_start3A_218] : memref<1280xi32, #tpu.memory_space<vmem>> -> memref<40xi32, #tpu.memory_space<vmem>>
    %dma_start3A_220 = arith.constant 0 : i32
    %dma_start3A_221 = arith.constant 0 : i32
    %dma_start3A_222 = tpu.memref_slice %arg2[%dma_start3A_220, %dma_start3A_221] : memref<10000x128xf32, #tpu.memory_space<hbm>> -> memref<10000x128xf32, #tpu.memory_space<hbm>>
    tpu.enqueue_indirect_dma source(%dma_start3A_222 : memref<10000x128xf32, #tpu.memory_space<hbm>>) target(%arg10 : memref<40x128xf32, #tpu.memory_space<vmem>>) offsets(%dma_start3A_219 : memref<40xi32, #tpu.memory_space<vmem>>) semaphore(%arg17 : memref<!tpu.dma_semaphore, #tpu.memory_space<semaphore_mem>>)
    %scan3A_223 = arith.constant 0 : i32
    %scan3A_224 = arith.constant 0 : i32
    %scan3A_225 = arith.constant 8 : i32
    %scan3A_226 = arith.addi %scan3A_224, %scan3A_225 : i32
    %scan3A_227 = arith.constant 1 : i32
    scf.for %scan3A_316 = %scan3A_224 to %scan3A_226 step %scan3A_227  : i32 {
      %mul3A_317 = arith.constant 4 : i32
      %mul3A_318 = arith.muli %mul3A_317, %scan3A_316 : i32
      %add3A_319 = arith.constant 0 : i32
      %add3A_320 = arith.addi %mul3A_318, %add3A_319 : i32
      %mul3A_321 = arith.constant 40 : i32
      %mul3A_322 = arith.muli %add3A_320, %mul3A_321 : i32
      %dma_wait3A = tpu.memref_slice %arg11[%mul3A_322] : memref<1280xi32, #tpu.memory_space<vmem>> -> memref<40xi32, #tpu.memory_space<vmem>>
      %dma_wait3A_323 = arith.constant 0 : i32
      %dma_wait3A_324 = arith.constant 0 : i32
      %dma_wait3A_325 = tpu.memref_slice %arg2[%dma_wait3A_323, %dma_wait3A_324] : memref<10000x128xf32, #tpu.memory_space<hbm>> -> memref<10000x128xf32, #tpu.memory_space<hbm>>
      tpu.wait_indirect_dma semaphore(%arg14 : memref<!tpu.dma_semaphore, #tpu.memory_space<semaphore_mem>>) src(%dma_wait3A_325 : memref<10000x128xf32, #tpu.memory_space<hbm>>) dst(%arg7 : memref<40x128xf32, #tpu.memory_space<vmem>>)
      %mul3A_326 = arith.constant 40 : i32
      %mul3A_327 = arith.muli %add3A_320, %mul3A_326 : i32
      "tpu.region"() ({
        %run_scoped3A = tpu.sem_alloc : memref<!tpu.dma_semaphore, #tpu.memory_space<semaphore_mem>>
        %dma_start3A_384 = tpu.memref_slice %arg12[%mul3A_327] : memref<1280xi32, #tpu.memory_space<vmem>> -> memref<40xi32, #tpu.memory_space<vmem>>
        %dma_start3A_385 = arith.constant 0 : i32
        %dma_start3A_386 = arith.constant 0 : i32
        %dma_start3A_387 = tpu.memref_slice %arg13[%dma_start3A_385, %dma_start3A_386] : memref<10240x128xf32, #tpu.memory_space<vmem_shared>> -> memref<10240x128xf32, #tpu.memory_space<vmem_shared>>
        tpu.enqueue_indirect_dma source(%arg7 : memref<40x128xf32, #tpu.memory_space<vmem>>) target(%dma_start3A_387 : memref<10240x128xf32, #tpu.memory_space<vmem_shared>>) offsets(%dma_start3A_384 : memref<40xi32, #tpu.memory_space<vmem>>) semaphore(%run_scoped3A : memref<!tpu.dma_semaphore, #tpu.memory_space<semaphore_mem>>) {add = true}
        %dma_wait3A_388 = tpu.memref_slice %arg12[%mul3A_327] : memref<1280xi32, #tpu.memory_space<vmem>> -> memref<40xi32, #tpu.memory_space<vmem>>
        %dma_wait3A_389 = arith.constant 0 : i32
        %dma_wait3A_390 = arith.constant 0 : i32
        %dma_wait3A_391 = tpu.memref_slice %arg13[%dma_wait3A_389, %dma_wait3A_390] : memref<10240x128xf32, #tpu.memory_space<vmem_shared>> -> memref<10240x128xf32, #tpu.memory_space<vmem_shared>>
        tpu.wait_indirect_dma semaphore(%run_scoped3A : memref<!tpu.dma_semaphore, #tpu.memory_space<semaphore_mem>>) src(%arg7 : memref<40x128xf32, #tpu.memory_space<vmem>>) dst(%dma_wait3A_391 : memref<10240x128xf32, #tpu.memory_space<vmem_shared>>)
        tpu.yield
      }) : () -> ()
      %lt3A_328 = arith.constant 7 : i32
      %lt3A_329 = arith.cmpi slt, %scan3A_316, %lt3A_328 : i32
      %convert_element_type3A_330 = arith.extui %lt3A_329 : i1 to i32
      %cond3A_331 = arith.constant 0 : i32
      %cond3A_332 = arith.cmpi ne, %convert_element_type3A_330, %cond3A_331 : i32
      scf.if %cond3A_332 {
        %add3A_384 = arith.constant 4 : i32
        %add3A_385 = arith.addi %add3A_320, %add3A_384 : i32
        %mul3A_386 = arith.constant 40 : i32
        %mul3A_387 = arith.muli %add3A_385, %mul3A_386 : i32
        %dma_start3A_388 = tpu.memref_slice %arg11[%mul3A_387] : memref<1280xi32, #tpu.memory_space<vmem>> -> memref<40xi32, #tpu.memory_space<vmem>>
        %dma_start3A_389 = arith.constant 0 : i32
        %dma_start3A_390 = arith.constant 0 : i32
        %dma_start3A_391 = tpu.memref_slice %arg2[%dma_start3A_389, %dma_start3A_390] : memref<10000x128xf32, #tpu.memory_space<hbm>> -> memref<10000x128xf32, #tpu.memory_space<hbm>>
        tpu.enqueue_indirect_dma source(%dma_start3A_391 : memref<10000x128xf32, #tpu.memory_space<hbm>>) target(%arg7 : memref<40x128xf32, #tpu.memory_space<vmem>>) offsets(%dma_start3A_388 : memref<40xi32, #tpu.memory_space<vmem>>) semaphore(%arg14 : memref<!tpu.dma_semaphore, #tpu.memory_space<semaphore_mem>>)
      } else {
      }
      %mul3A_333 = arith.constant 4 : i32
      %mul3A_334 = arith.muli %mul3A_333, %scan3A_316 : i32
      %add3A_335 = arith.constant 1 : i32
      %add3A_336 = arith.addi %mul3A_334, %add3A_335 : i32
      %mul3A_337 = arith.constant 40 : i32
      %mul3A_338 = arith.muli %add3A_336, %mul3A_337 : i32
      %dma_wait3A_339 = tpu.memref_slice %arg11[%mul3A_338] : memref<1280xi32, #tpu.memory_space<vmem>> -> memref<40xi32, #tpu.memory_space<vmem>>
      %dma_wait3A_340 = arith.constant 0 : i32
      %dma_wait3A_341 = arith.constant 0 : i32
      %dma_wait3A_342 = tpu.memref_slice %arg2[%dma_wait3A_340, %dma_wait3A_341] : memref<10000x128xf32, #tpu.memory_space<hbm>> -> memref<10000x128xf32, #tpu.memory_space<hbm>>
      tpu.wait_indirect_dma semaphore(%arg15 : memref<!tpu.dma_semaphore, #tpu.memory_space<semaphore_mem>>) src(%dma_wait3A_342 : memref<10000x128xf32, #tpu.memory_space<hbm>>) dst(%arg8 : memref<40x128xf32, #tpu.memory_space<vmem>>)
      %mul3A_343 = arith.constant 40 : i32
      %mul3A_344 = arith.muli %add3A_336, %mul3A_343 : i32
      "tpu.region"() ({
        %run_scoped3A = tpu.sem_alloc : memref<!tpu.dma_semaphore, #tpu.memory_space<semaphore_mem>>
        %dma_start3A_384 = tpu.memref_slice %arg12[%mul3A_344] : memref<1280xi32, #tpu.memory_space<vmem>> -> memref<40xi32, #tpu.memory_space<vmem>>
        %dma_start3A_385 = arith.constant 0 : i32
        %dma_start3A_386 = arith.constant 0 : i32
        %dma_start3A_387 = tpu.memref_slice %arg13[%dma_start3A_385, %dma_start3A_386] : memref<10240x128xf32, #tpu.memory_space<vmem_shared>> -> memref<10240x128xf32, #tpu.memory_space<vmem_shared>>
        tpu.enqueue_indirect_dma source(%arg8 : memref<40x128xf32, #tpu.memory_space<vmem>>) target(%dma_start3A_387 : memref<10240x128xf32, #tpu.memory_space<vmem_shared>>) offsets(%dma_start3A_384 : memref<40xi32, #tpu.memory_space<vmem>>) semaphore(%run_scoped3A : memref<!tpu.dma_semaphore, #tpu.memory_space<semaphore_mem>>) {add = true}
        %dma_wait3A_388 = tpu.memref_slice %arg12[%mul3A_344] : memref<1280xi32, #tpu.memory_space<vmem>> -> memref<40xi32, #tpu.memory_space<vmem>>
        %dma_wait3A_389 = arith.constant 0 : i32
        %dma_wait3A_390 = arith.constant 0 : i32
        %dma_wait3A_391 = tpu.memref_slice %arg13[%dma_wait3A_389, %dma_wait3A_390] : memref<10240x128xf32, #tpu.memory_space<vmem_shared>> -> memref<10240x128xf32, #tpu.memory_space<vmem_shared>>
        tpu.wait_indirect_dma semaphore(%run_scoped3A : memref<!tpu.dma_semaphore, #tpu.memory_space<semaphore_mem>>) src(%arg8 : memref<40x128xf32, #tpu.memory_space<vmem>>) dst(%dma_wait3A_391 : memref<10240x128xf32, #tpu.memory_space<vmem_shared>>)
        tpu.yield
      }) : () -> ()
      %lt3A_345 = arith.constant 7 : i32
      %lt3A_346 = arith.cmpi slt, %scan3A_316, %lt3A_345 : i32
      %convert_element_type3A_347 = arith.extui %lt3A_346 : i1 to i32
      %cond3A_348 = arith.constant 0 : i32
      %cond3A_349 = arith.cmpi ne, %convert_element_type3A_347, %cond3A_348 : i32
      scf.if %cond3A_349 {
        %add3A_384 = arith.constant 4 : i32
        %add3A_385 = arith.addi %add3A_336, %add3A_384 : i32
        %mul3A_386 = arith.constant 40 : i32
        %mul3A_387 = arith.muli %add3A_385, %mul3A_386 : i32
        %dma_start3A_388 = tpu.memref_slice %arg11[%mul3A_387] : memref<1280xi32, #tpu.memory_space<vmem>> -> memref<40xi32, #tpu.memory_space<vmem>>
        %dma_start3A_389 = arith.constant 0 : i32
        %dma_start3A_390 = arith.constant 0 : i32
        %dma_start3A_391 = tpu.memref_slice %arg2[%dma_start3A_389, %dma_start3A_390] : memref<10000x128xf32, #tpu.memory_space<hbm>> -> memref<10000x128xf32, #tpu.memory_space<hbm>>
        tpu.enqueue_indirect_dma source(%dma_start3A_391 : memref<10000x128xf32, #tpu.memory_space<hbm>>) target(%arg8 : memref<40x128xf32, #tpu.memory_space<vmem>>) offsets(%dma_start3A_388 : memref<40xi32, #tpu.memory_space<vmem>>) semaphore(%arg15 : memref<!tpu.dma_semaphore, #tpu.memory_space<semaphore_mem>>)
      } else {
      }
      %mul3A_350 = arith.constant 4 : i32
      %mul3A_351 = arith.muli %mul3A_350, %scan3A_316 : i32
      %add3A_352 = arith.constant 2 : i32
      %add3A_353 = arith.addi %mul3A_351, %add3A_352 : i32
      %mul3A_354 = arith.constant 40 : i32
      %mul3A_355 = arith.muli %add3A_353, %mul3A_354 : i32
      %dma_wait3A_356 = tpu.memref_slice %arg11[%mul3A_355] : memref<1280xi32, #tpu.memory_space<vmem>> -> memref<40xi32, #tpu.memory_space<vmem>>
      %dma_wait3A_357 = arith.constant 0 : i32
      %dma_wait3A_358 = arith.constant 0 : i32
      %dma_wait3A_359 = tpu.memref_slice %arg2[%dma_wait3A_357, %dma_wait3A_358] : memref<10000x128xf32, #tpu.memory_space<hbm>> -> memref<10000x128xf32, #tpu.memory_space<hbm>>
      tpu.wait_indirect_dma semaphore(%arg16 : memref<!tpu.dma_semaphore, #tpu.memory_space<semaphore_mem>>) src(%dma_wait3A_359 : memref<10000x128xf32, #tpu.memory_space<hbm>>) dst(%arg9 : memref<40x128xf32, #tpu.memory_space<vmem>>)
      %mul3A_360 = arith.constant 40 : i32
      %mul3A_361 = arith.muli %add3A_353, %mul3A_360 : i32
      "tpu.region"() ({
        %run_scoped3A = tpu.sem_alloc : memref<!tpu.dma_semaphore, #tpu.memory_space<semaphore_mem>>
        %dma_start3A_384 = tpu.memref_slice %arg12[%mul3A_361] : memref<1280xi32, #tpu.memory_space<vmem>> -> memref<40xi32, #tpu.memory_space<vmem>>
        %dma_start3A_385 = arith.constant 0 : i32
        %dma_start3A_386 = arith.constant 0 : i32
        %dma_start3A_387 = tpu.memref_slice %arg13[%dma_start3A_385, %dma_start3A_386] : memref<10240x128xf32, #tpu.memory_space<vmem_shared>> -> memref<10240x128xf32, #tpu.memory_space<vmem_shared>>
        tpu.enqueue_indirect_dma source(%arg9 : memref<40x128xf32, #tpu.memory_space<vmem>>) target(%dma_start3A_387 : memref<10240x128xf32, #tpu.memory_space<vmem_shared>>) offsets(%dma_start3A_384 : memref<40xi32, #tpu.memory_space<vmem>>) semaphore(%run_scoped3A : memref<!tpu.dma_semaphore, #tpu.memory_space<semaphore_mem>>) {add = true}
        %dma_wait3A_388 = tpu.memref_slice %arg12[%mul3A_361] : memref<1280xi32, #tpu.memory_space<vmem>> -> memref<40xi32, #tpu.memory_space<vmem>>
        %dma_wait3A_389 = arith.constant 0 : i32
        %dma_wait3A_390 = arith.constant 0 : i32
        %dma_wait3A_391 = tpu.memref_slice %arg13[%dma_wait3A_389, %dma_wait3A_390] : memref<10240x128xf32, #tpu.memory_space<vmem_shared>> -> memref<10240x128xf32, #tpu.memory_space<vmem_shared>>
        tpu.wait_indirect_dma semaphore(%run_scoped3A : memref<!tpu.dma_semaphore, #tpu.memory_space<semaphore_mem>>) src(%arg9 : memref<40x128xf32, #tpu.memory_space<vmem>>) dst(%dma_wait3A_391 : memref<10240x128xf32, #tpu.memory_space<vmem_shared>>)
        tpu.yield
      }) : () -> ()
      %lt3A_362 = arith.constant 7 : i32
      %lt3A_363 = arith.cmpi slt, %scan3A_316, %lt3A_362 : i32
      %convert_element_type3A_364 = arith.extui %lt3A_363 : i1 to i32
      %cond3A_365 = arith.constant 0 : i32
      %cond3A_366 = arith.cmpi ne, %convert_element_type3A_364, %cond3A_365 : i32
      scf.if %cond3A_366 {
        %add3A_384 = arith.constant 4 : i32
        %add3A_385 = arith.addi %add3A_353, %add3A_384 : i32
        %mul3A_386 = arith.constant 40 : i32
        %mul3A_387 = arith.muli %add3A_385, %mul3A_386 : i32
        %dma_start3A_388 = tpu.memref_slice %arg11[%mul3A_387] : memref<1280xi32, #tpu.memory_space<vmem>> -> memref<40xi32, #tpu.memory_space<vmem>>
        %dma_start3A_389 = arith.constant 0 : i32
        %dma_start3A_390 = arith.constant 0 : i32
        %dma_start3A_391 = tpu.memref_slice %arg2[%dma_start3A_389, %dma_start3A_390] : memref<10000x128xf32, #tpu.memory_space<hbm>> -> memref<10000x128xf32, #tpu.memory_space<hbm>>
        tpu.enqueue_indirect_dma source(%dma_start3A_391 : memref<10000x128xf32, #tpu.memory_space<hbm>>) target(%arg9 : memref<40x128xf32, #tpu.memory_space<vmem>>) offsets(%dma_start3A_388 : memref<40xi32, #tpu.memory_space<vmem>>) semaphore(%arg16 : memref<!tpu.dma_semaphore, #tpu.memory_space<semaphore_mem>>)
      } else {
      }
      %mul3A_367 = arith.constant 4 : i32
      %mul3A_368 = arith.muli %mul3A_367, %scan3A_316 : i32
      %add3A_369 = arith.constant 3 : i32
      %add3A_370 = arith.addi %mul3A_368, %add3A_369 : i32
      %mul3A_371 = arith.constant 40 : i32
      %mul3A_372 = arith.muli %add3A_370, %mul3A_371 : i32
      %dma_wait3A_373 = tpu.memref_slice %arg11[%mul3A_372] : memref<1280xi32, #tpu.memory_space<vmem>> -> memref<40xi32, #tpu.memory_space<vmem>>
      %dma_wait3A_374 = arith.constant 0 : i32
      %dma_wait3A_375 = arith.constant 0 : i32
      %dma_wait3A_376 = tpu.memref_slice %arg2[%dma_wait3A_374, %dma_wait3A_375] : memref<10000x128xf32, #tpu.memory_space<hbm>> -> memref<10000x128xf32, #tpu.memory_space<hbm>>
      tpu.wait_indirect_dma semaphore(%arg17 : memref<!tpu.dma_semaphore, #tpu.memory_space<semaphore_mem>>) src(%dma_wait3A_376 : memref<10000x128xf32, #tpu.memory_space<hbm>>) dst(%arg10 : memref<40x128xf32, #tpu.memory_space<vmem>>)
      %mul3A_377 = arith.constant 40 : i32
      %mul3A_378 = arith.muli %add3A_370, %mul3A_377 : i32
      "tpu.region"() ({
        %run_scoped3A = tpu.sem_alloc : memref<!tpu.dma_semaphore, #tpu.memory_space<semaphore_mem>>
        %dma_start3A_384 = tpu.memref_slice %arg12[%mul3A_378] : memref<1280xi32, #tpu.memory_space<vmem>> -> memref<40xi32, #tpu.memory_space<vmem>>
        %dma_start3A_385 = arith.constant 0 : i32
        %dma_start3A_386 = arith.constant 0 : i32
        %dma_start3A_387 = tpu.memref_slice %arg13[%dma_start3A_385, %dma_start3A_386] : memref<10240x128xf32, #tpu.memory_space<vmem_shared>> -> memref<10240x128xf32, #tpu.memory_space<vmem_shared>>
        tpu.enqueue_indirect_dma source(%arg10 : memref<40x128xf32, #tpu.memory_space<vmem>>) target(%dma_start3A_387 : memref<10240x128xf32, #tpu.memory_space<vmem_shared>>) offsets(%dma_start3A_384 : memref<40xi32, #tpu.memory_space<vmem>>) semaphore(%run_scoped3A : memref<!tpu.dma_semaphore, #tpu.memory_space<semaphore_mem>>) {add = true}
        %dma_wait3A_388 = tpu.memref_slice %arg12[%mul3A_378] : memref<1280xi32, #tpu.memory_space<vmem>> -> memref<40xi32, #tpu.memory_space<vmem>>
        %dma_wait3A_389 = arith.constant 0 : i32
        %dma_wait3A_390 = arith.constant 0 : i32
        %dma_wait3A_391 = tpu.memref_slice %arg13[%dma_wait3A_389, %dma_wait3A_390] : memref<10240x128xf32, #tpu.memory_space<vmem_shared>> -> memref<10240x128xf32, #tpu.memory_space<vmem_shared>>
        tpu.wait_indirect_dma semaphore(%run_scoped3A : memref<!tpu.dma_semaphore, #tpu.memory_space<semaphore_mem>>) src(%arg10 : memref<40x128xf32, #tpu.memory_space<vmem>>) dst(%dma_wait3A_391 : memref<10240x128xf32, #tpu.memory_space<vmem_shared>>)
        tpu.yield
      }) : () -> ()
      %lt3A_379 = arith.constant 7 : i32
      %lt3A_380 = arith.cmpi slt, %scan3A_316, %lt3A_379 : i32
      %convert_element_type3A_381 = arith.extui %lt3A_380 : i1 to i32
      %cond3A_382 = arith.constant 0 : i32
      %cond3A_383 = arith.cmpi ne, %convert_element_type3A_381, %cond3A_382 : i32
      scf.if %cond3A_383 {
        %add3A_384 = arith.constant 4 : i32
        %add3A_385 = arith.addi %add3A_370, %add3A_384 : i32
        %mul3A_386 = arith.constant 40 : i32
        %mul3A_387 = arith.muli %add3A_385, %mul3A_386 : i32
        %dma_start3A_388 = tpu.memref_slice %arg11[%mul3A_387] : memref<1280xi32, #tpu.memory_space<vmem>> -> memref<40xi32, #tpu.memory_space<vmem>>
        %dma_start3A_389 = arith.constant 0 : i32
        %dma_start3A_390 = arith.constant 0 : i32
        %dma_start3A_391 = tpu.memref_slice %arg2[%dma_start3A_389, %dma_start3A_390] : memref<10000x128xf32, #tpu.memory_space<hbm>> -> memref<10000x128xf32, #tpu.memory_space<hbm>>
        tpu.enqueue_indirect_dma source(%dma_start3A_391 : memref<10000x128xf32, #tpu.memory_space<hbm>>) target(%arg10 : memref<40x128xf32, #tpu.memory_space<vmem>>) offsets(%dma_start3A_388 : memref<40xi32, #tpu.memory_space<vmem>>) semaphore(%arg17 : memref<!tpu.dma_semaphore, #tpu.memory_space<semaphore_mem>>)
      } else {
      }
    }
    %scan3A_228 = arith.constant 8 : i32
    %add3A_229 = arith.constant 192 : i32
    %add3A_230 = arith.addi %mul3A_4, %add3A_229 : i32
    %mul3A_231 = arith.constant 40 : i32
    %mul3A_232 = arith.muli %add3A_230, %mul3A_231 : i32
    %not3A_233 = arith.constant true
    %not3A_234 = arith.xori %eq3A_15, %not3A_233 : i1
    %convert_element_type3A_235 = arith.extui %not3A_234 : i1 to i32
    %cond3A_236 = arith.constant 0 : i32
    %cond3A_237 = arith.cmpi ne, %convert_element_type3A_235, %cond3A_236 : i32
    scf.if %cond3A_237 {
      "tpu.region"() ({
        %run_scoped3A = tpu.sem_alloc : memref<!tpu.dma_semaphore, #tpu.memory_space<semaphore_mem>>
        %dma_start3A_318 = tpu.memref_slice %arg3[%mul3A_232] : memref<640000xi32, #tpu.memory_space<hbm>> -> memref<1280xi32, #tpu.memory_space<hbm>>
        %dma_start3A_319 = tpu.memref_slice %arg3[%mul3A_232] : memref<640000xi32, #tpu.memory_space<hbm>> -> memref<1280xi32, #tpu.memory_space<hbm>>
        tpu.enqueue_dma source(%dma_start3A_319 : memref<1280xi32, #tpu.memory_space<hbm>>) target(%arg11 : memref<1280xi32, #tpu.memory_space<vmem>>) target_semaphore(%run_scoped3A : memref<!tpu.dma_semaphore, #tpu.memory_space<semaphore_mem>>)
        %dma_wait3A = tpu.memref_slice %arg3[%mul3A_232] : memref<640000xi32, #tpu.memory_space<hbm>> -> memref<1280xi32, #tpu.memory_space<hbm>>
        %dma_wait3A_320 = tpu.memref_slice %arg3[%mul3A_232] : memref<640000xi32, #tpu.memory_space<hbm>> -> memref<1280xi32, #tpu.memory_space<hbm>>
        tpu.wait_dma2 semaphore(%run_scoped3A : memref<!tpu.dma_semaphore, #tpu.memory_space<semaphore_mem>>) src(%dma_wait3A_320 : memref<1280xi32, #tpu.memory_space<hbm>>) dst(%arg11 : memref<1280xi32, #tpu.memory_space<vmem>>)
        tpu.yield
      }) : () -> ()
      %add3A_316 = arith.constant 320000 : i32
      %add3A_317 = arith.addi %add3A_316, %mul3A_232 : i32
      "tpu.region"() ({
        %run_scoped3A = tpu.sem_alloc : memref<!tpu.dma_semaphore, #tpu.memory_space<semaphore_mem>>
        %dma_start3A_318 = tpu.memref_slice %arg3[%add3A_317] : memref<640000xi32, #tpu.memory_space<hbm>> -> memref<1280xi32, #tpu.memory_space<hbm>>
        %dma_start3A_319 = tpu.memref_slice %arg3[%add3A_317] : memref<640000xi32, #tpu.memory_space<hbm>> -> memref<1280xi32, #tpu.memory_space<hbm>>
        tpu.enqueue_dma source(%dma_start3A_319 : memref<1280xi32, #tpu.memory_space<hbm>>) target(%arg12 : memref<1280xi32, #tpu.memory_space<vmem>>) target_semaphore(%run_scoped3A : memref<!tpu.dma_semaphore, #tpu.memory_space<semaphore_mem>>)
        %dma_wait3A = tpu.memref_slice %arg3[%add3A_317] : memref<640000xi32, #tpu.memory_space<hbm>> -> memref<1280xi32, #tpu.memory_space<hbm>>
        %dma_wait3A_320 = tpu.memref_slice %arg3[%add3A_317] : memref<640000xi32, #tpu.memory_space<hbm>> -> memref<1280xi32, #tpu.memory_space<hbm>>
        tpu.wait_dma2 semaphore(%run_scoped3A : memref<!tpu.dma_semaphore, #tpu.memory_space<semaphore_mem>>) src(%dma_wait3A_320 : memref<1280xi32, #tpu.memory_space<hbm>>) dst(%arg12 : memref<1280xi32, #tpu.memory_space<vmem>>)
        tpu.yield
      }) : () -> ()
    } else {
    }
    %convert_element_type3A_238 = arith.extui %eq3A_15 : i1 to i32
    %cond3A_239 = arith.constant 0 : i32
    %cond3A_240 = arith.cmpi ne, %convert_element_type3A_238, %cond3A_239 : i32
    scf.if %cond3A_240 {
      "tpu.region"() ({
        %run_scoped3A = tpu.sem_alloc : memref<!tpu.dma_semaphore, #tpu.memory_space<semaphore_mem>>
        %dma_start3A_316 = arith.constant 5120 : i32
        %dma_start3A_317 = tpu.memref_slice %arg4[%dma_start3A_316] : memref<7680xi32, #tpu.memory_space<hbm>> -> memref<1280xi32, #tpu.memory_space<hbm>>
        %dma_start3A_318 = arith.constant 5120 : i32
        %dma_start3A_319 = tpu.memref_slice %arg4[%dma_start3A_318] : memref<7680xi32, #tpu.memory_space<hbm>> -> memref<1280xi32, #tpu.memory_space<hbm>>
        tpu.enqueue_dma source(%dma_start3A_319 : memref<1280xi32, #tpu.memory_space<hbm>>) target(%arg11 : memref<1280xi32, #tpu.memory_space<vmem>>) target_semaphore(%run_scoped3A : memref<!tpu.dma_semaphore, #tpu.memory_space<semaphore_mem>>)
        %dma_wait3A = arith.constant 5120 : i32
        %dma_wait3A_320 = tpu.memref_slice %arg4[%dma_wait3A] : memref<7680xi32, #tpu.memory_space<hbm>> -> memref<1280xi32, #tpu.memory_space<hbm>>
        %dma_wait3A_321 = arith.constant 5120 : i32
        %dma_wait3A_322 = tpu.memref_slice %arg4[%dma_wait3A_321] : memref<7680xi32, #tpu.memory_space<hbm>> -> memref<1280xi32, #tpu.memory_space<hbm>>
        tpu.wait_dma2 semaphore(%run_scoped3A : memref<!tpu.dma_semaphore, #tpu.memory_space<semaphore_mem>>) src(%dma_wait3A_322 : memref<1280xi32, #tpu.memory_space<hbm>>) dst(%arg11 : memref<1280xi32, #tpu.memory_space<vmem>>)
        tpu.yield
      }) : () -> ()
      "tpu.region"() ({
        %run_scoped3A = tpu.sem_alloc : memref<!tpu.dma_semaphore, #tpu.memory_space<semaphore_mem>>
        %dma_start3A_316 = arith.constant 5120 : i32
        %dma_start3A_317 = tpu.memref_slice %arg5[%dma_start3A_316] : memref<7680xi32, #tpu.memory_space<hbm>> -> memref<1280xi32, #tpu.memory_space<hbm>>
        %dma_start3A_318 = arith.constant 5120 : i32
        %dma_start3A_319 = tpu.memref_slice %arg5[%dma_start3A_318] : memref<7680xi32, #tpu.memory_space<hbm>> -> memref<1280xi32, #tpu.memory_space<hbm>>
        tpu.enqueue_dma source(%dma_start3A_319 : memref<1280xi32, #tpu.memory_space<hbm>>) target(%arg12 : memref<1280xi32, #tpu.memory_space<vmem>>) target_semaphore(%run_scoped3A : memref<!tpu.dma_semaphore, #tpu.memory_space<semaphore_mem>>)
        %dma_wait3A = arith.constant 5120 : i32
        %dma_wait3A_320 = tpu.memref_slice %arg5[%dma_wait3A] : memref<7680xi32, #tpu.memory_space<hbm>> -> memref<1280xi32, #tpu.memory_space<hbm>>
        %dma_wait3A_321 = arith.constant 5120 : i32
        %dma_wait3A_322 = tpu.memref_slice %arg5[%dma_wait3A_321] : memref<7680xi32, #tpu.memory_space<hbm>> -> memref<1280xi32, #tpu.memory_space<hbm>>
        tpu.wait_dma2 semaphore(%run_scoped3A : memref<!tpu.dma_semaphore, #tpu.memory_space<semaphore_mem>>) src(%dma_wait3A_322 : memref<1280xi32, #tpu.memory_space<hbm>>) dst(%arg12 : memref<1280xi32, #tpu.memory_space<vmem>>)
        tpu.yield
      }) : () -> ()
    } else {
    }
    %dma_start3A_241 = arith.constant 0 : i32
    %dma_start3A_242 = tpu.memref_slice %arg11[%dma_start3A_241] : memref<1280xi32, #tpu.memory_space<vmem>> -> memref<40xi32, #tpu.memory_space<vmem>>
    %dma_start3A_243 = arith.constant 0 : i32
    %dma_start3A_244 = arith.constant 0 : i32
    %dma_start3A_245 = tpu.memref_slice %arg2[%dma_start3A_243, %dma_start3A_244] : memref<10000x128xf32, #tpu.memory_space<hbm>> -> memref<10000x128xf32, #tpu.memory_space<hbm>>
    tpu.enqueue_indirect_dma source(%dma_start3A_245 : memref<10000x128xf32, #tpu.memory_space<hbm>>) target(%arg7 : memref<40x128xf32, #tpu.memory_space<vmem>>) offsets(%dma_start3A_242 : memref<40xi32, #tpu.memory_space<vmem>>) semaphore(%arg14 : memref<!tpu.dma_semaphore, #tpu.memory_space<semaphore_mem>>)
    %dma_start3A_246 = arith.constant 40 : i32
    %dma_start3A_247 = tpu.memref_slice %arg11[%dma_start3A_246] : memref<1280xi32, #tpu.memory_space<vmem>> -> memref<40xi32, #tpu.memory_space<vmem>>
    %dma_start3A_248 = arith.constant 0 : i32
    %dma_start3A_249 = arith.constant 0 : i32
    %dma_start3A_250 = tpu.memref_slice %arg2[%dma_start3A_248, %dma_start3A_249] : memref<10000x128xf32, #tpu.memory_space<hbm>> -> memref<10000x128xf32, #tpu.memory_space<hbm>>
    tpu.enqueue_indirect_dma source(%dma_start3A_250 : memref<10000x128xf32, #tpu.memory_space<hbm>>) target(%arg8 : memref<40x128xf32, #tpu.memory_space<vmem>>) offsets(%dma_start3A_247 : memref<40xi32, #tpu.memory_space<vmem>>) semaphore(%arg15 : memref<!tpu.dma_semaphore, #tpu.memory_space<semaphore_mem>>)
    %dma_start3A_251 = arith.constant 80 : i32
    %dma_start3A_252 = tpu.memref_slice %arg11[%dma_start3A_251] : memref<1280xi32, #tpu.memory_space<vmem>> -> memref<40xi32, #tpu.memory_space<vmem>>
    %dma_start3A_253 = arith.constant 0 : i32
    %dma_start3A_254 = arith.constant 0 : i32
    %dma_start3A_255 = tpu.memref_slice %arg2[%dma_start3A_253, %dma_start3A_254] : memref<10000x128xf32, #tpu.memory_space<hbm>> -> memref<10000x128xf32, #tpu.memory_space<hbm>>
    tpu.enqueue_indirect_dma source(%dma_start3A_255 : memref<10000x128xf32, #tpu.memory_space<hbm>>) target(%arg9 : memref<40x128xf32, #tpu.memory_space<vmem>>) offsets(%dma_start3A_252 : memref<40xi32, #tpu.memory_space<vmem>>) semaphore(%arg16 : memref<!tpu.dma_semaphore, #tpu.memory_space<semaphore_mem>>)
    %dma_start3A_256 = arith.constant 120 : i32
    %dma_start3A_257 = tpu.memref_slice %arg11[%dma_start3A_256] : memref<1280xi32, #tpu.memory_space<vmem>> -> memref<40xi32, #tpu.memory_space<vmem>>
    %dma_start3A_258 = arith.constant 0 : i32
    %dma_start3A_259 = arith.constant 0 : i32
    %dma_start3A_260 = tpu.memref_slice %arg2[%dma_start3A_258, %dma_start3A_259] : memref<10000x128xf32, #tpu.memory_space<hbm>> -> memref<10000x128xf32, #tpu.memory_space<hbm>>
    tpu.enqueue_indirect_dma source(%dma_start3A_260 : memref<10000x128xf32, #tpu.memory_space<hbm>>) target(%arg10 : memref<40x128xf32, #tpu.memory_space<vmem>>) offsets(%dma_start3A_257 : memref<40xi32, #tpu.memory_space<vmem>>) semaphore(%arg17 : memref<!tpu.dma_semaphore, #tpu.memory_space<semaphore_mem>>)
    %scan3A_261 = arith.constant 0 : i32
    %scan3A_262 = arith.constant 0 : i32
    %scan3A_263 = arith.constant 8 : i32
    %scan3A_264 = arith.addi %scan3A_262, %scan3A_263 : i32
    %scan3A_265 = arith.constant 1 : i32
    scf.for %scan3A_316 = %scan3A_262 to %scan3A_264 step %scan3A_265  : i32 {
      %mul3A_317 = arith.constant 4 : i32
      %mul3A_318 = arith.muli %mul3A_317, %scan3A_316 : i32
      %add3A_319 = arith.constant 0 : i32
      %add3A_320 = arith.addi %mul3A_318, %add3A_319 : i32
      %mul3A_321 = arith.constant 40 : i32
      %mul3A_322 = arith.muli %add3A_320, %mul3A_321 : i32
      %dma_wait3A = tpu.memref_slice %arg11[%mul3A_322] : memref<1280xi32, #tpu.memory_space<vmem>> -> memref<40xi32, #tpu.memory_space<vmem>>
      %dma_wait3A_323 = arith.constant 0 : i32
      %dma_wait3A_324 = arith.constant 0 : i32
      %dma_wait3A_325 = tpu.memref_slice %arg2[%dma_wait3A_323, %dma_wait3A_324] : memref<10000x128xf32, #tpu.memory_space<hbm>> -> memref<10000x128xf32, #tpu.memory_space<hbm>>
      tpu.wait_indirect_dma semaphore(%arg14 : memref<!tpu.dma_semaphore, #tpu.memory_space<semaphore_mem>>) src(%dma_wait3A_325 : memref<10000x128xf32, #tpu.memory_space<hbm>>) dst(%arg7 : memref<40x128xf32, #tpu.memory_space<vmem>>)
      %mul3A_326 = arith.constant 40 : i32
      %mul3A_327 = arith.muli %add3A_320, %mul3A_326 : i32
      "tpu.region"() ({
        %run_scoped3A = tpu.sem_alloc : memref<!tpu.dma_semaphore, #tpu.memory_space<semaphore_mem>>
        %dma_start3A_384 = tpu.memref_slice %arg12[%mul3A_327] : memref<1280xi32, #tpu.memory_space<vmem>> -> memref<40xi32, #tpu.memory_space<vmem>>
        %dma_start3A_385 = arith.constant 0 : i32
        %dma_start3A_386 = arith.constant 0 : i32
        %dma_start3A_387 = tpu.memref_slice %arg13[%dma_start3A_385, %dma_start3A_386] : memref<10240x128xf32, #tpu.memory_space<vmem_shared>> -> memref<10240x128xf32, #tpu.memory_space<vmem_shared>>
        tpu.enqueue_indirect_dma source(%arg7 : memref<40x128xf32, #tpu.memory_space<vmem>>) target(%dma_start3A_387 : memref<10240x128xf32, #tpu.memory_space<vmem_shared>>) offsets(%dma_start3A_384 : memref<40xi32, #tpu.memory_space<vmem>>) semaphore(%run_scoped3A : memref<!tpu.dma_semaphore, #tpu.memory_space<semaphore_mem>>) {add = true}
        %dma_wait3A_388 = tpu.memref_slice %arg12[%mul3A_327] : memref<1280xi32, #tpu.memory_space<vmem>> -> memref<40xi32, #tpu.memory_space<vmem>>
        %dma_wait3A_389 = arith.constant 0 : i32
        %dma_wait3A_390 = arith.constant 0 : i32
        %dma_wait3A_391 = tpu.memref_slice %arg13[%dma_wait3A_389, %dma_wait3A_390] : memref<10240x128xf32, #tpu.memory_space<vmem_shared>> -> memref<10240x128xf32, #tpu.memory_space<vmem_shared>>
        tpu.wait_indirect_dma semaphore(%run_scoped3A : memref<!tpu.dma_semaphore, #tpu.memory_space<semaphore_mem>>) src(%arg7 : memref<40x128xf32, #tpu.memory_space<vmem>>) dst(%dma_wait3A_391 : memref<10240x128xf32, #tpu.memory_space<vmem_shared>>)
        tpu.yield
      }) : () -> ()
      %lt3A_328 = arith.constant 7 : i32
      %lt3A_329 = arith.cmpi slt, %scan3A_316, %lt3A_328 : i32
      %convert_element_type3A_330 = arith.extui %lt3A_329 : i1 to i32
      %cond3A_331 = arith.constant 0 : i32
      %cond3A_332 = arith.cmpi ne, %convert_element_type3A_330, %cond3A_331 : i32
      scf.if %cond3A_332 {
        %add3A_384 = arith.constant 4 : i32
        %add3A_385 = arith.addi %add3A_320, %add3A_384 : i32
        %mul3A_386 = arith.constant 40 : i32
        %mul3A_387 = arith.muli %add3A_385, %mul3A_386 : i32
        %dma_start3A_388 = tpu.memref_slice %arg11[%mul3A_387] : memref<1280xi32, #tpu.memory_space<vmem>> -> memref<40xi32, #tpu.memory_space<vmem>>
        %dma_start3A_389 = arith.constant 0 : i32
        %dma_start3A_390 = arith.constant 0 : i32
        %dma_start3A_391 = tpu.memref_slice %arg2[%dma_start3A_389, %dma_start3A_390] : memref<10000x128xf32, #tpu.memory_space<hbm>> -> memref<10000x128xf32, #tpu.memory_space<hbm>>
        tpu.enqueue_indirect_dma source(%dma_start3A_391 : memref<10000x128xf32, #tpu.memory_space<hbm>>) target(%arg7 : memref<40x128xf32, #tpu.memory_space<vmem>>) offsets(%dma_start3A_388 : memref<40xi32, #tpu.memory_space<vmem>>) semaphore(%arg14 : memref<!tpu.dma_semaphore, #tpu.memory_space<semaphore_mem>>)
      } else {
      }
      %mul3A_333 = arith.constant 4 : i32
      %mul3A_334 = arith.muli %mul3A_333, %scan3A_316 : i32
      %add3A_335 = arith.constant 1 : i32
      %add3A_336 = arith.addi %mul3A_334, %add3A_335 : i32
      %mul3A_337 = arith.constant 40 : i32
      %mul3A_338 = arith.muli %add3A_336, %mul3A_337 : i32
      %dma_wait3A_339 = tpu.memref_slice %arg11[%mul3A_338] : memref<1280xi32, #tpu.memory_space<vmem>> -> memref<40xi32, #tpu.memory_space<vmem>>
      %dma_wait3A_340 = arith.constant 0 : i32
      %dma_wait3A_341 = arith.constant 0 : i32
      %dma_wait3A_342 = tpu.memref_slice %arg2[%dma_wait3A_340, %dma_wait3A_341] : memref<10000x128xf32, #tpu.memory_space<hbm>> -> memref<10000x128xf32, #tpu.memory_space<hbm>>
      tpu.wait_indirect_dma semaphore(%arg15 : memref<!tpu.dma_semaphore, #tpu.memory_space<semaphore_mem>>) src(%dma_wait3A_342 : memref<10000x128xf32, #tpu.memory_space<hbm>>) dst(%arg8 : memref<40x128xf32, #tpu.memory_space<vmem>>)
      %mul3A_343 = arith.constant 40 : i32
      %mul3A_344 = arith.muli %add3A_336, %mul3A_343 : i32
      "tpu.region"() ({
        %run_scoped3A = tpu.sem_alloc : memref<!tpu.dma_semaphore, #tpu.memory_space<semaphore_mem>>
        %dma_start3A_384 = tpu.memref_slice %arg12[%mul3A_344] : memref<1280xi32, #tpu.memory_space<vmem>> -> memref<40xi32, #tpu.memory_space<vmem>>
        %dma_start3A_385 = arith.constant 0 : i32
        %dma_start3A_386 = arith.constant 0 : i32
        %dma_start3A_387 = tpu.memref_slice %arg13[%dma_start3A_385, %dma_start3A_386] : memref<10240x128xf32, #tpu.memory_space<vmem_shared>> -> memref<10240x128xf32, #tpu.memory_space<vmem_shared>>
        tpu.enqueue_indirect_dma source(%arg8 : memref<40x128xf32, #tpu.memory_space<vmem>>) target(%dma_start3A_387 : memref<10240x128xf32, #tpu.memory_space<vmem_shared>>) offsets(%dma_start3A_384 : memref<40xi32, #tpu.memory_space<vmem>>) semaphore(%run_scoped3A : memref<!tpu.dma_semaphore, #tpu.memory_space<semaphore_mem>>) {add = true}
        %dma_wait3A_388 = tpu.memref_slice %arg12[%mul3A_344] : memref<1280xi32, #tpu.memory_space<vmem>> -> memref<40xi32, #tpu.memory_space<vmem>>
        %dma_wait3A_389 = arith.constant 0 : i32
        %dma_wait3A_390 = arith.constant 0 : i32
        %dma_wait3A_391 = tpu.memref_slice %arg13[%dma_wait3A_389, %dma_wait3A_390] : memref<10240x128xf32, #tpu.memory_space<vmem_shared>> -> memref<10240x128xf32, #tpu.memory_space<vmem_shared>>
        tpu.wait_indirect_dma semaphore(%run_scoped3A : memref<!tpu.dma_semaphore, #tpu.memory_space<semaphore_mem>>) src(%arg8 : memref<40x128xf32, #tpu.memory_space<vmem>>) dst(%dma_wait3A_391 : memref<10240x128xf32, #tpu.memory_space<vmem_shared>>)
        tpu.yield
      }) : () -> ()
      %lt3A_345 = arith.constant 7 : i32
      %lt3A_346 = arith.cmpi slt, %scan3A_316, %lt3A_345 : i32
      %convert_element_type3A_347 = arith.extui %lt3A_346 : i1 to i32
      %cond3A_348 = arith.constant 0 : i32
      %cond3A_349 = arith.cmpi ne, %convert_element_type3A_347, %cond3A_348 : i32
      scf.if %cond3A_349 {
        %add3A_384 = arith.constant 4 : i32
        %add3A_385 = arith.addi %add3A_336, %add3A_384 : i32
        %mul3A_386 = arith.constant 40 : i32
        %mul3A_387 = arith.muli %add3A_385, %mul3A_386 : i32
        %dma_start3A_388 = tpu.memref_slice %arg11[%mul3A_387] : memref<1280xi32, #tpu.memory_space<vmem>> -> memref<40xi32, #tpu.memory_space<vmem>>
        %dma_start3A_389 = arith.constant 0 : i32
        %dma_start3A_390 = arith.constant 0 : i32
        %dma_start3A_391 = tpu.memref_slice %arg2[%dma_start3A_389, %dma_start3A_390] : memref<10000x128xf32, #tpu.memory_space<hbm>> -> memref<10000x128xf32, #tpu.memory_space<hbm>>
        tpu.enqueue_indirect_dma source(%dma_start3A_391 : memref<10000x128xf32, #tpu.memory_space<hbm>>) target(%arg8 : memref<40x128xf32, #tpu.memory_space<vmem>>) offsets(%dma_start3A_388 : memref<40xi32, #tpu.memory_space<vmem>>) semaphore(%arg15 : memref<!tpu.dma_semaphore, #tpu.memory_space<semaphore_mem>>)
      } else {
      }
      %mul3A_350 = arith.constant 4 : i32
      %mul3A_351 = arith.muli %mul3A_350, %scan3A_316 : i32
      %add3A_352 = arith.constant 2 : i32
      %add3A_353 = arith.addi %mul3A_351, %add3A_352 : i32
      %mul3A_354 = arith.constant 40 : i32
      %mul3A_355 = arith.muli %add3A_353, %mul3A_354 : i32
      %dma_wait3A_356 = tpu.memref_slice %arg11[%mul3A_355] : memref<1280xi32, #tpu.memory_space<vmem>> -> memref<40xi32, #tpu.memory_space<vmem>>
      %dma_wait3A_357 = arith.constant 0 : i32
      %dma_wait3A_358 = arith.constant 0 : i32
      %dma_wait3A_359 = tpu.memref_slice %arg2[%dma_wait3A_357, %dma_wait3A_358] : memref<10000x128xf32, #tpu.memory_space<hbm>> -> memref<10000x128xf32, #tpu.memory_space<hbm>>
      tpu.wait_indirect_dma semaphore(%arg16 : memref<!tpu.dma_semaphore, #tpu.memory_space<semaphore_mem>>) src(%dma_wait3A_359 : memref<10000x128xf32, #tpu.memory_space<hbm>>) dst(%arg9 : memref<40x128xf32, #tpu.memory_space<vmem>>)
      %mul3A_360 = arith.constant 40 : i32
      %mul3A_361 = arith.muli %add3A_353, %mul3A_360 : i32
      "tpu.region"() ({
        %run_scoped3A = tpu.sem_alloc : memref<!tpu.dma_semaphore, #tpu.memory_space<semaphore_mem>>
        %dma_start3A_384 = tpu.memref_slice %arg12[%mul3A_361] : memref<1280xi32, #tpu.memory_space<vmem>> -> memref<40xi32, #tpu.memory_space<vmem>>
        %dma_start3A_385 = arith.constant 0 : i32
        %dma_start3A_386 = arith.constant 0 : i32
        %dma_start3A_387 = tpu.memref_slice %arg13[%dma_start3A_385, %dma_start3A_386] : memref<10240x128xf32, #tpu.memory_space<vmem_shared>> -> memref<10240x128xf32, #tpu.memory_space<vmem_shared>>
        tpu.enqueue_indirect_dma source(%arg9 : memref<40x128xf32, #tpu.memory_space<vmem>>) target(%dma_start3A_387 : memref<10240x128xf32, #tpu.memory_space<vmem_shared>>) offsets(%dma_start3A_384 : memref<40xi32, #tpu.memory_space<vmem>>) semaphore(%run_scoped3A : memref<!tpu.dma_semaphore, #tpu.memory_space<semaphore_mem>>) {add = true}
        %dma_wait3A_388 = tpu.memref_slice %arg12[%mul3A_361] : memref<1280xi32, #tpu.memory_space<vmem>> -> memref<40xi32, #tpu.memory_space<vmem>>
        %dma_wait3A_389 = arith.constant 0 : i32
        %dma_wait3A_390 = arith.constant 0 : i32
        %dma_wait3A_391 = tpu.memref_slice %arg13[%dma_wait3A_389, %dma_wait3A_390] : memref<10240x128xf32, #tpu.memory_space<vmem_shared>> -> memref<10240x128xf32, #tpu.memory_space<vmem_shared>>
        tpu.wait_indirect_dma semaphore(%run_scoped3A : memref<!tpu.dma_semaphore, #tpu.memory_space<semaphore_mem>>) src(%arg9 : memref<40x128xf32, #tpu.memory_space<vmem>>) dst(%dma_wait3A_391 : memref<10240x128xf32, #tpu.memory_space<vmem_shared>>)
        tpu.yield
      }) : () -> ()
      %lt3A_362 = arith.constant 7 : i32
      %lt3A_363 = arith.cmpi slt, %scan3A_316, %lt3A_362 : i32
      %convert_element_type3A_364 = arith.extui %lt3A_363 : i1 to i32
      %cond3A_365 = arith.constant 0 : i32
      %cond3A_366 = arith.cmpi ne, %convert_element_type3A_364, %cond3A_365 : i32
      scf.if %cond3A_366 {
        %add3A_384 = arith.constant 4 : i32
        %add3A_385 = arith.addi %add3A_353, %add3A_384 : i32
        %mul3A_386 = arith.constant 40 : i32
        %mul3A_387 = arith.muli %add3A_385, %mul3A_386 : i32
        %dma_start3A_388 = tpu.memref_slice %arg11[%mul3A_387] : memref<1280xi32, #tpu.memory_space<vmem>> -> memref<40xi32, #tpu.memory_space<vmem>>
        %dma_start3A_389 = arith.constant 0 : i32
        %dma_start3A_390 = arith.constant 0 : i32
        %dma_start3A_391 = tpu.memref_slice %arg2[%dma_start3A_389, %dma_start3A_390] : memref<10000x128xf32, #tpu.memory_space<hbm>> -> memref<10000x128xf32, #tpu.memory_space<hbm>>
        tpu.enqueue_indirect_dma source(%dma_start3A_391 : memref<10000x128xf32, #tpu.memory_space<hbm>>) target(%arg9 : memref<40x128xf32, #tpu.memory_space<vmem>>) offsets(%dma_start3A_388 : memref<40xi32, #tpu.memory_space<vmem>>) semaphore(%arg16 : memref<!tpu.dma_semaphore, #tpu.memory_space<semaphore_mem>>)
      } else {
      }
      %mul3A_367 = arith.constant 4 : i32
      %mul3A_368 = arith.muli %mul3A_367, %scan3A_316 : i32
      %add3A_369 = arith.constant 3 : i32
      %add3A_370 = arith.addi %mul3A_368, %add3A_369 : i32
      %mul3A_371 = arith.constant 40 : i32
      %mul3A_372 = arith.muli %add3A_370, %mul3A_371 : i32
      %dma_wait3A_373 = tpu.memref_slice %arg11[%mul3A_372] : memref<1280xi32, #tpu.memory_space<vmem>> -> memref<40xi32, #tpu.memory_space<vmem>>
      %dma_wait3A_374 = arith.constant 0 : i32
      %dma_wait3A_375 = arith.constant 0 : i32
      %dma_wait3A_376 = tpu.memref_slice %arg2[%dma_wait3A_374, %dma_wait3A_375] : memref<10000x128xf32, #tpu.memory_space<hbm>> -> memref<10000x128xf32, #tpu.memory_space<hbm>>
      tpu.wait_indirect_dma semaphore(%arg17 : memref<!tpu.dma_semaphore, #tpu.memory_space<semaphore_mem>>) src(%dma_wait3A_376 : memref<10000x128xf32, #tpu.memory_space<hbm>>) dst(%arg10 : memref<40x128xf32, #tpu.memory_space<vmem>>)
      %mul3A_377 = arith.constant 40 : i32
      %mul3A_378 = arith.muli %add3A_370, %mul3A_377 : i32
      "tpu.region"() ({
        %run_scoped3A = tpu.sem_alloc : memref<!tpu.dma_semaphore, #tpu.memory_space<semaphore_mem>>
        %dma_start3A_384 = tpu.memref_slice %arg12[%mul3A_378] : memref<1280xi32, #tpu.memory_space<vmem>> -> memref<40xi32, #tpu.memory_space<vmem>>
        %dma_start3A_385 = arith.constant 0 : i32
        %dma_start3A_386 = arith.constant 0 : i32
        %dma_start3A_387 = tpu.memref_slice %arg13[%dma_start3A_385, %dma_start3A_386] : memref<10240x128xf32, #tpu.memory_space<vmem_shared>> -> memref<10240x128xf32, #tpu.memory_space<vmem_shared>>
        tpu.enqueue_indirect_dma source(%arg10 : memref<40x128xf32, #tpu.memory_space<vmem>>) target(%dma_start3A_387 : memref<10240x128xf32, #tpu.memory_space<vmem_shared>>) offsets(%dma_start3A_384 : memref<40xi32, #tpu.memory_space<vmem>>) semaphore(%run_scoped3A : memref<!tpu.dma_semaphore, #tpu.memory_space<semaphore_mem>>) {add = true}
        %dma_wait3A_388 = tpu.memref_slice %arg12[%mul3A_378] : memref<1280xi32, #tpu.memory_space<vmem>> -> memref<40xi32, #tpu.memory_space<vmem>>
        %dma_wait3A_389 = arith.constant 0 : i32
        %dma_wait3A_390 = arith.constant 0 : i32
        %dma_wait3A_391 = tpu.memref_slice %arg13[%dma_wait3A_389, %dma_wait3A_390] : memref<10240x128xf32, #tpu.memory_space<vmem_shared>> -> memref<10240x128xf32, #tpu.memory_space<vmem_shared>>
        tpu.wait_indirect_dma semaphore(%run_scoped3A : memref<!tpu.dma_semaphore, #tpu.memory_space<semaphore_mem>>) src(%arg10 : memref<40x128xf32, #tpu.memory_space<vmem>>) dst(%dma_wait3A_391 : memref<10240x128xf32, #tpu.memory_space<vmem_shared>>)
        tpu.yield
      }) : () -> ()
      %lt3A_379 = arith.constant 7 : i32
      %lt3A_380 = arith.cmpi slt, %scan3A_316, %lt3A_379 : i32
      %convert_element_type3A_381 = arith.extui %lt3A_380 : i1 to i32
      %cond3A_382 = arith.constant 0 : i32
      %cond3A_383 = arith.cmpi ne, %convert_element_type3A_381, %cond3A_382 : i32
      scf.if %cond3A_383 {
        %add3A_384 = arith.constant 4 : i32
        %add3A_385 = arith.addi %add3A_370, %add3A_384 : i32
        %mul3A_386 = arith.constant 40 : i32
        %mul3A_387 = arith.muli %add3A_385, %mul3A_386 : i32
        %dma_start3A_388 = tpu.memref_slice %arg11[%mul3A_387] : memref<1280xi32, #tpu.memory_space<vmem>> -> memref<40xi32, #tpu.memory_space<vmem>>
        %dma_start3A_389 = arith.constant 0 : i32
        %dma_start3A_390 = arith.constant 0 : i32
        %dma_start3A_391 = tpu.memref_slice %arg2[%dma_start3A_389, %dma_start3A_390] : memref<10000x128xf32, #tpu.memory_space<hbm>> -> memref<10000x128xf32, #tpu.memory_space<hbm>>
        tpu.enqueue_indirect_dma source(%dma_start3A_391 : memref<10000x128xf32, #tpu.memory_space<hbm>>) target(%arg10 : memref<40x128xf32, #tpu.memory_space<vmem>>) offsets(%dma_start3A_388 : memref<40xi32, #tpu.memory_space<vmem>>) semaphore(%arg17 : memref<!tpu.dma_semaphore, #tpu.memory_space<semaphore_mem>>)
      } else {
      }
    }
    %scan3A_266 = arith.constant 8 : i32
    %add3A_267 = arith.constant 224 : i32
    %add3A_268 = arith.addi %mul3A_4, %add3A_267 : i32
    %mul3A_269 = arith.constant 40 : i32
    %mul3A_270 = arith.muli %add3A_268, %mul3A_269 : i32
    %not3A_271 = arith.constant true
    %not3A_272 = arith.xori %eq3A_15, %not3A_271 : i1
    %convert_element_type3A_273 = arith.extui %not3A_272 : i1 to i32
    %cond3A_274 = arith.constant 0 : i32
    %cond3A_275 = arith.cmpi ne, %convert_element_type3A_273, %cond3A_274 : i32
    scf.if %cond3A_275 {
      "tpu.region"() ({
        %run_scoped3A = tpu.sem_alloc : memref<!tpu.dma_semaphore, #tpu.memory_space<semaphore_mem>>
        %dma_start3A_318 = tpu.memref_slice %arg3[%mul3A_270] : memref<640000xi32, #tpu.memory_space<hbm>> -> memref<1280xi32, #tpu.memory_space<hbm>>
        %dma_start3A_319 = tpu.memref_slice %arg3[%mul3A_270] : memref<640000xi32, #tpu.memory_space<hbm>> -> memref<1280xi32, #tpu.memory_space<hbm>>
        tpu.enqueue_dma source(%dma_start3A_319 : memref<1280xi32, #tpu.memory_space<hbm>>) target(%arg11 : memref<1280xi32, #tpu.memory_space<vmem>>) target_semaphore(%run_scoped3A : memref<!tpu.dma_semaphore, #tpu.memory_space<semaphore_mem>>)
        %dma_wait3A = tpu.memref_slice %arg3[%mul3A_270] : memref<640000xi32, #tpu.memory_space<hbm>> -> memref<1280xi32, #tpu.memory_space<hbm>>
        %dma_wait3A_320 = tpu.memref_slice %arg3[%mul3A_270] : memref<640000xi32, #tpu.memory_space<hbm>> -> memref<1280xi32, #tpu.memory_space<hbm>>
        tpu.wait_dma2 semaphore(%run_scoped3A : memref<!tpu.dma_semaphore, #tpu.memory_space<semaphore_mem>>) src(%dma_wait3A_320 : memref<1280xi32, #tpu.memory_space<hbm>>) dst(%arg11 : memref<1280xi32, #tpu.memory_space<vmem>>)
        tpu.yield
      }) : () -> ()
      %add3A_316 = arith.constant 320000 : i32
      %add3A_317 = arith.addi %add3A_316, %mul3A_270 : i32
      "tpu.region"() ({
        %run_scoped3A = tpu.sem_alloc : memref<!tpu.dma_semaphore, #tpu.memory_space<semaphore_mem>>
        %dma_start3A_318 = tpu.memref_slice %arg3[%add3A_317] : memref<640000xi32, #tpu.memory_space<hbm>> -> memref<1280xi32, #tpu.memory_space<hbm>>
        %dma_start3A_319 = tpu.memref_slice %arg3[%add3A_317] : memref<640000xi32, #tpu.memory_space<hbm>> -> memref<1280xi32, #tpu.memory_space<hbm>>
        tpu.enqueue_dma source(%dma_start3A_319 : memref<1280xi32, #tpu.memory_space<hbm>>) target(%arg12 : memref<1280xi32, #tpu.memory_space<vmem>>) target_semaphore(%run_scoped3A : memref<!tpu.dma_semaphore, #tpu.memory_space<semaphore_mem>>)
        %dma_wait3A = tpu.memref_slice %arg3[%add3A_317] : memref<640000xi32, #tpu.memory_space<hbm>> -> memref<1280xi32, #tpu.memory_space<hbm>>
        %dma_wait3A_320 = tpu.memref_slice %arg3[%add3A_317] : memref<640000xi32, #tpu.memory_space<hbm>> -> memref<1280xi32, #tpu.memory_space<hbm>>
        tpu.wait_dma2 semaphore(%run_scoped3A : memref<!tpu.dma_semaphore, #tpu.memory_space<semaphore_mem>>) src(%dma_wait3A_320 : memref<1280xi32, #tpu.memory_space<hbm>>) dst(%arg12 : memref<1280xi32, #tpu.memory_space<vmem>>)
        tpu.yield
      }) : () -> ()
    } else {
    }
    %convert_element_type3A_276 = arith.extui %eq3A_15 : i1 to i32
    %cond3A_277 = arith.constant 0 : i32
    %cond3A_278 = arith.cmpi ne, %convert_element_type3A_276, %cond3A_277 : i32
    scf.if %cond3A_278 {
      "tpu.region"() ({
        %run_scoped3A = tpu.sem_alloc : memref<!tpu.dma_semaphore, #tpu.memory_space<semaphore_mem>>
        %dma_start3A_316 = arith.constant 6400 : i32
        %dma_start3A_317 = tpu.memref_slice %arg4[%dma_start3A_316] : memref<7680xi32, #tpu.memory_space<hbm>> -> memref<1280xi32, #tpu.memory_space<hbm>>
        %dma_start3A_318 = arith.constant 6400 : i32
        %dma_start3A_319 = tpu.memref_slice %arg4[%dma_start3A_318] : memref<7680xi32, #tpu.memory_space<hbm>> -> memref<1280xi32, #tpu.memory_space<hbm>>
        tpu.enqueue_dma source(%dma_start3A_319 : memref<1280xi32, #tpu.memory_space<hbm>>) target(%arg11 : memref<1280xi32, #tpu.memory_space<vmem>>) target_semaphore(%run_scoped3A : memref<!tpu.dma_semaphore, #tpu.memory_space<semaphore_mem>>)
        %dma_wait3A = arith.constant 6400 : i32
        %dma_wait3A_320 = tpu.memref_slice %arg4[%dma_wait3A] : memref<7680xi32, #tpu.memory_space<hbm>> -> memref<1280xi32, #tpu.memory_space<hbm>>
        %dma_wait3A_321 = arith.constant 6400 : i32
        %dma_wait3A_322 = tpu.memref_slice %arg4[%dma_wait3A_321] : memref<7680xi32, #tpu.memory_space<hbm>> -> memref<1280xi32, #tpu.memory_space<hbm>>
        tpu.wait_dma2 semaphore(%run_scoped3A : memref<!tpu.dma_semaphore, #tpu.memory_space<semaphore_mem>>) src(%dma_wait3A_322 : memref<1280xi32, #tpu.memory_space<hbm>>) dst(%arg11 : memref<1280xi32, #tpu.memory_space<vmem>>)
        tpu.yield
      }) : () -> ()
      "tpu.region"() ({
        %run_scoped3A = tpu.sem_alloc : memref<!tpu.dma_semaphore, #tpu.memory_space<semaphore_mem>>
        %dma_start3A_316 = arith.constant 6400 : i32
        %dma_start3A_317 = tpu.memref_slice %arg5[%dma_start3A_316] : memref<7680xi32, #tpu.memory_space<hbm>> -> memref<1280xi32, #tpu.memory_space<hbm>>
        %dma_start3A_318 = arith.constant 6400 : i32
        %dma_start3A_319 = tpu.memref_slice %arg5[%dma_start3A_318] : memref<7680xi32, #tpu.memory_space<hbm>> -> memref<1280xi32, #tpu.memory_space<hbm>>
        tpu.enqueue_dma source(%dma_start3A_319 : memref<1280xi32, #tpu.memory_space<hbm>>) target(%arg12 : memref<1280xi32, #tpu.memory_space<vmem>>) target_semaphore(%run_scoped3A : memref<!tpu.dma_semaphore, #tpu.memory_space<semaphore_mem>>)
        %dma_wait3A = arith.constant 6400 : i32
        %dma_wait3A_320 = tpu.memref_slice %arg5[%dma_wait3A] : memref<7680xi32, #tpu.memory_space<hbm>> -> memref<1280xi32, #tpu.memory_space<hbm>>
        %dma_wait3A_321 = arith.constant 6400 : i32
        %dma_wait3A_322 = tpu.memref_slice %arg5[%dma_wait3A_321] : memref<7680xi32, #tpu.memory_space<hbm>> -> memref<1280xi32, #tpu.memory_space<hbm>>
        tpu.wait_dma2 semaphore(%run_scoped3A : memref<!tpu.dma_semaphore, #tpu.memory_space<semaphore_mem>>) src(%dma_wait3A_322 : memref<1280xi32, #tpu.memory_space<hbm>>) dst(%arg12 : memref<1280xi32, #tpu.memory_space<vmem>>)
        tpu.yield
      }) : () -> ()
    } else {
    }
    %dma_start3A_279 = arith.constant 0 : i32
    %dma_start3A_280 = tpu.memref_slice %arg11[%dma_start3A_279] : memref<1280xi32, #tpu.memory_space<vmem>> -> memref<40xi32, #tpu.memory_space<vmem>>
    %dma_start3A_281 = arith.constant 0 : i32
    %dma_start3A_282 = arith.constant 0 : i32
    %dma_start3A_283 = tpu.memref_slice %arg2[%dma_start3A_281, %dma_start3A_282] : memref<10000x128xf32, #tpu.memory_space<hbm>> -> memref<10000x128xf32, #tpu.memory_space<hbm>>
    tpu.enqueue_indirect_dma source(%dma_start3A_283 : memref<10000x128xf32, #tpu.memory_space<hbm>>) target(%arg7 : memref<40x128xf32, #tpu.memory_space<vmem>>) offsets(%dma_start3A_280 : memref<40xi32, #tpu.memory_space<vmem>>) semaphore(%arg14 : memref<!tpu.dma_semaphore, #tpu.memory_space<semaphore_mem>>)
    %dma_start3A_284 = arith.constant 40 : i32
    %dma_start3A_285 = tpu.memref_slice %arg11[%dma_start3A_284] : memref<1280xi32, #tpu.memory_space<vmem>> -> memref<40xi32, #tpu.memory_space<vmem>>
    %dma_start3A_286 = arith.constant 0 : i32
    %dma_start3A_287 = arith.constant 0 : i32
    %dma_start3A_288 = tpu.memref_slice %arg2[%dma_start3A_286, %dma_start3A_287] : memref<10000x128xf32, #tpu.memory_space<hbm>> -> memref<10000x128xf32, #tpu.memory_space<hbm>>
    tpu.enqueue_indirect_dma source(%dma_start3A_288 : memref<10000x128xf32, #tpu.memory_space<hbm>>) target(%arg8 : memref<40x128xf32, #tpu.memory_space<vmem>>) offsets(%dma_start3A_285 : memref<40xi32, #tpu.memory_space<vmem>>) semaphore(%arg15 : memref<!tpu.dma_semaphore, #tpu.memory_space<semaphore_mem>>)
    %dma_start3A_289 = arith.constant 80 : i32
    %dma_start3A_290 = tpu.memref_slice %arg11[%dma_start3A_289] : memref<1280xi32, #tpu.memory_space<vmem>> -> memref<40xi32, #tpu.memory_space<vmem>>
    %dma_start3A_291 = arith.constant 0 : i32
    %dma_start3A_292 = arith.constant 0 : i32
    %dma_start3A_293 = tpu.memref_slice %arg2[%dma_start3A_291, %dma_start3A_292] : memref<10000x128xf32, #tpu.memory_space<hbm>> -> memref<10000x128xf32, #tpu.memory_space<hbm>>
    tpu.enqueue_indirect_dma source(%dma_start3A_293 : memref<10000x128xf32, #tpu.memory_space<hbm>>) target(%arg9 : memref<40x128xf32, #tpu.memory_space<vmem>>) offsets(%dma_start3A_290 : memref<40xi32, #tpu.memory_space<vmem>>) semaphore(%arg16 : memref<!tpu.dma_semaphore, #tpu.memory_space<semaphore_mem>>)
    %dma_start3A_294 = arith.constant 120 : i32
    %dma_start3A_295 = tpu.memref_slice %arg11[%dma_start3A_294] : memref<1280xi32, #tpu.memory_space<vmem>> -> memref<40xi32, #tpu.memory_space<vmem>>
    %dma_start3A_296 = arith.constant 0 : i32
    %dma_start3A_297 = arith.constant 0 : i32
    %dma_start3A_298 = tpu.memref_slice %arg2[%dma_start3A_296, %dma_start3A_297] : memref<10000x128xf32, #tpu.memory_space<hbm>> -> memref<10000x128xf32, #tpu.memory_space<hbm>>
    tpu.enqueue_indirect_dma source(%dma_start3A_298 : memref<10000x128xf32, #tpu.memory_space<hbm>>) target(%arg10 : memref<40x128xf32, #tpu.memory_space<vmem>>) offsets(%dma_start3A_295 : memref<40xi32, #tpu.memory_space<vmem>>) semaphore(%arg17 : memref<!tpu.dma_semaphore, #tpu.memory_space<semaphore_mem>>)
    %scan3A_299 = arith.constant 0 : i32
    %scan3A_300 = arith.constant 0 : i32
    %scan3A_301 = arith.constant 8 : i32
    %scan3A_302 = arith.addi %scan3A_300, %scan3A_301 : i32
    %scan3A_303 = arith.constant 1 : i32
    scf.for %scan3A_316 = %scan3A_300 to %scan3A_302 step %scan3A_303  : i32 {
      %mul3A_317 = arith.constant 4 : i32
      %mul3A_318 = arith.muli %mul3A_317, %scan3A_316 : i32
      %add3A_319 = arith.constant 0 : i32
      %add3A_320 = arith.addi %mul3A_318, %add3A_319 : i32
      %mul3A_321 = arith.constant 40 : i32
      %mul3A_322 = arith.muli %add3A_320, %mul3A_321 : i32
      %dma_wait3A = tpu.memref_slice %arg11[%mul3A_322] : memref<1280xi32, #tpu.memory_space<vmem>> -> memref<40xi32, #tpu.memory_space<vmem>>
      %dma_wait3A_323 = arith.constant 0 : i32
      %dma_wait3A_324 = arith.constant 0 : i32
      %dma_wait3A_325 = tpu.memref_slice %arg2[%dma_wait3A_323, %dma_wait3A_324] : memref<10000x128xf32, #tpu.memory_space<hbm>> -> memref<10000x128xf32, #tpu.memory_space<hbm>>
      tpu.wait_indirect_dma semaphore(%arg14 : memref<!tpu.dma_semaphore, #tpu.memory_space<semaphore_mem>>) src(%dma_wait3A_325 : memref<10000x128xf32, #tpu.memory_space<hbm>>) dst(%arg7 : memref<40x128xf32, #tpu.memory_space<vmem>>)
      %mul3A_326 = arith.constant 40 : i32
      %mul3A_327 = arith.muli %add3A_320, %mul3A_326 : i32
      "tpu.region"() ({
        %run_scoped3A = tpu.sem_alloc : memref<!tpu.dma_semaphore, #tpu.memory_space<semaphore_mem>>
        %dma_start3A_384 = tpu.memref_slice %arg12[%mul3A_327] : memref<1280xi32, #tpu.memory_space<vmem>> -> memref<40xi32, #tpu.memory_space<vmem>>
        %dma_start3A_385 = arith.constant 0 : i32
        %dma_start3A_386 = arith.constant 0 : i32
        %dma_start3A_387 = tpu.memref_slice %arg13[%dma_start3A_385, %dma_start3A_386] : memref<10240x128xf32, #tpu.memory_space<vmem_shared>> -> memref<10240x128xf32, #tpu.memory_space<vmem_shared>>
        tpu.enqueue_indirect_dma source(%arg7 : memref<40x128xf32, #tpu.memory_space<vmem>>) target(%dma_start3A_387 : memref<10240x128xf32, #tpu.memory_space<vmem_shared>>) offsets(%dma_start3A_384 : memref<40xi32, #tpu.memory_space<vmem>>) semaphore(%run_scoped3A : memref<!tpu.dma_semaphore, #tpu.memory_space<semaphore_mem>>) {add = true}
        %dma_wait3A_388 = tpu.memref_slice %arg12[%mul3A_327] : memref<1280xi32, #tpu.memory_space<vmem>> -> memref<40xi32, #tpu.memory_space<vmem>>
        %dma_wait3A_389 = arith.constant 0 : i32
        %dma_wait3A_390 = arith.constant 0 : i32
        %dma_wait3A_391 = tpu.memref_slice %arg13[%dma_wait3A_389, %dma_wait3A_390] : memref<10240x128xf32, #tpu.memory_space<vmem_shared>> -> memref<10240x128xf32, #tpu.memory_space<vmem_shared>>
        tpu.wait_indirect_dma semaphore(%run_scoped3A : memref<!tpu.dma_semaphore, #tpu.memory_space<semaphore_mem>>) src(%arg7 : memref<40x128xf32, #tpu.memory_space<vmem>>) dst(%dma_wait3A_391 : memref<10240x128xf32, #tpu.memory_space<vmem_shared>>)
        tpu.yield
      }) : () -> ()
      %lt3A_328 = arith.constant 7 : i32
      %lt3A_329 = arith.cmpi slt, %scan3A_316, %lt3A_328 : i32
      %convert_element_type3A_330 = arith.extui %lt3A_329 : i1 to i32
      %cond3A_331 = arith.constant 0 : i32
      %cond3A_332 = arith.cmpi ne, %convert_element_type3A_330, %cond3A_331 : i32
      scf.if %cond3A_332 {
        %add3A_384 = arith.constant 4 : i32
        %add3A_385 = arith.addi %add3A_320, %add3A_384 : i32
        %mul3A_386 = arith.constant 40 : i32
        %mul3A_387 = arith.muli %add3A_385, %mul3A_386 : i32
        %dma_start3A_388 = tpu.memref_slice %arg11[%mul3A_387] : memref<1280xi32, #tpu.memory_space<vmem>> -> memref<40xi32, #tpu.memory_space<vmem>>
        %dma_start3A_389 = arith.constant 0 : i32
        %dma_start3A_390 = arith.constant 0 : i32
        %dma_start3A_391 = tpu.memref_slice %arg2[%dma_start3A_389, %dma_start3A_390] : memref<10000x128xf32, #tpu.memory_space<hbm>> -> memref<10000x128xf32, #tpu.memory_space<hbm>>
        tpu.enqueue_indirect_dma source(%dma_start3A_391 : memref<10000x128xf32, #tpu.memory_space<hbm>>) target(%arg7 : memref<40x128xf32, #tpu.memory_space<vmem>>) offsets(%dma_start3A_388 : memref<40xi32, #tpu.memory_space<vmem>>) semaphore(%arg14 : memref<!tpu.dma_semaphore, #tpu.memory_space<semaphore_mem>>)
      } else {
      }
      %mul3A_333 = arith.constant 4 : i32
      %mul3A_334 = arith.muli %mul3A_333, %scan3A_316 : i32
      %add3A_335 = arith.constant 1 : i32
      %add3A_336 = arith.addi %mul3A_334, %add3A_335 : i32
      %mul3A_337 = arith.constant 40 : i32
      %mul3A_338 = arith.muli %add3A_336, %mul3A_337 : i32
      %dma_wait3A_339 = tpu.memref_slice %arg11[%mul3A_338] : memref<1280xi32, #tpu.memory_space<vmem>> -> memref<40xi32, #tpu.memory_space<vmem>>
      %dma_wait3A_340 = arith.constant 0 : i32
      %dma_wait3A_341 = arith.constant 0 : i32
      %dma_wait3A_342 = tpu.memref_slice %arg2[%dma_wait3A_340, %dma_wait3A_341] : memref<10000x128xf32, #tpu.memory_space<hbm>> -> memref<10000x128xf32, #tpu.memory_space<hbm>>
      tpu.wait_indirect_dma semaphore(%arg15 : memref<!tpu.dma_semaphore, #tpu.memory_space<semaphore_mem>>) src(%dma_wait3A_342 : memref<10000x128xf32, #tpu.memory_space<hbm>>) dst(%arg8 : memref<40x128xf32, #tpu.memory_space<vmem>>)
      %mul3A_343 = arith.constant 40 : i32
      %mul3A_344 = arith.muli %add3A_336, %mul3A_343 : i32
      "tpu.region"() ({
        %run_scoped3A = tpu.sem_alloc : memref<!tpu.dma_semaphore, #tpu.memory_space<semaphore_mem>>
        %dma_start3A_384 = tpu.memref_slice %arg12[%mul3A_344] : memref<1280xi32, #tpu.memory_space<vmem>> -> memref<40xi32, #tpu.memory_space<vmem>>
        %dma_start3A_385 = arith.constant 0 : i32
        %dma_start3A_386 = arith.constant 0 : i32
        %dma_start3A_387 = tpu.memref_slice %arg13[%dma_start3A_385, %dma_start3A_386] : memref<10240x128xf32, #tpu.memory_space<vmem_shared>> -> memref<10240x128xf32, #tpu.memory_space<vmem_shared>>
        tpu.enqueue_indirect_dma source(%arg8 : memref<40x128xf32, #tpu.memory_space<vmem>>) target(%dma_start3A_387 : memref<10240x128xf32, #tpu.memory_space<vmem_shared>>) offsets(%dma_start3A_384 : memref<40xi32, #tpu.memory_space<vmem>>) semaphore(%run_scoped3A : memref<!tpu.dma_semaphore, #tpu.memory_space<semaphore_mem>>) {add = true}
        %dma_wait3A_388 = tpu.memref_slice %arg12[%mul3A_344] : memref<1280xi32, #tpu.memory_space<vmem>> -> memref<40xi32, #tpu.memory_space<vmem>>
        %dma_wait3A_389 = arith.constant 0 : i32
        %dma_wait3A_390 = arith.constant 0 : i32
        %dma_wait3A_391 = tpu.memref_slice %arg13[%dma_wait3A_389, %dma_wait3A_390] : memref<10240x128xf32, #tpu.memory_space<vmem_shared>> -> memref<10240x128xf32, #tpu.memory_space<vmem_shared>>
        tpu.wait_indirect_dma semaphore(%run_scoped3A : memref<!tpu.dma_semaphore, #tpu.memory_space<semaphore_mem>>) src(%arg8 : memref<40x128xf32, #tpu.memory_space<vmem>>) dst(%dma_wait3A_391 : memref<10240x128xf32, #tpu.memory_space<vmem_shared>>)
        tpu.yield
      }) : () -> ()
      %lt3A_345 = arith.constant 7 : i32
      %lt3A_346 = arith.cmpi slt, %scan3A_316, %lt3A_345 : i32
      %convert_element_type3A_347 = arith.extui %lt3A_346 : i1 to i32
      %cond3A_348 = arith.constant 0 : i32
      %cond3A_349 = arith.cmpi ne, %convert_element_type3A_347, %cond3A_348 : i32
      scf.if %cond3A_349 {
        %add3A_384 = arith.constant 4 : i32
        %add3A_385 = arith.addi %add3A_336, %add3A_384 : i32
        %mul3A_386 = arith.constant 40 : i32
        %mul3A_387 = arith.muli %add3A_385, %mul3A_386 : i32
        %dma_start3A_388 = tpu.memref_slice %arg11[%mul3A_387] : memref<1280xi32, #tpu.memory_space<vmem>> -> memref<40xi32, #tpu.memory_space<vmem>>
        %dma_start3A_389 = arith.constant 0 : i32
        %dma_start3A_390 = arith.constant 0 : i32
        %dma_start3A_391 = tpu.memref_slice %arg2[%dma_start3A_389, %dma_start3A_390] : memref<10000x128xf32, #tpu.memory_space<hbm>> -> memref<10000x128xf32, #tpu.memory_space<hbm>>
        tpu.enqueue_indirect_dma source(%dma_start3A_391 : memref<10000x128xf32, #tpu.memory_space<hbm>>) target(%arg8 : memref<40x128xf32, #tpu.memory_space<vmem>>) offsets(%dma_start3A_388 : memref<40xi32, #tpu.memory_space<vmem>>) semaphore(%arg15 : memref<!tpu.dma_semaphore, #tpu.memory_space<semaphore_mem>>)
      } else {
      }
      %mul3A_350 = arith.constant 4 : i32
      %mul3A_351 = arith.muli %mul3A_350, %scan3A_316 : i32
      %add3A_352 = arith.constant 2 : i32
      %add3A_353 = arith.addi %mul3A_351, %add3A_352 : i32
      %mul3A_354 = arith.constant 40 : i32
      %mul3A_355 = arith.muli %add3A_353, %mul3A_354 : i32
      %dma_wait3A_356 = tpu.memref_slice %arg11[%mul3A_355] : memref<1280xi32, #tpu.memory_space<vmem>> -> memref<40xi32, #tpu.memory_space<vmem>>
      %dma_wait3A_357 = arith.constant 0 : i32
      %dma_wait3A_358 = arith.constant 0 : i32
      %dma_wait3A_359 = tpu.memref_slice %arg2[%dma_wait3A_357, %dma_wait3A_358] : memref<10000x128xf32, #tpu.memory_space<hbm>> -> memref<10000x128xf32, #tpu.memory_space<hbm>>
      tpu.wait_indirect_dma semaphore(%arg16 : memref<!tpu.dma_semaphore, #tpu.memory_space<semaphore_mem>>) src(%dma_wait3A_359 : memref<10000x128xf32, #tpu.memory_space<hbm>>) dst(%arg9 : memref<40x128xf32, #tpu.memory_space<vmem>>)
      %mul3A_360 = arith.constant 40 : i32
      %mul3A_361 = arith.muli %add3A_353, %mul3A_360 : i32
      "tpu.region"() ({
        %run_scoped3A = tpu.sem_alloc : memref<!tpu.dma_semaphore, #tpu.memory_space<semaphore_mem>>
        %dma_start3A_384 = tpu.memref_slice %arg12[%mul3A_361] : memref<1280xi32, #tpu.memory_space<vmem>> -> memref<40xi32, #tpu.memory_space<vmem>>
        %dma_start3A_385 = arith.constant 0 : i32
        %dma_start3A_386 = arith.constant 0 : i32
        %dma_start3A_387 = tpu.memref_slice %arg13[%dma_start3A_385, %dma_start3A_386] : memref<10240x128xf32, #tpu.memory_space<vmem_shared>> -> memref<10240x128xf32, #tpu.memory_space<vmem_shared>>
        tpu.enqueue_indirect_dma source(%arg9 : memref<40x128xf32, #tpu.memory_space<vmem>>) target(%dma_start3A_387 : memref<10240x128xf32, #tpu.memory_space<vmem_shared>>) offsets(%dma_start3A_384 : memref<40xi32, #tpu.memory_space<vmem>>) semaphore(%run_scoped3A : memref<!tpu.dma_semaphore, #tpu.memory_space<semaphore_mem>>) {add = true}
        %dma_wait3A_388 = tpu.memref_slice %arg12[%mul3A_361] : memref<1280xi32, #tpu.memory_space<vmem>> -> memref<40xi32, #tpu.memory_space<vmem>>
        %dma_wait3A_389 = arith.constant 0 : i32
        %dma_wait3A_390 = arith.constant 0 : i32
        %dma_wait3A_391 = tpu.memref_slice %arg13[%dma_wait3A_389, %dma_wait3A_390] : memref<10240x128xf32, #tpu.memory_space<vmem_shared>> -> memref<10240x128xf32, #tpu.memory_space<vmem_shared>>
        tpu.wait_indirect_dma semaphore(%run_scoped3A : memref<!tpu.dma_semaphore, #tpu.memory_space<semaphore_mem>>) src(%arg9 : memref<40x128xf32, #tpu.memory_space<vmem>>) dst(%dma_wait3A_391 : memref<10240x128xf32, #tpu.memory_space<vmem_shared>>)
        tpu.yield
      }) : () -> ()
      %lt3A_362 = arith.constant 7 : i32
      %lt3A_363 = arith.cmpi slt, %scan3A_316, %lt3A_362 : i32
      %convert_element_type3A_364 = arith.extui %lt3A_363 : i1 to i32
      %cond3A_365 = arith.constant 0 : i32
      %cond3A_366 = arith.cmpi ne, %convert_element_type3A_364, %cond3A_365 : i32
      scf.if %cond3A_366 {
        %add3A_384 = arith.constant 4 : i32
        %add3A_385 = arith.addi %add3A_353, %add3A_384 : i32
        %mul3A_386 = arith.constant 40 : i32
        %mul3A_387 = arith.muli %add3A_385, %mul3A_386 : i32
        %dma_start3A_388 = tpu.memref_slice %arg11[%mul3A_387] : memref<1280xi32, #tpu.memory_space<vmem>> -> memref<40xi32, #tpu.memory_space<vmem>>
        %dma_start3A_389 = arith.constant 0 : i32
        %dma_start3A_390 = arith.constant 0 : i32
        %dma_start3A_391 = tpu.memref_slice %arg2[%dma_start3A_389, %dma_start3A_390] : memref<10000x128xf32, #tpu.memory_space<hbm>> -> memref<10000x128xf32, #tpu.memory_space<hbm>>
        tpu.enqueue_indirect_dma source(%dma_start3A_391 : memref<10000x128xf32, #tpu.memory_space<hbm>>) target(%arg9 : memref<40x128xf32, #tpu.memory_space<vmem>>) offsets(%dma_start3A_388 : memref<40xi32, #tpu.memory_space<vmem>>) semaphore(%arg16 : memref<!tpu.dma_semaphore, #tpu.memory_space<semaphore_mem>>)
      } else {
      }
      %mul3A_367 = arith.constant 4 : i32
      %mul3A_368 = arith.muli %mul3A_367, %scan3A_316 : i32
      %add3A_369 = arith.constant 3 : i32
      %add3A_370 = arith.addi %mul3A_368, %add3A_369 : i32
      %mul3A_371 = arith.constant 40 : i32
      %mul3A_372 = arith.muli %add3A_370, %mul3A_371 : i32
      %dma_wait3A_373 = tpu.memref_slice %arg11[%mul3A_372] : memref<1280xi32, #tpu.memory_space<vmem>> -> memref<40xi32, #tpu.memory_space<vmem>>
      %dma_wait3A_374 = arith.constant 0 : i32
      %dma_wait3A_375 = arith.constant 0 : i32
      %dma_wait3A_376 = tpu.memref_slice %arg2[%dma_wait3A_374, %dma_wait3A_375] : memref<10000x128xf32, #tpu.memory_space<hbm>> -> memref<10000x128xf32, #tpu.memory_space<hbm>>
      tpu.wait_indirect_dma semaphore(%arg17 : memref<!tpu.dma_semaphore, #tpu.memory_space<semaphore_mem>>) src(%dma_wait3A_376 : memref<10000x128xf32, #tpu.memory_space<hbm>>) dst(%arg10 : memref<40x128xf32, #tpu.memory_space<vmem>>)
      %mul3A_377 = arith.constant 40 : i32
      %mul3A_378 = arith.muli %add3A_370, %mul3A_377 : i32
      "tpu.region"() ({
        %run_scoped3A = tpu.sem_alloc : memref<!tpu.dma_semaphore, #tpu.memory_space<semaphore_mem>>
        %dma_start3A_384 = tpu.memref_slice %arg12[%mul3A_378] : memref<1280xi32, #tpu.memory_space<vmem>> -> memref<40xi32, #tpu.memory_space<vmem>>
        %dma_start3A_385 = arith.constant 0 : i32
        %dma_start3A_386 = arith.constant 0 : i32
        %dma_start3A_387 = tpu.memref_slice %arg13[%dma_start3A_385, %dma_start3A_386] : memref<10240x128xf32, #tpu.memory_space<vmem_shared>> -> memref<10240x128xf32, #tpu.memory_space<vmem_shared>>
        tpu.enqueue_indirect_dma source(%arg10 : memref<40x128xf32, #tpu.memory_space<vmem>>) target(%dma_start3A_387 : memref<10240x128xf32, #tpu.memory_space<vmem_shared>>) offsets(%dma_start3A_384 : memref<40xi32, #tpu.memory_space<vmem>>) semaphore(%run_scoped3A : memref<!tpu.dma_semaphore, #tpu.memory_space<semaphore_mem>>) {add = true}
        %dma_wait3A_388 = tpu.memref_slice %arg12[%mul3A_378] : memref<1280xi32, #tpu.memory_space<vmem>> -> memref<40xi32, #tpu.memory_space<vmem>>
        %dma_wait3A_389 = arith.constant 0 : i32
        %dma_wait3A_390 = arith.constant 0 : i32
        %dma_wait3A_391 = tpu.memref_slice %arg13[%dma_wait3A_389, %dma_wait3A_390] : memref<10240x128xf32, #tpu.memory_space<vmem_shared>> -> memref<10240x128xf32, #tpu.memory_space<vmem_shared>>
        tpu.wait_indirect_dma semaphore(%run_scoped3A : memref<!tpu.dma_semaphore, #tpu.memory_space<semaphore_mem>>) src(%arg10 : memref<40x128xf32, #tpu.memory_space<vmem>>) dst(%dma_wait3A_391 : memref<10240x128xf32, #tpu.memory_space<vmem_shared>>)
        tpu.yield
      }) : () -> ()
      %lt3A_379 = arith.constant 7 : i32
      %lt3A_380 = arith.cmpi slt, %scan3A_316, %lt3A_379 : i32
      %convert_element_type3A_381 = arith.extui %lt3A_380 : i1 to i32
      %cond3A_382 = arith.constant 0 : i32
      %cond3A_383 = arith.cmpi ne, %convert_element_type3A_381, %cond3A_382 : i32
      scf.if %cond3A_383 {
        %add3A_384 = arith.constant 4 : i32
        %add3A_385 = arith.addi %add3A_370, %add3A_384 : i32
        %mul3A_386 = arith.constant 40 : i32
        %mul3A_387 = arith.muli %add3A_385, %mul3A_386 : i32
        %dma_start3A_388 = tpu.memref_slice %arg11[%mul3A_387] : memref<1280xi32, #tpu.memory_space<vmem>> -> memref<40xi32, #tpu.memory_space<vmem>>
        %dma_start3A_389 = arith.constant 0 : i32
        %dma_start3A_390 = arith.constant 0 : i32
        %dma_start3A_391 = tpu.memref_slice %arg2[%dma_start3A_389, %dma_start3A_390] : memref<10000x128xf32, #tpu.memory_space<hbm>> -> memref<10000x128xf32, #tpu.memory_space<hbm>>
        tpu.enqueue_indirect_dma source(%dma_start3A_391 : memref<10000x128xf32, #tpu.memory_space<hbm>>) target(%arg10 : memref<40x128xf32, #tpu.memory_space<vmem>>) offsets(%dma_start3A_388 : memref<40xi32, #tpu.memory_space<vmem>>) semaphore(%arg17 : memref<!tpu.dma_semaphore, #tpu.memory_space<semaphore_mem>>)
      } else {
      }
    }
    %scan3A_304 = arith.constant 8 : i32
    %barrier3A_305 = arith.constant 0 : index
    tpu.barrier barrier_id(%barrier3A_305)
    %lt3A_306 = arith.constant 15 : i32
    %lt3A_307 = arith.cmpi slt, %arg1, %lt3A_306 : i32
    %convert_element_type3A_308 = arith.extui %lt3A_307 : i1 to i32
    %cond3A_309 = arith.constant 0 : i32
    %cond3A_310 = arith.cmpi ne, %convert_element_type3A_308, %cond3A_309 : i32
    scf.if %cond3A_310 {
      "tpu.region"() ({
        %run_scoped3A = tpu.sem_alloc : memref<!tpu.dma_semaphore, #tpu.memory_space<semaphore_mem>>
        %dma_start3A_316 = arith.constant 0 : i32
        %dma_start3A_317 = tpu.memref_slice %arg6[%arg0, %mul3A_0, %dma_start3A_316] : memref<2x10000x128xf32, #tpu.memory_space<hbm>> -> memref<1x640x128xf32, #tpu.memory_space<hbm>>
        %dma_start3A_318 = tpu.memref_squeeze %dma_start3A_317 : memref<1x640x128xf32, #tpu.memory_space<hbm>> -> memref<640x128xf32, #tpu.memory_space<hbm>>
        %dma_start3A_319 = arith.constant 0 : i32
        %dma_start3A_320 = tpu.memref_slice %arg13[%mul3A_0, %dma_start3A_319] : memref<10240x128xf32, #tpu.memory_space<vmem_shared>> -> memref<640x128xf32, #tpu.memory_space<vmem_shared>>
        tpu.enqueue_dma source(%dma_start3A_320 : memref<640x128xf32, #tpu.memory_space<vmem_shared>>) target(%dma_start3A_318 : memref<640x128xf32, #tpu.memory_space<hbm>>) target_semaphore(%run_scoped3A : memref<!tpu.dma_semaphore, #tpu.memory_space<semaphore_mem>>)
        %dma_wait3A = arith.constant 0 : i32
        %dma_wait3A_321 = tpu.memref_slice %arg6[%arg0, %mul3A_0, %dma_wait3A] : memref<2x10000x128xf32, #tpu.memory_space<hbm>> -> memref<1x640x128xf32, #tpu.memory_space<hbm>>
        %dma_wait3A_322 = tpu.memref_squeeze %dma_wait3A_321 : memref<1x640x128xf32, #tpu.memory_space<hbm>> -> memref<640x128xf32, #tpu.memory_space<hbm>>
        %dma_wait3A_323 = arith.constant 0 : i32
        %dma_wait3A_324 = tpu.memref_slice %arg13[%mul3A_0, %dma_wait3A_323] : memref<10240x128xf32, #tpu.memory_space<vmem_shared>> -> memref<640x128xf32, #tpu.memory_space<vmem_shared>>
        tpu.wait_dma2 semaphore(%run_scoped3A : memref<!tpu.dma_semaphore, #tpu.memory_space<semaphore_mem>>) src(%dma_wait3A_324 : memref<640x128xf32, #tpu.memory_space<vmem_shared>>) dst(%dma_wait3A_322 : memref<640x128xf32, #tpu.memory_space<hbm>>)
        tpu.yield
      }) : () -> ()
    } else {
    }
    %eq3A_311 = arith.constant 15 : i32
    %eq3A_312 = arith.cmpi eq, %arg1, %eq3A_311 : i32
    %convert_element_type3A_313 = arith.extui %eq3A_312 : i1 to i32
    %cond3A_314 = arith.constant 0 : i32
    %cond3A_315 = arith.cmpi ne, %convert_element_type3A_313, %cond3A_314 : i32
    scf.if %cond3A_315 {
      "tpu.region"() ({
        %run_scoped3A = tpu.sem_alloc : memref<!tpu.dma_semaphore, #tpu.memory_space<semaphore_mem>>
        %dma_start3A_316 = arith.constant 0 : i32
        %dma_start3A_317 = tpu.memref_slice %arg6[%arg0, %mul3A_0, %dma_start3A_316] : memref<2x10000x128xf32, #tpu.memory_space<hbm>> -> memref<1x400x128xf32, #tpu.memory_space<hbm>>
        %dma_start3A_318 = tpu.memref_squeeze %dma_start3A_317 : memref<1x400x128xf32, #tpu.memory_space<hbm>> -> memref<400x128xf32, #tpu.memory_space<hbm>>
        %dma_start3A_319 = arith.constant 0 : i32
        %dma_start3A_320 = tpu.memref_slice %arg13[%mul3A_0, %dma_start3A_319] : memref<10240x128xf32, #tpu.memory_space<vmem_shared>> -> memref<400x128xf32, #tpu.memory_space<vmem_shared>>
        tpu.enqueue_dma source(%dma_start3A_320 : memref<400x128xf32, #tpu.memory_space<vmem_shared>>) target(%dma_start3A_318 : memref<400x128xf32, #tpu.memory_space<hbm>>) target_semaphore(%run_scoped3A : memref<!tpu.dma_semaphore, #tpu.memory_space<semaphore_mem>>)
        %dma_wait3A = arith.constant 0 : i32
        %dma_wait3A_321 = tpu.memref_slice %arg6[%arg0, %mul3A_0, %dma_wait3A] : memref<2x10000x128xf32, #tpu.memory_space<hbm>> -> memref<1x400x128xf32, #tpu.memory_space<hbm>>
        %dma_wait3A_322 = tpu.memref_squeeze %dma_wait3A_321 : memref<1x400x128xf32, #tpu.memory_space<hbm>> -> memref<400x128xf32, #tpu.memory_space<hbm>>
        %dma_wait3A_323 = arith.constant 0 : i32
        %dma_wait3A_324 = tpu.memref_slice %arg13[%mul3A_0, %dma_wait3A_323] : memref<10240x128xf32, #tpu.memory_space<vmem_shared>> -> memref<400x128xf32, #tpu.memory_space<vmem_shared>>
        tpu.wait_dma2 semaphore(%run_scoped3A : memref<!tpu.dma_semaphore, #tpu.memory_space<semaphore_mem>>) src(%dma_wait3A_324 : memref<400x128xf32, #tpu.memory_space<vmem_shared>>) dst(%dma_wait3A_322 : memref<400x128xf32, #tpu.memory_space<hbm>>)
        tpu.yield
      }) : () -> ()
    } else {
    }
    return
  }
}

</mosaic_0001>

<sc_bundles>
// kernel: _gin_sc.3.cloned.1.call-start
scs
__scs_entry_jumppad:
0x0: {  	(pc) =	sbr.rel $0x88, $3  }
0x1: {  	(tag) =	ssettag $0x0;
	lr =	simm.s32 $0x1  }
0x2: {  	[smem:$0x3F9D] =	sst lr;
	_ =	strace $0xD0000000  }
0x3: {  	_ = 	snop  }
0x4: {  	_ = 	snop  }
0x5: {  	_ = 	snop  }
0x6: {  	_ = 	snop  }
0x7: {  	_ = 	snop  }
__scs_overlays_trampoline_lowered:
0x8: {  	[smem:$0x3FAC] =	sst s0  }
0x9: {  	[smem:$0x3FAD] =	sst s1  }
0xa: {  	[smem:$0x3FAE] =	sst s2  }
0xb: {  	[smem:$0x3FAF] =	sst s3  }
0xc: {  	[smem:$0x3FB0] =	sst s4  }
0xd: {  	[smem:$0x3FB1] =	sst s5  }
0xe: {  	[smem:$0x3FB2] =	sst s6  }
0xf: {  	[smem:$0x3FB3] =	sst s7  }
0x10: {  	[smem:$0x3FB4] =	sst s8  }
0x11: {  	[smem:$0x3FB5] =	sst s9;
	s0 =	simm.s32 @!p0 $0x0  }
0x12: {  	s1 =	sld [smem:$0x3F9B];
	s0 =	simm.s32 @p0 $0x1  }
0x13: {  	[smem:$0x3FB6] =	sst s0;
	s0 =	simm.s32 @!p1 $0x0  }
0x14: {  	s2 =	sld [smem:$0x3F9A];
	s0 =	simm.s32 @p1 $0x1  }
0x15: {  	[smem:$0x3FB7] =	sst s0;
	s0 =	simm.s32 @!p2 $0x0  }
0x16: {  	s3 =	sld [smem:$0x3FDB];
	s0 =	simm.s32 @p2 $0x1  }
0x17: {  	s4 =	simm.s32 $0x1BF5;
	[smem:$0x3FB9] =	sst s0  }
0x18: {  	s0 =	sld [smem:$0x3F9C];
	_ =	swait.ge [sflag:s4], $0x0  }
0x19: {  	s7 =	sld [smem:$0x3F9D]  }
0x1a: {  	s8 =	sadd.s32 $0xFFFFE003, lr  }
0x1b: {  	s9 =	sadd.s32 $0xFFFFFEF7, lr;
	s5 =	simm.s32 $0xFFFFFFFF;
	p2 =	slt.u32 s8, $0xFFFFF086  }
0x1c: {  	p1 =	slt.u32 s9, $0xF7A;
	s5 =	simm.s32 @!p2 $0x0  }
0x1d: {  	s5 =	simm.s32 @p1 $0x1;
	p0 =	seq.s32 s7, s2  }
0x1e: {  	s7 =	smul.u32 @!p0 $0xF7A, s2;
	p2 =	seq.s32 @!p0 s5, $0x0  }
0x1f: {  	s9 =	smul.u32 $0xF7A, s1;
	s8 =	simm.s32 @!p0 $0x1BF5;
	p2 =	por !p2, p0  }
0x20: {  	[sflag:s8] =	ssyncset.s32 @!p0 $0xFFFFF086;
	s6 =	sadd.s32 @!p0 s3, s7;
	s7 =	simm.s32 @!p0 $0x108  }
0x21: {  	s3 =	sadd.s32 s3, s9;
	s6 =	sadd.s32 @!p0 $0x88, s6;
	s7 =	simm.s32 @p2 $0x1082  }
0x22: {  	[simem:s7], [sflag:s8] =	dma.local @!p0 [hbm:s6], $0xF7A  }
0x23: {  	s9 =	sor.u32 $0xD0000000, s2;
	s6 =	simm.s32 $0x108;
	_ =	swait.ge @!p0 [sflag:s8], $0x0  }
0x24: {  	s3 =	sadd.s32 $0x88, s3;
	s6 =	simm.s32 @!p1 $0x1082;
	[sflag:s4] =	ssyncset.s32 $0xFFFFF086  }
0x25: {  	[simem:s6], [sflag:s4] =	dma.local [hbm:s3], $0xF7A  }
0x26: {  	[smem:$0x3F9D] =	sst s1;
	(tag) =	ssettag s2;
	_ =	strace s9  }
0x27: {  	s1 =	sld [smem:$0x3FAD]  }
0x28: {  	s2 =	sld [smem:$0x3FAE]  }
0x29: {  	s4 =	sld [smem:$0x3FB0]  }
0x2a: {  	p0 =	seq.s32 s5, $0x0;
	s5 =	sld [smem:$0x3FB1]  }
0x2b: {  	s6 =	sld [smem:$0x3FB2]  }
0x2c: {  	s7 =	sld [smem:$0x3FB3]  }
0x2d: {  	s3 =	simm.s32 $0x108;
	s8 =	sld [smem:$0x3FB4]  }
0x2e: {  	s3 =	simm.s32 @!p0 $0x1082;
	s9 =	sld [smem:$0x3FB5]  }
0x2f: {  	lr =	sadd.s32 s0, s3;
	s0 =	sld [smem:$0x3FAC]  }
0x30: {  	s3 =	sld [smem:$0x3FAF]  }
0x31: {  	[smem:$0x3FB8] =	sst s10  }
0x32: {  	s10 =	sld [smem:$0x3FB6];
	_ =	sdelay $0x3  }
0x33: {  	p0 =	seq.s32 s10, $0x1;
	s10 =	sld [smem:$0x3FB8];
	_ =	sdelay $0x3  }
0x34: {  	[smem:$0x3FB8] =	sst s10  }
0x35: {  	s10 =	sld [smem:$0x3FB7];
	_ =	sdelay $0x3  }
0x36: {  	p1 =	seq.s32 s10, $0x1;
	s10 =	sld [smem:$0x3FB8];
	_ =	sdelay $0x3  }
0x37: {  	[smem:$0x3FB8] =	sst s10  }
0x38: {  	s10 =	sld [smem:$0x3FB9]  }
0x39: {  	_ = 	snop;
	(pc) =	sbr.ind lr, $3  }
0x3a: {  	_ = 	snop  }
0x3b: {  	_ = 	snop  }
0x3c: {  	p2 =	seq.s32 s10, $0x1;
	s10 =	sld [smem:$0x3FB8]  }
0x3d: {  	_ =	shalt  }
0x3e: {  	_ =	shalt  }
0x3f: {  	_ =	shalt  }
0x40: {  	_ =	shalt  }
0x41: {  	_ =	shalt  }
0x42: {  	_ =	shalt  }
0x43: {  	_ =	shalt  }
0x44: {  	_ =	shalt  }
0x45: {  	_ =	shalt  }
0x46: {  	_ =	shalt  }
0x47: {  	_ =	shalt  }
0x48: {  	_ =	shalt  }
0x49: {  	_ =	shalt  }
0x4a: {  	_ =	shalt  }
0x4b: {  	_ =	shalt  }
0x4c: {  	_ =	shalt  }
0x4d: {  	_ =	shalt  }
0x4e: {  	_ =	shalt  }
0x4f: {  	_ =	shalt  }
0x50: {  	_ =	shalt  }
0x51: {  	_ =	shalt  }
0x52: {  	_ =	shalt  }
0x53: {  	_ =	shalt  }
0x54: {  	_ =	shalt  }
0x55: {  	_ =	shalt  }
0x56: {  	_ =	shalt  }
0x57: {  	_ =	shalt  }
0x58: {  	_ =	shalt  }
0x59: {  	_ =	shalt  }
0x5a: {  	_ =	shalt  }
0x5b: {  	_ =	shalt  }
0x5c: {  	_ =	shalt  }
0x5d: {  	_ =	shalt  }
0x5e: {  	_ =	shalt  }
0x5f: {  	_ =	shalt  }
0x60: {  	_ =	shalt  }
0x61: {  	_ =	shalt  }
0x62: {  	_ =	shalt  }
0x63: {  	_ =	shalt  }
0x64: {  	_ =	shalt  }
0x65: {  	_ =	shalt  }
0x66: {  	_ =	shalt  }
0x67: {  	_ =	shalt  }
0x68: {  	_ =	shalt  }
0x69: {  	_ =	shalt  }
0x6a: {  	_ =	shalt  }
0x6b: {  	_ =	shalt  }
0x6c: {  	_ =	shalt  }
0x6d: {  	_ =	shalt  }
0x6e: {  	_ =	shalt  }
0x6f: {  	_ =	shalt  }
0x70: {  	_ =	shalt  }
0x71: {  	_ =	shalt  }
0x72: {  	_ =	shalt  }
0x73: {  	_ =	shalt  }
0x74: {  	_ =	shalt  }
0x75: {  	_ =	shalt  }
0x76: {  	_ =	shalt  }
0x77: {  	_ =	shalt  }
0x78: {  	_ =	shalt  }
0x79: {  	_ =	shalt  }
0x7a: {  	_ =	shalt  }
0x7b: {  	_ =	shalt  }
0x7c: {  	_ =	shalt  }
0x7d: {  	_ =	shalt  }
0x7e: {  	_ =	shalt  }
0x7f: {  	_ =	shalt  }
0x80: {  	_ =	shalt  }
0x81: {  	_ =	shalt  }
0x82: {  	_ =	shalt  }
0x83: {  	_ =	shalt  }
0x84: {  	_ =	shalt  }
0x85: {  	_ =	shalt  }
0x86: {  	_ =	shalt  }
0x87: {  	_ =	shalt  }
.Lfunc_end0:
.L_simem_size_0:
called_computation_lowered:
.L_overlay_start_0:
0x88: {  	s2 =	sld [smem:$0x3FD9]  }
0x89: {  	s3 =	sld [smem:$0x3FFE];
	_ =	sdelay $0x1  }
0x8a: {  	s1 =	srdreg.scid  }
0x8b: {  	s0 =	sand.u32 $0x1, s1  }
0x8c: {  	s18 =	sshll.u32 s0, $0xA;
	s2 =	sadd.s32 s3, s2  }
0x8d: {  	s2 =	sadd.s32 s2, s18  }
0x8e: {  	[smem:$0x3FC4] =	sst s2  }
0x8f: {  	_ = 	snop  }
0x90: {  	s2 =	sld [smem:$0x3FC9]  }
0x91: {  	s19 =	sld [smem:$0x3FC8]  }
0x92: {  	s4 =	sld [smem:$0x3FC7]  }
0x93: {  	s5 =	sld [smem:$0x3FC6]  }
0x94: {  	s6 =	sld [smem:$0x3FD0];
	(tm) =	ssettm $0x1  }
0x95: {  	s7 =	sld [smem:$0x3FFB];
	_ =	sdelay $0x3  }
0x96: {  	_ =	strace s7  }
0x97: {  	s7 =	sld [smem:$0x3FFC];
	_ =	sdelay $0x3  }
0x98: {  	_ =	strace s7  }
0x99: {  	s7 =	sld [smem:$0x3FFD];
	_ =	sdelay $0x3  }
0x9a: {  	_ =	strace s7  }
0x9b: {  	_ =	strace $0x8FFFFFFF  }
0x9c: {  	s20 =	sld [smem:$0x3FDB];
	_ =	sdelay $0x1  }
0x9d: {  	s8 =	simm.s32 $_scs_section_size  }
0x9e: {  	s9 =	simm.s32 $_size__tile_overlayer_lowered;
	s10 =	simm.s32 $_tile_overlayer_lowered  }
0x9f: {  	s23 =	simm.s32 $0x1BFF;
	s22 =	sshll.u32 s10, $0x1;
	s7 =	sadd.s32 s8, s20  }
0xa0: {  	s11 =	simm.s32 $0x0;
	s21 =	sshll.u32 s9, $0x1;
	s9 =	sadd.s32 s22, s7  }
0xa1: {  	[timem:s11], [sflag:s23] =	dma.local [hbm:s9], s21  }
0xa2: {  	_ =	swait.ge [sflag:s23], s21  }
0xa3: {  	s8 =	ssub.s32 $0x0, s21;
	[sflag:s23] =	ssyncset.done $0x0  }
0xa4: {  	[sflag:s23] =	ssyncadd.s32 s8;
	_ =	sdelay $0x1  }
0xa5: {  	s24 =	simm.s32 $0x1B8B  }
0xa6: {  	_ =	swait.ge [sflag:s24], $0x1  }
0xa7: {  	[sflag:s24] =	ssyncset.done $0x0  }
0xa8: {  	s25 =	simm.s32 $0x1B8E;
	[sflag:s24] =	ssyncadd.s32 $0xFFFFFFFF  }
0xa9: {  	s26 =	simm.s32 $execute0_lowered;
	[smem:$0x3FD2] =	sst s25  }
0xaa: {  	s8 =	sshll.u32 s26, $0x1;
	_ =	strace $0x80000046;
	[dreg:$0x1] =	wrdreg $0xFFFFFFFF  }
0xab: {  	s28 =	simm.s32 $_size_execute0_lowered;
	s7 =	sadd.s32 s7, s8;
	[dreg:$0x0] =	wrdreg $0x0  }
0xac: {  	s8 =	sshll.u32 s28, $0x1;
	[dreg:$0x2] =	wrdreg s7  }
0xad: {  	[dreg:$0x3] =	wrdreg s8  }
0xae: {  	[dreg:$0x4] =	wrdreg $0xC0  }
0xaf: {  	_ =	task [dreg:s11], $0x5FFFF  }
0xb0: {  	[dreg:$0x1] =	wrdreg $0xFFFFFFFF  }
0xb1: {  	[dreg:$0x0] =	wrdreg $0x60  }
0xb2: {  	[dreg:$0x2] =	wrdreg s2  }
0xb3: {  	[dreg:$0x3] =	wrdreg s19  }
0xb4: {  	[dreg:$0x4] =	wrdreg s4  }
0xb5: {  	[dreg:$0x5] =	wrdreg s5  }
0xb6: {  	[dreg:$0x6] =	wrdreg s6  }
0xb7: {  	[dreg:$0x7] =	wrdreg $0x5A000  }
0xb8: {  	[dreg:$0x8] =	wrdreg $0x9  }
0xb9: {  	_ =	task.clear_ibuf [dreg:s11], $0x9FFFF;
	_ =	strace $0x90000046  }
0xba: {  	s29 =	simm.s32 $0x9;
	_ =	strace $0x80000048  }
0xbb: {  	_ =	swait.ge [sflag:s29], $0x1  }
0xbc: {  	[sflag:s29] =	ssyncadd.s32 $0xFFFFFFFF  }
0xbd: {  	_ =	strace $0x90000048  }
0xbe: {  	_ =	sfence  }
0xbf: {  	s30 =	sld [smem:$0x0];
	_ =	sdelay $0x2  }
0xc0: {  	s31 =	sshll.u32 s1, $0xD;
	s1 =	sshrl.u32 s1, $0x2  }
0xc1: {  	s3 =	sand.u32 $0x4000, s31;
	s1 =	sadd.s32 s1, s30  }
0xc2: {  	s0 =	sor.u32 s3, s0;
	s1 =	sshll.u32 s1, $0x11  }
0xc3: {  	s0 =	sor.u32 s1, s0  }
0xc4: {  	s0 =	sadd.s32 $0x8F2B, s0  }
0xc5: {  	[sflag:s0] =	ssyncadd.remote.s32 $0x1  }
0xc6: {  	_ =	sfence.sel $0xFFFF  }
0xc7: {  	[dreg:$0x0] =	wrdreg $0xFFFFFFFF;
	(pc) =	sbr.abs _section_cstart, $3  }
0xc8: {  	[dreg:$0x1] =	wrdreg $0xFFFFFFFF  }
0xc9: {  	_ =	task.clear_ibuf [dreg:s11], $0x2FFFF;
	_ =	strace $0x9FFFFFFF  }
0xca: {  	(tm) =	ssettm $0x7FFFFFFF  }
0xcb: {  	_ =	shalt  }
tec
execute0_lowered:
.L_overlay_start_1:
0x0: {  	(tag) =	ssettag $0x1  }
0x1: {  	s0 =	rddreg [dreg:$0x0]  }
0x2: {  	s2 =	rddreg [dreg:$0x1]  }
0x3: {  	s14 =	rddreg [dreg:$0x2]  }
0x4: {  	s1 =	rddreg [dreg:$0x3]  }
0x5: {  	s3 =	rddreg [dreg:$0x4]  }
0x6: {  	s4 =	rddreg [dreg:$0x5]  }
0x7: {  	s5 =	srdreg.scid;
	s15 =	stileid.u32  }
0x8: {  	s30 =	simm.s32 $0x5000;
	s31 =	simm.s32 $0x5;
	s28 =	simm.s32 $0x5960  }
0x9: {  	s29 =	simm.s32 $0x5988;
	s6 =	sand.u32 $0x1, s5;
	s8 =	smul.u32 $0x50000, s15  }
0xa: {  	s5 =	simm.s32 $0x0;
	s10 =	smul.u32 $0x2800, s15;
	s25 =	sadd.s32 $0x12C000, s4  }
0xb: {  	s13 =	smul.u32 $0x14000, s15;
	p1 =	seq.s32 s15, $0xF;
	s7 =	sshll.u32 s6, $0x4  }
0xc: {  	s9 =	ssub.s32 $0x2, s6;
	[smem:$0x7FF] =	sst s5;
	s26 =	smul.u32 $0x138800, s6  }
0xd: {  	s6 =	sadd.s32 $0xA0, s14;
	s7 =	sor.u32 s15, s7;
	s11 =	sshrl.u32 s9, $0x1  }
0xe: {  	_ =	strace $0x80000047;
	s8 =	sshrl.u32 s8, $0x2;
	s23 =	sadd.s32 s0, s10  }
0xf: {  	[dreg:$0x9] =	wrdreg s25;
	s10 =	sadd.s32 $0x140, s14;
	s12 =	smul.u32 $0x2800, s7  }
0x10: {  	s11 =	ssub.s32 s9, s11;
	s8 =	sadd.s32 s8, s4;
	[dreg:$0x8] =	wrdreg s23  }
0x11: {  	p0 =	seq.s32 s7, $0x1F;
	s7 =	sadd.s32 $0xA0, s1;
	[dreg:$0x7] =	wrdreg s8  }
0x12: {  	s8 =	sadd.s32 s13, s26;
	s13 =	sadd.s32 $0x1E0, s14;
	s23 =	smax.u32 s11, $0x1  }
0x13: {  	s11 =	simm.s32 $0x59D8;
	s24 =	sshrl.u32 s12, $0x3;
	s12 =	sadd.s32 $0x140, s1  }
0x14: {  	s8 =	sshrl.u32 s8, $0x3;
	[dreg:$0x17] =	wrdreg s23;
	s23 =	simm.s32 $0x1  }
0x15: {  	s9 =	sadd.s32 s2, s24;
	s2 =	sshrl.u32 s26, $0x3;
	s8 =	sadd.s32 s3, s8  }
0x16: {  	s16 =	sadd.s32 $0x1E0, s9;
	s17 =	sadd.s32 $0x9E20, s9;
	s18 =	sadd.s32 $0x280, s9  }
0x17: {  	s19 =	sadd.s32 $0x9EC0, s9;
	s20 =	sadd.s32 $0x320, s9;
	s21 =	sadd.s32 $0x9F60, s9  }
0x18: {  	[dreg:$0x10] =	wrdreg s8;
	s2 =	sadd.s32 s3, s2;
	s3 =	sadd.s32 $0x1E0, s1  }
0x19: {  	s8 =	sadd.s32 $0x3C0, s9;
	s22 =	sadd.s32 $0x9D80, s9;
	s24 =	sadd.s32 $0xA0, s9  }
0x1a: {  	s25 =	sadd.s32 $0x9CE0, s9;
	s26 =	sadd.s32 $0x140, s9;
	[dreg:$0x18] =	wrdreg s24  }
0x1b: {  	s16 =	smov.u32 @p0 s6;
	s17 =	smov.u32 @p0 s7;
	[dreg:$0x19] =	wrdreg s25  }
0x1c: {  	s18 =	smov.u32 @p0 s10;
	s6 =	sadd.s32 $0x280, s14;
	[dreg:$0x1a] =	wrdreg s26  }
0x1d: {  	s19 =	smov.u32 @p0 s12;
	s7 =	sadd.s32 $0x280, s1;
	[dreg:$0xa] =	wrdreg s16  }
0x1e: {  	s20 =	smov.u32 @p0 s13;
	s10 =	sadd.s32 $0x460, s9;
	[dreg:$0xb] =	wrdreg s17  }
0x1f: {  	s21 =	smov.u32 @p0 s3;
	s3 =	sadd.s32 $0x320, s14;
	[dreg:$0xc] =	wrdreg s18  }
0x20: {  	s22 =	smov.u32 @p0 s1;
	s24 =	simm.s32 $0x2;
	[dreg:$0xd] =	wrdreg s19  }
0x21: {  	s25 =	simm.s32 $0x3;
	s26 =	simm.s32 $0x4;
	[dreg:$0xe] =	wrdreg s20  }
0x22: {  	s12 =	simm.s32 $0x0;
	s16 =	sadd.s32 $0xA000, s9;
	[dreg:$0xf] =	wrdreg s21  }
0x23: {  	s20 =	sadd.s32 $0xA0A0, s9;
	s8 =	smov.u32 @p0 s6;
	s6 =	sadd.s32 $0x320, s1  }
0x24: {  	s10 =	smov.u32 @p0 s3;
	s18 =	sadd.s32 $0x25800, s0;
	[dreg:$0x11] =	wrdreg s8  }
0x25: {  	s19 =	sadd.s32 $0x9C40, s9;
	s21 =	sadd.s32 $0x25800, s2;
	[dreg:$0x13] =	wrdreg s10  }
0x26: {  	s1 =	simm.s32 $0x5500;
	s2 =	simm.s32 $0x28;
	[dreg:$0x14] =	wrdreg s18  }
0x27: {  	s3 =	simm.s32 $0x5028;
	s16 =	smov.u32 @p0 s7;
	[dreg:$0x15] =	wrdreg s19  }
0x28: {  	s20 =	smov.u32 @p0 s6;
	[dreg:$0x16] =	wrdreg s21;
	s6 =	simm.s32 $0x1400  }
0x29: {  	s7 =	simm.s32 $0x5050;
	s8 =	simm.s32 $0x2800;
	s21 =	simm.s32 $0x3C00  }
0x2a: {  	s10 =	simm.s32 $0x59B0;
	[dreg:$0x12] =	wrdreg s16;
	s16 =	simm.s32 $0x5078  }
.LBB2_1:
0x2b: {  	s13 =	rddreg [dreg:$0x9]  }
0x2c: {  	s14 =	simm.s32 @p1 $0x1FC5;
	s15 =	rddreg [dreg:$0x14];
	s13 =	sshrl.u32 @p1 s13, $0x3  }
0x2d: {  	[spmem:s13], [sflag:s14] =	dma.local @p1 [hbm:s15], $0x1900  }
0x2e: {  	s14 =	simm.s32 @p1 $0x5  }
0x2f: {  	s15 =	stileid.u32;
	_ =	swait.ge @p1 [sflag:s14], $0x1900  }
0x30: {  	s15 =	sshll.u32 @!p1 s15, $0x6;
	[sflag:s14] =	ssyncset.done @p1 $0x0  }
0x31: {  	[sflag:s14] =	ssyncadd.s32 @p1 $0xFFFFE700;
	s14 =	sor.u32 @!p1 $0x1C05, s15;
	s15 =	rddreg [dreg:$0x7]  }
0x32: {  	s17 =	rddreg [dreg:$0x8];
	s15 =	sshrl.u32 @!p1 s15, $0x3  }
0x33: {  	[spmem:s15], [sflag:s14] =	dma.local @!p1 [hbm:s17], $0x2800  }
0x34: {  	s17 =	simm.s32 @!p1 $0x5  }
0x35: {  	_ =	swait.ge @!p1 [sflag:s17], $0x2800  }
0x36: {  	[sflag:s17] =	ssyncset.done @!p1 $0x0  }
0x37: {  	[sflag:s17] =	ssyncadd.s32 @!p1 $0xFFFFD800  }
0x38: {  	[bflag:$0x0] =	sbarrier.arrive $0xFFFF  }
0x39: {  	[tilespmem:s30], [sflag:$0x5] =	stream.linear.gather [hbm4b:s9+s5], $0x500, $0x38;
	[tilespmem:$0x19A00] =	vst v63  }
0x3a: {  	_ =	swait.ge [sflag:s31], $0x500  }
0x3b: {  	[sflag:s31] =	ssyncset.done $0x0  }
0x3c: {  	s18 =	rddreg [dreg:$0x15];
	[sflag:s31] =	ssyncadd.s32 $0xFFFFFB00  }
0x3d: {  	[tilespmem:s1], [sflag:$0x5] =	stream.linear.gather [hbm4b:s18+s5], $0x500, $0x38;
	[tilespmem:$0x19A00] =	vst v63  }
0x3e: {  	_ =	swait.ge [sflag:s31], $0x500  }
0x3f: {  	[sflag:s31] =	ssyncset.done $0x0  }
0x40: {  	[sflag:s31] =	ssyncadd.s32 $0xFFFFFB00  }
0x41: {  	[tilespmem:s5], [sflag:$0x1] =	stream.indirect.gather [hbm4b:s0+s2], $0x80, s30, s2, $0xb8;
	[tilespmem:$0x19A00] =	vst v63  }
0x42: {  	_ = 	snop  }
0x43: {  	[tilespmem:s6], [sflag:$0x2] =	stream.indirect.gather [hbm4b:s0+s2], $0x80, s3, s2, $0xb8;
	[tilespmem:$0x19A00] =	vst v63  }
0x44: {  	_ = 	snop  }
0x45: {  	[tilespmem:s8], [sflag:$0x3] =	stream.indirect.gather [hbm4b:s0+s2], $0x80, s7, s2, $0xb8;
	[tilespmem:$0x19A00] =	vst v63  }
0x46: {  	_ = 	snop  }
0x47: {  	[tilespmem:s21], [sflag:$0x4] =	stream.indirect.gather [hbm4b:s0+s2], $0x80, s16, s2, $0xb8;
	[tilespmem:$0x19A00] =	vst v63  }
0x48: {  	_ =	swait.ge [sflag:s23], $0x1400  }
0x49: {  	[sflag:s23] =	ssyncset.done $0x0  }
0x4a: {  	s19 =	simm.s32 $0x5500;
	[sflag:s23] =	ssyncadd.s32 $0xFFFFEC00  }
0x4b: {  	[spmem:s4] =	stream.indirect.scatter.add.f32 [tilespmem:s5], [sflag:$0x5], $0x80, s19, s2, $0xb8;
	[tilespmem:$0x19A00] =	vst v63  }
0x4c: {  	_ =	swait.ge [sflag:s31], $0x1400  }
0x4d: {  	[sflag:s31] =	ssyncset.done $0x0  }
0x4e: {  	s18 =	simm.s32 $0x50A0;
	[sflag:s31] =	ssyncadd.s32 $0xFFFFEC00  }
0x4f: {  	[tilespmem:s5], [sflag:$0x1] =	stream.indirect.gather [hbm4b:s0+s2], $0x80, s18, s2, $0xb8;
	[tilespmem:$0x19A00] =	vst v63  }
0x50: {  	_ =	swait.ge [sflag:s24], $0x1400  }
0x51: {  	[sflag:s24] =	ssyncset.done $0x0  }
0x52: {  	s19 =	simm.s32 $0x5528;
	[sflag:s24] =	ssyncadd.s32 $0xFFFFEC00  }
0x53: {  	[spmem:s4] =	stream.indirect.scatter.add.f32 [tilespmem:s6], [sflag:$0x5], $0x80, s19, s2, $0xb8;
	[tilespmem:$0x19A00] =	vst v63  }
0x54: {  	_ =	swait.ge [sflag:s31], $0x1400  }
0x55: {  	[sflag:s31] =	ssyncset.done $0x0  }
0x56: {  	s18 =	simm.s32 $0x50C8;
	[sflag:s31] =	ssyncadd.s32 $0xFFFFEC00  }
0x57: {  	[tilespmem:s6], [sflag:$0x2] =	stream.indirect.gather [hbm4b:s0+s2], $0x80, s18, s2, $0xb8;
	[tilespmem:$0x19A00] =	vst v63  }
0x58: {  	_ =	swait.ge [sflag:s25], $0x1400  }
0x59: {  	[sflag:s25] =	ssyncset.done $0x0  }
0x5a: {  	s19 =	simm.s32 $0x5550;
	[sflag:s25] =	ssyncadd.s32 $0xFFFFEC00  }
0x5b: {  	[spmem:s4] =	stream.indirect.scatter.add.f32 [tilespmem:s8], [sflag:$0x5], $0x80, s19, s2, $0xb8;
	[tilespmem:$0x19A00] =	vst v63  }
0x5c: {  	_ =	swait.ge [sflag:s31], $0x1400  }
0x5d: {  	[sflag:s31] =	ssyncset.done $0x0  }
0x5e: {  	s18 =	simm.s32 $0x50F0;
	[sflag:s31] =	ssyncadd.s32 $0xFFFFEC00  }
0x5f: {  	[tilespmem:s8], [sflag:$0x3] =	stream.indirect.gather [hbm4b:s0+s2], $0x80, s18, s2, $0xb8;
	[tilespmem:$0x19A00] =	vst v63  }
0x60: {  	_ =	swait.ge [sflag:s26], $0x1400  }
0x61: {  	[sflag:s26] =	ssyncset.done $0x0  }
0x62: {  	s19 =	simm.s32 $0x5578;
	[sflag:s26] =	ssyncadd.s32 $0xFFFFEC00  }
0x63: {  	[spmem:s4] =	stream.indirect.scatter.add.f32 [tilespmem:s21], [sflag:$0x5], $0x80, s19, s2, $0xb8;
	[tilespmem:$0x19A00] =	vst v63  }
0x64: {  	_ =	swait.ge [sflag:s31], $0x1400  }
0x65: {  	[sflag:s31] =	ssyncset.done $0x0  }
0x66: {  	s17 =	simm.s32 $0x280;
	s18 =	simm.s32 $0x5118;
	[sflag:s31] =	ssyncadd.s32 $0xFFFFEC00  }
.LBB2_2:
0x67: {  	[tilespmem:s21], [sflag:$0x4] =	stream.indirect.gather [hbm4b:s0+s2], $0x80, s18, s2, $0xb8;
	[tilespmem:$0x19A00] =	vst v63  }
0x68: {  	s18 =	smov.u32 s17  }
0x69: {  	p2 =	sne.s32 s17, $0xF00;
	s17 =	sadd.s32 $0x280, s17;
	_ =	swait.ge [sflag:s23], $0x1400  }
0x6a: {  	s18 =	sshra.s32 s18, $0x2;
	[sflag:s23] =	ssyncset.done $0x0  }
0x6b: {  	s19 =	sadd.s32 $0x5500, s18;
	[sflag:s23] =	ssyncadd.s32 $0xFFFFEC00  }
0x6c: {  	[spmem:s4] =	stream.indirect.scatter.add.f32 [tilespmem:s5], [sflag:$0x5], $0x80, s19, s2, $0xb8;
	[tilespmem:$0x19A00] =	vst v63  }
0x6d: {  	_ =	swait.ge [sflag:s31], $0x1400  }
0x6e: {  	[sflag:s31] =	ssyncset.done $0x0  }
0x6f: {  	s19 =	sadd.s32 $0x50A0, s18;
	[sflag:s31] =	ssyncadd.s32 $0xFFFFEC00  }
0x70: {  	[tilespmem:s5], [sflag:$0x1] =	stream.indirect.gather [hbm4b:s0+s2], $0x80, s19, s2, $0xb8;
	[tilespmem:$0x19A00] =	vst v63  }
0x71: {  	_ =	swait.ge [sflag:s24], $0x1400  }
0x72: {  	[sflag:s24] =	ssyncset.done $0x0  }
0x73: {  	s19 =	sadd.s32 $0x5528, s18;
	[sflag:s24] =	ssyncadd.s32 $0xFFFFEC00  }
0x74: {  	[spmem:s4] =	stream.indirect.scatter.add.f32 [tilespmem:s6], [sflag:$0x5], $0x80, s19, s2, $0xb8;
	[tilespmem:$0x19A00] =	vst v63  }
0x75: {  	_ =	swait.ge [sflag:s31], $0x1400  }
0x76: {  	[sflag:s31] =	ssyncset.done $0x0  }
0x77: {  	s19 =	sadd.s32 $0x50C8, s18;
	[sflag:s31] =	ssyncadd.s32 $0xFFFFEC00  }
0x78: {  	[tilespmem:s6], [sflag:$0x2] =	stream.indirect.gather [hbm4b:s0+s2], $0x80, s19, s2, $0xb8;
	[tilespmem:$0x19A00] =	vst v63  }
0x79: {  	_ =	swait.ge [sflag:s25], $0x1400  }
0x7a: {  	[sflag:s25] =	ssyncset.done $0x0  }
0x7b: {  	s19 =	sadd.s32 $0x5550, s18;
	[sflag:s25] =	ssyncadd.s32 $0xFFFFEC00  }
0x7c: {  	[spmem:s4] =	stream.indirect.scatter.add.f32 [tilespmem:s8], [sflag:$0x5], $0x80, s19, s2, $0xb8;
	[tilespmem:$0x19A00] =	vst v63  }
0x7d: {  	_ =	swait.ge [sflag:s31], $0x1400  }
0x7e: {  	[sflag:s31] =	ssyncset.done $0x0  }
0x7f: {  	s19 =	sadd.s32 $0x50F0, s18;
	[sflag:s31] =	ssyncadd.s32 $0xFFFFEC00  }
0x80: {  	[tilespmem:s8], [sflag:$0x3] =	stream.indirect.gather [hbm4b:s0+s2], $0x80, s19, s2, $0xb8;
	[tilespmem:$0x19A00] =	vst v63  }
0x81: {  	_ =	swait.ge [sflag:s26], $0x1400  }
0x82: {  	[sflag:s26] =	ssyncset.done $0x0  }
.Ltmp0:
0x83: {  	s19 =	sadd.s32 $0x5578, s18;
	[sflag:s26] =	ssyncadd.s32 $0xFFFFEC00;
	(pc) =	sbr.rel @p2 .LBB2_2-.Ltmp0, $4  }
0x84: {  	[spmem:s4] =	stream.indirect.scatter.add.f32 [tilespmem:s21], [sflag:$0x5], $0x80, s19, s2, $0xb8;
	[tilespmem:$0x19A00] =	vst v63  }
0x85: {  	_ =	swait.ge [sflag:s31], $0x1400  }
0x86: {  	[sflag:s31] =	ssyncset.done $0x0  }
0x87: {  	s18 =	sadd.s32 $0x5118, s18;
	[sflag:s31] =	ssyncadd.s32 $0xFFFFEC00  }
0x88: {  	[tilespmem:s21], [sflag:$0x4] =	stream.indirect.gather [hbm4b:s0+s2], $0x80, s18, s2, $0xb8;
	[tilespmem:$0x19A00] =	vst v63  }
0x89: {  	_ =	swait.ge [sflag:s23], $0x1400  }
0x8a: {  	[sflag:s23] =	ssyncset.done $0x0  }
0x8b: {  	s17 =	simm.s32 $0x0;
	[sflag:s23] =	ssyncadd.s32 $0xFFFFEC00  }
0x8c: {  	[spmem:s4] =	stream.indirect.scatter.add.f32 [tilespmem:s17], [sflag:$0x5], $0x80, s28, s2, $0xb8;
	[tilespmem:$0x19A00] =	vst v63  }
0x8d: {  	_ =	swait.ge [sflag:s31], $0x1400  }
0x8e: {  	[sflag:s31] =	ssyncset.done $0x0  }
0x8f: {  	[sflag:s31] =	ssyncadd.s32 $0xFFFFEC00  }
0x90: {  	_ =	swait.ge [sflag:s24], $0x1400  }
0x91: {  	[sflag:s24] =	ssyncset.done $0x0  }
0x92: {  	[sflag:s24] =	ssyncadd.s32 $0xFFFFEC00  }
0x93: {  	[spmem:s4] =	stream.indirect.scatter.add.f32 [tilespmem:s6], [sflag:$0x5], $0x80, s29, s2, $0xb8;
	[tilespmem:$0x19A00] =	vst v63  }
0x94: {  	_ =	swait.ge [sflag:s31], $0x1400  }
0x95: {  	[sflag:s31] =	ssyncset.done $0x0  }
0x96: {  	[sflag:s31] =	ssyncadd.s32 $0xFFFFEC00  }
0x97: {  	_ =	swait.ge [sflag:s25], $0x1400  }
0x98: {  	[sflag:s25] =	ssyncset.done $0x0  }
0x99: {  	[sflag:s25] =	ssyncadd.s32 $0xFFFFEC00  }
0x9a: {  	[spmem:s4] =	stream.indirect.scatter.add.f32 [tilespmem:s8], [sflag:$0x5], $0x80, s10, s2, $0xb8;
	[tilespmem:$0x19A00] =	vst v63  }
0x9b: {  	_ =	swait.ge [sflag:s31], $0x1400  }
0x9c: {  	[sflag:s31] =	ssyncset.done $0x0  }
0x9d: {  	[sflag:s31] =	ssyncadd.s32 $0xFFFFEC00  }
0x9e: {  	_ =	swait.ge [sflag:s26], $0x1400  }
0x9f: {  	[sflag:s26] =	ssyncset.done $0x0  }
0xa0: {  	[sflag:s26] =	ssyncadd.s32 $0xFFFFEC00  }
0xa1: {  	[spmem:s4] =	stream.indirect.scatter.add.f32 [tilespmem:s21], [sflag:$0x5], $0x80, s11, s2, $0xb8;
	[tilespmem:$0x19A00] =	vst v63  }
0xa2: {  	_ =	swait.ge [sflag:s31], $0x1400  }
0xa3: {  	[sflag:s31] =	ssyncset.done $0x0  }
0xa4: {  	s19 =	rddreg [dreg:$0x18];
	[sflag:s31] =	ssyncadd.s32 $0xFFFFEC00  }
0xa5: {  	[tilespmem:s30], [sflag:$0x5] =	stream.linear.gather [hbm4b:s19+s17], $0x500, $0x38;
	[tilespmem:$0x19A00] =	vst v63  }
0xa6: {  	_ =	swait.ge [sflag:s31], $0x500  }
0xa7: {  	[sflag:s31] =	ssyncset.done $0x0  }
0xa8: {  	s19 =	rddreg [dreg:$0x19];
	[sflag:s31] =	ssyncadd.s32 $0xFFFFFB00  }
0xa9: {  	[tilespmem:s1], [sflag:$0x5] =	stream.linear.gather [hbm4b:s19+s17], $0x500, $0x38;
	[tilespmem:$0x19A00] =	vst v63  }
0xaa: {  	_ =	swait.ge [sflag:s31], $0x500  }
0xab: {  	[sflag:s31] =	ssyncset.done $0x0  }
0xac: {  	[sflag:s31] =	ssyncadd.s32 $0xFFFFFB00  }
0xad: {  	[tilespmem:s17], [sflag:$0x1] =	stream.indirect.gather [hbm4b:s0+s2], $0x80, s30, s2, $0xb8;
	[tilespmem:$0x19A00] =	vst v63  }
0xae: {  	_ = 	snop  }
0xaf: {  	[tilespmem:s6], [sflag:$0x2] =	stream.indirect.gather [hbm4b:s0+s2], $0x80, s3, s2, $0xb8;
	[tilespmem:$0x19A00] =	vst v63  }
0xb0: {  	_ = 	snop  }
0xb1: {  	[tilespmem:s8], [sflag:$0x3] =	stream.indirect.gather [hbm4b:s0+s2], $0x80, s7, s2, $0xb8;
	[tilespmem:$0x19A00] =	vst v63  }
0xb2: {  	_ = 	snop  }
0xb3: {  	[tilespmem:s21], [sflag:$0x4] =	stream.indirect.gather [hbm4b:s0+s2], $0x80, s16, s2, $0xb8;
	[tilespmem:$0x19A00] =	vst v63  }
0xb4: {  	_ =	swait.ge [sflag:s23], $0x1400  }
0xb5: {  	[sflag:s23] =	ssyncset.done $0x0  }
0xb6: {  	s19 =	simm.s32 $0x5500;
	[sflag:s23] =	ssyncadd.s32 $0xFFFFEC00  }
0xb7: {  	[spmem:s4] =	stream.indirect.scatter.add.f32 [tilespmem:s5], [sflag:$0x5], $0x80, s19, s2, $0xb8;
	[tilespmem:$0x19A00] =	vst v63  }
0xb8: {  	_ =	swait.ge [sflag:s31], $0x1400  }
0xb9: {  	[sflag:s31] =	ssyncset.done $0x0  }
0xba: {  	s18 =	simm.s32 $0x50A0;
	[sflag:s31] =	ssyncadd.s32 $0xFFFFEC00  }
0xbb: {  	[tilespmem:s5], [sflag:$0x1] =	stream.indirect.gather [hbm4b:s0+s2], $0x80, s18, s2, $0xb8;
	[tilespmem:$0x19A00] =	vst v63  }
0xbc: {  	_ =	swait.ge [sflag:s24], $0x1400  }
0xbd: {  	[sflag:s24] =	ssyncset.done $0x0  }
0xbe: {  	s19 =	simm.s32 $0x5528;
	[sflag:s24] =	ssyncadd.s32 $0xFFFFEC00  }
0xbf: {  	[spmem:s4] =	stream.indirect.scatter.add.f32 [tilespmem:s6], [sflag:$0x5], $0x80, s19, s2, $0xb8;
	[tilespmem:$0x19A00] =	vst v63  }
0xc0: {  	_ =	swait.ge [sflag:s31], $0x1400  }
0xc1: {  	[sflag:s31] =	ssyncset.done $0x0  }
0xc2: {  	s18 =	simm.s32 $0x50C8;
	[sflag:s31] =	ssyncadd.s32 $0xFFFFEC00  }
0xc3: {  	[tilespmem:s6], [sflag:$0x2] =	stream.indirect.gather [hbm4b:s0+s2], $0x80, s18, s2, $0xb8;
	[tilespmem:$0x19A00] =	vst v63  }
0xc4: {  	_ =	swait.ge [sflag:s25], $0x1400  }
0xc5: {  	[sflag:s25] =	ssyncset.done $0x0  }
0xc6: {  	s19 =	simm.s32 $0x5550;
	[sflag:s25] =	ssyncadd.s32 $0xFFFFEC00  }
0xc7: {  	[spmem:s4] =	stream.indirect.scatter.add.f32 [tilespmem:s8], [sflag:$0x5], $0x80, s19, s2, $0xb8;
	[tilespmem:$0x19A00] =	vst v63  }
0xc8: {  	_ =	swait.ge [sflag:s31], $0x1400  }
0xc9: {  	[sflag:s31] =	ssyncset.done $0x0  }
0xca: {  	s18 =	simm.s32 $0x50F0;
	[sflag:s31] =	ssyncadd.s32 $0xFFFFEC00  }
0xcb: {  	[tilespmem:s8], [sflag:$0x3] =	stream.indirect.gather [hbm4b:s0+s2], $0x80, s18, s2, $0xb8;
	[tilespmem:$0x19A00] =	vst v63  }
0xcc: {  	_ =	swait.ge [sflag:s26], $0x1400  }
0xcd: {  	[sflag:s26] =	ssyncset.done $0x0  }
0xce: {  	s19 =	simm.s32 $0x5578;
	[sflag:s26] =	ssyncadd.s32 $0xFFFFEC00  }
0xcf: {  	[spmem:s4] =	stream.indirect.scatter.add.f32 [tilespmem:s21], [sflag:$0x5], $0x80, s19, s2, $0xb8;
	[tilespmem:$0x19A00] =	vst v63  }
0xd0: {  	_ =	swait.ge [sflag:s31], $0x1400  }
0xd1: {  	[sflag:s31] =	ssyncset.done $0x0  }
0xd2: {  	s17 =	simm.s32 $0x280;
	s18 =	simm.s32 $0x5118;
	[sflag:s31] =	ssyncadd.s32 $0xFFFFEC00  }
.LBB2_4:
0xd3: {  	[tilespmem:s21], [sflag:$0x4] =	stream.indirect.gather [hbm4b:s0+s2], $0x80, s18, s2, $0xb8;
	[tilespmem:$0x19A00] =	vst v63  }
0xd4: {  	s18 =	smov.u32 s17  }
0xd5: {  	p2 =	sne.s32 s17, $0xF00;
	s17 =	sadd.s32 $0x280, s17;
	_ =	swait.ge [sflag:s23], $0x1400  }
0xd6: {  	s18 =	sshra.s32 s18, $0x2;
	[sflag:s23] =	ssyncset.done $0x0  }
0xd7: {  	s19 =	sadd.s32 $0x5500, s18;
	[sflag:s23] =	ssyncadd.s32 $0xFFFFEC00  }
0xd8: {  	[spmem:s4] =	stream.indirect.scatter.add.f32 [tilespmem:s5], [sflag:$0x5], $0x80, s19, s2, $0xb8;
	[tilespmem:$0x19A00] =	vst v63  }
0xd9: {  	_ =	swait.ge [sflag:s31], $0x1400  }
0xda: {  	[sflag:s31] =	ssyncset.done $0x0  }
0xdb: {  	s19 =	sadd.s32 $0x50A0, s18;
	[sflag:s31] =	ssyncadd.s32 $0xFFFFEC00  }
0xdc: {  	[tilespmem:s5], [sflag:$0x1] =	stream.indirect.gather [hbm4b:s0+s2], $0x80, s19, s2, $0xb8;
	[tilespmem:$0x19A00] =	vst v63  }
0xdd: {  	_ =	swait.ge [sflag:s24], $0x1400  }
0xde: {  	[sflag:s24] =	ssyncset.done $0x0  }
0xdf: {  	s19 =	sadd.s32 $0x5528, s18;
	[sflag:s24] =	ssyncadd.s32 $0xFFFFEC00  }
0xe0: {  	[spmem:s4] =	stream.indirect.scatter.add.f32 [tilespmem:s6], [sflag:$0x5], $0x80, s19, s2, $0xb8;
	[tilespmem:$0x19A00] =	vst v63  }
0xe1: {  	_ =	swait.ge [sflag:s31], $0x1400  }
0xe2: {  	[sflag:s31] =	ssyncset.done $0x0  }
0xe3: {  	s19 =	sadd.s32 $0x50C8, s18;
	[sflag:s31] =	ssyncadd.s32 $0xFFFFEC00  }
0xe4: {  	[tilespmem:s6], [sflag:$0x2] =	stream.indirect.gather [hbm4b:s0+s2], $0x80, s19, s2, $0xb8;
	[tilespmem:$0x19A00] =	vst v63  }
0xe5: {  	_ =	swait.ge [sflag:s25], $0x1400  }
0xe6: {  	[sflag:s25] =	ssyncset.done $0x0  }
0xe7: {  	s19 =	sadd.s32 $0x5550, s18;
	[sflag:s25] =	ssyncadd.s32 $0xFFFFEC00  }
0xe8: {  	[spmem:s4] =	stream.indirect.scatter.add.f32 [tilespmem:s8], [sflag:$0x5], $0x80, s19, s2, $0xb8;
	[tilespmem:$0x19A00] =	vst v63  }
0xe9: {  	_ =	swait.ge [sflag:s31], $0x1400  }
0xea: {  	[sflag:s31] =	ssyncset.done $0x0  }
0xeb: {  	s19 =	sadd.s32 $0x50F0, s18;
	[sflag:s31] =	ssyncadd.s32 $0xFFFFEC00  }
0xec: {  	[tilespmem:s8], [sflag:$0x3] =	stream.indirect.gather [hbm4b:s0+s2], $0x80, s19, s2, $0xb8;
	[tilespmem:$0x19A00] =	vst v63  }
0xed: {  	_ =	swait.ge [sflag:s26], $0x1400  }
0xee: {  	[sflag:s26] =	ssyncset.done $0x0  }
.Ltmp1:
0xef: {  	s19 =	sadd.s32 $0x5578, s18;
	[sflag:s26] =	ssyncadd.s32 $0xFFFFEC00;
	(pc) =	sbr.rel @p2 .LBB2_4-.Ltmp1, $4  }
0xf0: {  	[spmem:s4] =	stream.indirect.scatter.add.f32 [tilespmem:s21], [sflag:$0x5], $0x80, s19, s2, $0xb8;
	[tilespmem:$0x19A00] =	vst v63  }
0xf1: {  	_ =	swait.ge [sflag:s31], $0x1400  }
0xf2: {  	[sflag:s31] =	ssyncset.done $0x0  }
0xf3: {  	s18 =	sadd.s32 $0x5118, s18;
	[sflag:s31] =	ssyncadd.s32 $0xFFFFEC00  }
0xf4: {  	[tilespmem:s21], [sflag:$0x4] =	stream.indirect.gather [hbm4b:s0+s2], $0x80, s18, s2, $0xb8;
	[tilespmem:$0x19A00] =	vst v63  }
0xf5: {  	_ =	swait.ge [sflag:s23], $0x1400  }
0xf6: {  	[sflag:s23] =	ssyncset.done $0x0  }
0xf7: {  	[sflag:s23] =	ssyncadd.s32 $0xFFFFEC00  }
0xf8: {  	[spmem:s4] =	stream.indirect.scatter.add.f32 [tilespmem:s5], [sflag:$0x5], $0x80, s28, s2, $0xb8;
	[tilespmem:$0x19A00] =	vst v63  }
0xf9: {  	_ =	swait.ge [sflag:s31], $0x1400  }
0xfa: {  	[sflag:s31] =	ssyncset.done $0x0  }
0xfb: {  	[sflag:s31] =	ssyncadd.s32 $0xFFFFEC00  }
0xfc: {  	_ =	swait.ge [sflag:s24], $0x1400  }
0xfd: {  	[sflag:s24] =	ssyncset.done $0x0  }
0xfe: {  	[sflag:s24] =	ssyncadd.s32 $0xFFFFEC00  }
0xff: {  	[spmem:s4] =	stream.indirect.scatter.add.f32 [tilespmem:s6], [sflag:$0x5], $0x80, s29, s2, $0xb8;
	[tilespmem:$0x19A00] =	vst v63  }
0x100: {  	_ =	swait.ge [sflag:s31], $0x1400  }
0x101: {  	[sflag:s31] =	ssyncset.done $0x0  }
0x102: {  	[sflag:s31] =	ssyncadd.s32 $0xFFFFEC00  }
0x103: {  	_ =	swait.ge [sflag:s25], $0x1400  }
0x104: {  	[sflag:s25] =	ssyncset.done $0x0  }
0x105: {  	[sflag:s25] =	ssyncadd.s32 $0xFFFFEC00  }
0x106: {  	[spmem:s4] =	stream.indirect.scatter.add.f32 [tilespmem:s8], [sflag:$0x5], $0x80, s10, s2, $0xb8;
	[tilespmem:$0x19A00] =	vst v63  }
0x107: {  	_ =	swait.ge [sflag:s31], $0x1400  }
0x108: {  	[sflag:s31] =	ssyncset.done $0x0  }
0x109: {  	[sflag:s31] =	ssyncadd.s32 $0xFFFFEC00  }
0x10a: {  	_ =	swait.ge [sflag:s26], $0x1400  }
0x10b: {  	[sflag:s26] =	ssyncset.done $0x0  }
0x10c: {  	[sflag:s26] =	ssyncadd.s32 $0xFFFFEC00  }
0x10d: {  	[spmem:s4] =	stream.indirect.scatter.add.f32 [tilespmem:s21], [sflag:$0x5], $0x80, s11, s2, $0xb8;
	[tilespmem:$0x19A00] =	vst v63  }
0x10e: {  	_ =	swait.ge [sflag:s31], $0x1400  }
0x10f: {  	[sflag:s31] =	ssyncset.done $0x0  }
0x110: {  	[sflag:s31] =	ssyncadd.s32 $0xFFFFEC00  }
0x111: {  	s17 =	simm.s32 @p0 $0x0;
	s18 =	simm.s32 @p0 $0x5000;
	s19 =	rddreg [dreg:$0x2]  }
0x112: {  	[tilespmem:s18], [sflag:$0x5] =	stream.linear.gather @p0 [hbm4b:s19+s17], $0x500, $0x38;
	[tilespmem:$0x19A00] =	vst v63  }
0x113: {  	s17 =	simm.s32 @p0 $0x5  }
0x114: {  	_ =	swait.ge @p0 [sflag:s17], $0x500  }
0x115: {  	s18 =	simm.s32 @!p0 $0x5000;
	[sflag:s17] =	ssyncset.done @p0 $0x0  }
0x116: {  	s19 =	rddreg [dreg:$0x1a];
	[sflag:s17] =	ssyncadd.s32 @p0 $0xFFFFFB00;
	s17 =	simm.s32 @!p0 $0x0  }
0x117: {  	[tilespmem:s18], [sflag:$0x5] =	stream.linear.gather @!p0 [hbm4b:s19+s17], $0x500, $0x38;
	[tilespmem:$0x19A00] =	vst v63  }
0x118: {  	s17 =	simm.s32 @!p0 $0x5  }
0x119: {  	_ =	swait.ge @!p0 [sflag:s17], $0x500  }
0x11a: {  	[sflag:s17] =	ssyncset.done @!p0 $0x0  }
0x11b: {  	s18 =	simm.s32 $0x0;
	[sflag:s17] =	ssyncadd.s32 @!p0 $0xFFFFFB00  }
0x11c: {  	[tilespmem:s1], [sflag:$0x5] =	stream.linear.gather [hbm4b:s22+s18], $0x500, $0x38;
	[tilespmem:$0x19A00] =	vst v63  }
0x11d: {  	_ =	swait.ge [sflag:s31], $0x500  }
0x11e: {  	[sflag:s31] =	ssyncset.done $0x0  }
0x11f: {  	[sflag:s31] =	ssyncadd.s32 $0xFFFFFB00  }
0x120: {  	[tilespmem:s18], [sflag:$0x1] =	stream.indirect.gather [hbm4b:s0+s2], $0x80, s30, s2, $0xb8;
	[tilespmem:$0x19A00] =	vst v63  }
0x121: {  	_ = 	snop  }
0x122: {  	[tilespmem:s6], [sflag:$0x2] =	stream.indirect.gather [hbm4b:s0+s2], $0x80, s3, s2, $0xb8;
	[tilespmem:$0x19A00] =	vst v63  }
0x123: {  	_ = 	snop  }
0x124: {  	[tilespmem:s8], [sflag:$0x3] =	stream.indirect.gather [hbm4b:s0+s2], $0x80, s7, s2, $0xb8;
	[tilespmem:$0x19A00] =	vst v63  }
0x125: {  	_ = 	snop  }
0x126: {  	[tilespmem:s21], [sflag:$0x4] =	stream.indirect.gather [hbm4b:s0+s2], $0x80, s16, s2, $0xb8;
	[tilespmem:$0x19A00] =	vst v63  }
0x127: {  	_ =	swait.ge [sflag:s23], $0x1400  }
0x128: {  	[sflag:s23] =	ssyncset.done $0x0  }
0x129: {  	s19 =	simm.s32 $0x5500;
	[sflag:s23] =	ssyncadd.s32 $0xFFFFEC00  }
0x12a: {  	[spmem:s4] =	stream.indirect.scatter.add.f32 [tilespmem:s5], [sflag:$0x5], $0x80, s19, s2, $0xb8;
	[tilespmem:$0x19A00] =	vst v63  }
0x12b: {  	_ =	swait.ge [sflag:s31], $0x1400  }
0x12c: {  	[sflag:s31] =	ssyncset.done $0x0  }
0x12d: {  	s18 =	simm.s32 $0x50A0;
	[sflag:s31] =	ssyncadd.s32 $0xFFFFEC00  }
0x12e: {  	[tilespmem:s5], [sflag:$0x1] =	stream.indirect.gather [hbm4b:s0+s2], $0x80, s18, s2, $0xb8;
	[tilespmem:$0x19A00] =	vst v63  }
0x12f: {  	_ =	swait.ge [sflag:s24], $0x1400  }
0x130: {  	[sflag:s24] =	ssyncset.done $0x0  }
0x131: {  	s19 =	simm.s32 $0x5528;
	[sflag:s24] =	ssyncadd.s32 $0xFFFFEC00  }
0x132: {  	[spmem:s4] =	stream.indirect.scatter.add.f32 [tilespmem:s6], [sflag:$0x5], $0x80, s19, s2, $0xb8;
	[tilespmem:$0x19A00] =	vst v63  }
0x133: {  	_ =	swait.ge [sflag:s31], $0x1400  }
0x134: {  	[sflag:s31] =	ssyncset.done $0x0  }
0x135: {  	s18 =	simm.s32 $0x50C8;
	[sflag:s31] =	ssyncadd.s32 $0xFFFFEC00  }
0x136: {  	[tilespmem:s6], [sflag:$0x2] =	stream.indirect.gather [hbm4b:s0+s2], $0x80, s18, s2, $0xb8;
	[tilespmem:$0x19A00] =	vst v63  }
0x137: {  	_ =	swait.ge [sflag:s25], $0x1400  }
0x138: {  	[sflag:s25] =	ssyncset.done $0x0  }
0x139: {  	s19 =	simm.s32 $0x5550;
	[sflag:s25] =	ssyncadd.s32 $0xFFFFEC00  }
0x13a: {  	[spmem:s4] =	stream.indirect.scatter.add.f32 [tilespmem:s8], [sflag:$0x5], $0x80, s19, s2, $0xb8;
	[tilespmem:$0x19A00] =	vst v63  }
0x13b: {  	_ =	swait.ge [sflag:s31], $0x1400  }
0x13c: {  	[sflag:s31] =	ssyncset.done $0x0  }
0x13d: {  	s18 =	simm.s32 $0x50F0;
	[sflag:s31] =	ssyncadd.s32 $0xFFFFEC00  }
0x13e: {  	[tilespmem:s8], [sflag:$0x3] =	stream.indirect.gather [hbm4b:s0+s2], $0x80, s18, s2, $0xb8;
	[tilespmem:$0x19A00] =	vst v63  }
0x13f: {  	_ =	swait.ge [sflag:s26], $0x1400  }
0x140: {  	[sflag:s26] =	ssyncset.done $0x0  }
0x141: {  	s19 =	simm.s32 $0x5578;
	[sflag:s26] =	ssyncadd.s32 $0xFFFFEC00  }
0x142: {  	[spmem:s4] =	stream.indirect.scatter.add.f32 [tilespmem:s21], [sflag:$0x5], $0x80, s19, s2, $0xb8;
	[tilespmem:$0x19A00] =	vst v63  }
0x143: {  	_ =	swait.ge [sflag:s31], $0x1400  }
0x144: {  	[sflag:s31] =	ssyncset.done $0x0  }
0x145: {  	s17 =	simm.s32 $0x280;
	s18 =	simm.s32 $0x5118;
	[sflag:s31] =	ssyncadd.s32 $0xFFFFEC00  }
.LBB2_6:
0x146: {  	[tilespmem:s21], [sflag:$0x4] =	stream.indirect.gather [hbm4b:s0+s2], $0x80, s18, s2, $0xb8;
	[tilespmem:$0x19A00] =	vst v63  }
0x147: {  	s18 =	smov.u32 s17  }
0x148: {  	p2 =	sne.s32 s17, $0xF00;
	s17 =	sadd.s32 $0x280, s17;
	_ =	swait.ge [sflag:s23], $0x1400  }
0x149: {  	s18 =	sshra.s32 s18, $0x2;
	[sflag:s23] =	ssyncset.done $0x0  }
0x14a: {  	s19 =	sadd.s32 $0x5500, s18;
	[sflag:s23] =	ssyncadd.s32 $0xFFFFEC00  }
0x14b: {  	[spmem:s4] =	stream.indirect.scatter.add.f32 [tilespmem:s5], [sflag:$0x5], $0x80, s19, s2, $0xb8;
	[tilespmem:$0x19A00] =	vst v63  }
0x14c: {  	_ =	swait.ge [sflag:s31], $0x1400  }
0x14d: {  	[sflag:s31] =	ssyncset.done $0x0  }
0x14e: {  	s19 =	sadd.s32 $0x50A0, s18;
	[sflag:s31] =	ssyncadd.s32 $0xFFFFEC00  }
0x14f: {  	[tilespmem:s5], [sflag:$0x1] =	stream.indirect.gather [hbm4b:s0+s2], $0x80, s19, s2, $0xb8;
	[tilespmem:$0x19A00] =	vst v63  }
0x150: {  	_ =	swait.ge [sflag:s24], $0x1400  }
0x151: {  	[sflag:s24] =	ssyncset.done $0x0  }
0x152: {  	s19 =	sadd.s32 $0x5528, s18;
	[sflag:s24] =	ssyncadd.s32 $0xFFFFEC00  }
0x153: {  	[spmem:s4] =	stream.indirect.scatter.add.f32 [tilespmem:s6], [sflag:$0x5], $0x80, s19, s2, $0xb8;
	[tilespmem:$0x19A00] =	vst v63  }
0x154: {  	_ =	swait.ge [sflag:s31], $0x1400  }
0x155: {  	[sflag:s31] =	ssyncset.done $0x0  }
0x156: {  	s19 =	sadd.s32 $0x50C8, s18;
	[sflag:s31] =	ssyncadd.s32 $0xFFFFEC00  }
0x157: {  	[tilespmem:s6], [sflag:$0x2] =	stream.indirect.gather [hbm4b:s0+s2], $0x80, s19, s2, $0xb8;
	[tilespmem:$0x19A00] =	vst v63  }
0x158: {  	_ =	swait.ge [sflag:s25], $0x1400  }
0x159: {  	[sflag:s25] =	ssyncset.done $0x0  }
0x15a: {  	s19 =	sadd.s32 $0x5550, s18;
	[sflag:s25] =	ssyncadd.s32 $0xFFFFEC00  }
0x15b: {  	[spmem:s4] =	stream.indirect.scatter.add.f32 [tilespmem:s8], [sflag:$0x5], $0x80, s19, s2, $0xb8;
	[tilespmem:$0x19A00] =	vst v63  }
0x15c: {  	_ =	swait.ge [sflag:s31], $0x1400  }
0x15d: {  	[sflag:s31] =	ssyncset.done $0x0  }
0x15e: {  	s19 =	sadd.s32 $0x50F0, s18;
	[sflag:s31] =	ssyncadd.s32 $0xFFFFEC00  }
0x15f: {  	[tilespmem:s8], [sflag:$0x3] =	stream.indirect.gather [hbm4b:s0+s2], $0x80, s19, s2, $0xb8;
	[tilespmem:$0x19A00] =	vst v63  }
0x160: {  	_ =	swait.ge [sflag:s26], $0x1400  }
0x161: {  	[sflag:s26] =	ssyncset.done $0x0  }
.Ltmp2:
0x162: {  	s19 =	sadd.s32 $0x5578, s18;
	[sflag:s26] =	ssyncadd.s32 $0xFFFFEC00;
	(pc) =	sbr.rel @p2 .LBB2_6-.Ltmp2, $4  }
0x163: {  	[spmem:s4] =	stream.indirect.scatter.add.f32 [tilespmem:s21], [sflag:$0x5], $0x80, s19, s2, $0xb8;
	[tilespmem:$0x19A00] =	vst v63  }
0x164: {  	_ =	swait.ge [sflag:s31], $0x1400  }
0x165: {  	[sflag:s31] =	ssyncset.done $0x0  }
0x166: {  	s18 =	sadd.s32 $0x5118, s18;
	[sflag:s31] =	ssyncadd.s32 $0xFFFFEC00  }
0x167: {  	[tilespmem:s21], [sflag:$0x4] =	stream.indirect.gather [hbm4b:s0+s2], $0x80, s18, s2, $0xb8;
	[tilespmem:$0x19A00] =	vst v63  }
0x168: {  	_ =	swait.ge [sflag:s23], $0x1400  }
0x169: {  	[sflag:s23] =	ssyncset.done $0x0  }
0x16a: {  	s17 =	simm.s32 $0x0;
	[sflag:s23] =	ssyncadd.s32 $0xFFFFEC00  }
0x16b: {  	[spmem:s4] =	stream.indirect.scatter.add.f32 [tilespmem:s17], [sflag:$0x5], $0x80, s28, s2, $0xb8;
	[tilespmem:$0x19A00] =	vst v63  }
0x16c: {  	_ =	swait.ge [sflag:s31], $0x1400  }
0x16d: {  	[sflag:s31] =	ssyncset.done $0x0  }
0x16e: {  	[sflag:s31] =	ssyncadd.s32 $0xFFFFEC00  }
0x16f: {  	_ =	swait.ge [sflag:s24], $0x1400  }
0x170: {  	[sflag:s24] =	ssyncset.done $0x0  }
0x171: {  	[sflag:s24] =	ssyncadd.s32 $0xFFFFEC00  }
0x172: {  	[spmem:s4] =	stream.indirect.scatter.add.f32 [tilespmem:s6], [sflag:$0x5], $0x80, s29, s2, $0xb8;
	[tilespmem:$0x19A00] =	vst v63  }
0x173: {  	_ =	swait.ge [sflag:s31], $0x1400  }
0x174: {  	[sflag:s31] =	ssyncset.done $0x0  }
0x175: {  	[sflag:s31] =	ssyncadd.s32 $0xFFFFEC00  }
0x176: {  	_ =	swait.ge [sflag:s25], $0x1400  }
0x177: {  	[sflag:s25] =	ssyncset.done $0x0  }
0x178: {  	[sflag:s25] =	ssyncadd.s32 $0xFFFFEC00  }
0x179: {  	[spmem:s4] =	stream.indirect.scatter.add.f32 [tilespmem:s8], [sflag:$0x5], $0x80, s10, s2, $0xb8;
	[tilespmem:$0x19A00] =	vst v63  }
0x17a: {  	_ =	swait.ge [sflag:s31], $0x1400  }
0x17b: {  	[sflag:s31] =	ssyncset.done $0x0  }
0x17c: {  	[sflag:s31] =	ssyncadd.s32 $0xFFFFEC00  }
0x17d: {  	_ =	swait.ge [sflag:s26], $0x1400  }
0x17e: {  	[sflag:s26] =	ssyncset.done $0x0  }
0x17f: {  	[sflag:s26] =	ssyncadd.s32 $0xFFFFEC00  }
0x180: {  	[spmem:s4] =	stream.indirect.scatter.add.f32 [tilespmem:s21], [sflag:$0x5], $0x80, s11, s2, $0xb8;
	[tilespmem:$0x19A00] =	vst v63  }
0x181: {  	_ =	swait.ge [sflag:s31], $0x1400  }
0x182: {  	[sflag:s31] =	ssyncset.done $0x0  }
0x183: {  	s19 =	rddreg [dreg:$0xa];
	[sflag:s31] =	ssyncadd.s32 $0xFFFFEC00  }
0x184: {  	[tilespmem:s30], [sflag:$0x5] =	stream.linear.gather [hbm4b:s19+s17], $0x500, $0x38;
	[tilespmem:$0x19A00] =	vst v63  }
0x185: {  	_ =	swait.ge [sflag:s31], $0x500  }
0x186: {  	[sflag:s31] =	ssyncset.done $0x0  }
0x187: {  	s19 =	rddreg [dreg:$0xb];
	[sflag:s31] =	ssyncadd.s32 $0xFFFFFB00  }
0x188: {  	[tilespmem:s1], [sflag:$0x5] =	stream.linear.gather [hbm4b:s19+s17], $0x500, $0x38;
	[tilespmem:$0x19A00] =	vst v63  }
0x189: {  	_ =	swait.ge [sflag:s31], $0x500  }
0x18a: {  	[sflag:s31] =	ssyncset.done $0x0  }
0x18b: {  	[sflag:s31] =	ssyncadd.s32 $0xFFFFFB00  }
0x18c: {  	[tilespmem:s17], [sflag:$0x1] =	stream.indirect.gather [hbm4b:s0+s2], $0x80, s30, s2, $0xb8;
	[tilespmem:$0x19A00] =	vst v63  }
0x18d: {  	_ = 	snop  }
0x18e: {  	[tilespmem:s6], [sflag:$0x2] =	stream.indirect.gather [hbm4b:s0+s2], $0x80, s3, s2, $0xb8;
	[tilespmem:$0x19A00] =	vst v63  }
0x18f: {  	_ = 	snop  }
0x190: {  	[tilespmem:s8], [sflag:$0x3] =	stream.indirect.gather [hbm4b:s0+s2], $0x80, s7, s2, $0xb8;
	[tilespmem:$0x19A00] =	vst v63  }
0x191: {  	_ = 	snop  }
0x192: {  	[tilespmem:s21], [sflag:$0x4] =	stream.indirect.gather [hbm4b:s0+s2], $0x80, s16, s2, $0xb8;
	[tilespmem:$0x19A00] =	vst v63  }
0x193: {  	_ =	swait.ge [sflag:s23], $0x1400  }
0x194: {  	[sflag:s23] =	ssyncset.done $0x0  }
0x195: {  	s19 =	simm.s32 $0x5500;
	[sflag:s23] =	ssyncadd.s32 $0xFFFFEC00  }
0x196: {  	[spmem:s4] =	stream.indirect.scatter.add.f32 [tilespmem:s5], [sflag:$0x5], $0x80, s19, s2, $0xb8;
	[tilespmem:$0x19A00] =	vst v63  }
0x197: {  	_ =	swait.ge [sflag:s31], $0x1400  }
0x198: {  	[sflag:s31] =	ssyncset.done $0x0  }
0x199: {  	s18 =	simm.s32 $0x50A0;
	[sflag:s31] =	ssyncadd.s32 $0xFFFFEC00  }
0x19a: {  	[tilespmem:s5], [sflag:$0x1] =	stream.indirect.gather [hbm4b:s0+s2], $0x80, s18, s2, $0xb8;
	[tilespmem:$0x19A00] =	vst v63  }
0x19b: {  	_ =	swait.ge [sflag:s24], $0x1400  }
0x19c: {  	[sflag:s24] =	ssyncset.done $0x0  }
0x19d: {  	s19 =	simm.s32 $0x5528;
	[sflag:s24] =	ssyncadd.s32 $0xFFFFEC00  }
0x19e: {  	[spmem:s4] =	stream.indirect.scatter.add.f32 [tilespmem:s6], [sflag:$0x5], $0x80, s19, s2, $0xb8;
	[tilespmem:$0x19A00] =	vst v63  }
0x19f: {  	_ =	swait.ge [sflag:s31], $0x1400  }
0x1a0: {  	[sflag:s31] =	ssyncset.done $0x0  }
0x1a1: {  	s18 =	simm.s32 $0x50C8;
	[sflag:s31] =	ssyncadd.s32 $0xFFFFEC00  }
0x1a2: {  	[tilespmem:s6], [sflag:$0x2] =	stream.indirect.gather [hbm4b:s0+s2], $0x80, s18, s2, $0xb8;
	[tilespmem:$0x19A00] =	vst v63  }
0x1a3: {  	_ =	swait.ge [sflag:s25], $0x1400  }
0x1a4: {  	[sflag:s25] =	ssyncset.done $0x0  }
0x1a5: {  	s19 =	simm.s32 $0x5550;
	[sflag:s25] =	ssyncadd.s32 $0xFFFFEC00  }
0x1a6: {  	[spmem:s4] =	stream.indirect.scatter.add.f32 [tilespmem:s8], [sflag:$0x5], $0x80, s19, s2, $0xb8;
	[tilespmem:$0x19A00] =	vst v63  }
0x1a7: {  	_ =	swait.ge [sflag:s31], $0x1400  }
0x1a8: {  	[sflag:s31] =	ssyncset.done $0x0  }
0x1a9: {  	s18 =	simm.s32 $0x50F0;
	[sflag:s31] =	ssyncadd.s32 $0xFFFFEC00  }
0x1aa: {  	[tilespmem:s8], [sflag:$0x3] =	stream.indirect.gather [hbm4b:s0+s2], $0x80, s18, s2, $0xb8;
	[tilespmem:$0x19A00] =	vst v63  }
0x1ab: {  	_ =	swait.ge [sflag:s26], $0x1400  }
0x1ac: {  	[sflag:s26] =	ssyncset.done $0x0  }
0x1ad: {  	s19 =	simm.s32 $0x5578;
	[sflag:s26] =	ssyncadd.s32 $0xFFFFEC00  }
0x1ae: {  	[spmem:s4] =	stream.indirect.scatter.add.f32 [tilespmem:s21], [sflag:$0x5], $0x80, s19, s2, $0xb8;
	[tilespmem:$0x19A00] =	vst v63  }
0x1af: {  	_ =	swait.ge [sflag:s31], $0x1400  }
0x1b0: {  	[sflag:s31] =	ssyncset.done $0x0  }
0x1b1: {  	s17 =	simm.s32 $0x280;
	s18 =	simm.s32 $0x5118;
	[sflag:s31] =	ssyncadd.s32 $0xFFFFEC00  }
.LBB2_8:
0x1b2: {  	[tilespmem:s21], [sflag:$0x4] =	stream.indirect.gather [hbm4b:s0+s2], $0x80, s18, s2, $0xb8;
	[tilespmem:$0x19A00] =	vst v63  }
0x1b3: {  	s18 =	smov.u32 s17  }
0x1b4: {  	p2 =	sne.s32 s17, $0xF00;
	s17 =	sadd.s32 $0x280, s17;
	_ =	swait.ge [sflag:s23], $0x1400  }
0x1b5: {  	s18 =	sshra.s32 s18, $0x2;
	[sflag:s23] =	ssyncset.done $0x0  }
0x1b6: {  	s19 =	sadd.s32 $0x5500, s18;
	[sflag:s23] =	ssyncadd.s32 $0xFFFFEC00  }
0x1b7: {  	[spmem:s4] =	stream.indirect.scatter.add.f32 [tilespmem:s5], [sflag:$0x5], $0x80, s19, s2, $0xb8;
	[tilespmem:$0x19A00] =	vst v63  }
0x1b8: {  	_ =	swait.ge [sflag:s31], $0x1400  }
0x1b9: {  	[sflag:s31] =	ssyncset.done $0x0  }
0x1ba: {  	s19 =	sadd.s32 $0x50A0, s18;
	[sflag:s31] =	ssyncadd.s32 $0xFFFFEC00  }
0x1bb: {  	[tilespmem:s5], [sflag:$0x1] =	stream.indirect.gather [hbm4b:s0+s2], $0x80, s19, s2, $0xb8;
	[tilespmem:$0x19A00] =	vst v63  }
0x1bc: {  	_ =	swait.ge [sflag:s24], $0x1400  }
0x1bd: {  	[sflag:s24] =	ssyncset.done $0x0  }
0x1be: {  	s19 =	sadd.s32 $0x5528, s18;
	[sflag:s24] =	ssyncadd.s32 $0xFFFFEC00  }
0x1bf: {  	[spmem:s4] =	stream.indirect.scatter.add.f32 [tilespmem:s6], [sflag:$0x5], $0x80, s19, s2, $0xb8;
	[tilespmem:$0x19A00] =	vst v63  }
0x1c0: {  	_ =	swait.ge [sflag:s31], $0x1400  }
0x1c1: {  	[sflag:s31] =	ssyncset.done $0x0  }
0x1c2: {  	s19 =	sadd.s32 $0x50C8, s18;
	[sflag:s31] =	ssyncadd.s32 $0xFFFFEC00  }
0x1c3: {  	[tilespmem:s6], [sflag:$0x2] =	stream.indirect.gather [hbm4b:s0+s2], $0x80, s19, s2, $0xb8;
	[tilespmem:$0x19A00] =	vst v63  }
0x1c4: {  	_ =	swait.ge [sflag:s25], $0x1400  }
0x1c5: {  	[sflag:s25] =	ssyncset.done $0x0  }
0x1c6: {  	s19 =	sadd.s32 $0x5550, s18;
	[sflag:s25] =	ssyncadd.s32 $0xFFFFEC00  }
0x1c7: {  	[spmem:s4] =	stream.indirect.scatter.add.f32 [tilespmem:s8], [sflag:$0x5], $0x80, s19, s2, $0xb8;
	[tilespmem:$0x19A00] =	vst v63  }
0x1c8: {  	_ =	swait.ge [sflag:s31], $0x1400  }
0x1c9: {  	[sflag:s31] =	ssyncset.done $0x0  }
0x1ca: {  	s19 =	sadd.s32 $0x50F0, s18;
	[sflag:s31] =	ssyncadd.s32 $0xFFFFEC00  }
0x1cb: {  	[tilespmem:s8], [sflag:$0x3] =	stream.indirect.gather [hbm4b:s0+s2], $0x80, s19, s2, $0xb8;
	[tilespmem:$0x19A00] =	vst v63  }
0x1cc: {  	_ =	swait.ge [sflag:s26], $0x1400  }
0x1cd: {  	[sflag:s26] =	ssyncset.done $0x0  }
.Ltmp3:
0x1ce: {  	s19 =	sadd.s32 $0x5578, s18;
	[sflag:s26] =	ssyncadd.s32 $0xFFFFEC00;
	(pc) =	sbr.rel @p2 .LBB2_8-.Ltmp3, $4  }
0x1cf: {  	[spmem:s4] =	stream.indirect.scatter.add.f32 [tilespmem:s21], [sflag:$0x5], $0x80, s19, s2, $0xb8;
	[tilespmem:$0x19A00] =	vst v63  }
0x1d0: {  	_ =	swait.ge [sflag:s31], $0x1400  }
0x1d1: {  	[sflag:s31] =	ssyncset.done $0x0  }
0x1d2: {  	s18 =	sadd.s32 $0x5118, s18;
	[sflag:s31] =	ssyncadd.s32 $0xFFFFEC00  }
0x1d3: {  	[tilespmem:s21], [sflag:$0x4] =	stream.indirect.gather [hbm4b:s0+s2], $0x80, s18, s2, $0xb8;
	[tilespmem:$0x19A00] =	vst v63  }
0x1d4: {  	_ =	swait.ge [sflag:s23], $0x1400  }
0x1d5: {  	[sflag:s23] =	ssyncset.done $0x0  }
0x1d6: {  	s17 =	simm.s32 $0x0;
	[sflag:s23] =	ssyncadd.s32 $0xFFFFEC00  }
0x1d7: {  	[spmem:s4] =	stream.indirect.scatter.add.f32 [tilespmem:s17], [sflag:$0x5], $0x80, s28, s2, $0xb8;
	[tilespmem:$0x19A00] =	vst v63  }
0x1d8: {  	_ =	swait.ge [sflag:s31], $0x1400  }
0x1d9: {  	[sflag:s31] =	ssyncset.done $0x0  }
0x1da: {  	[sflag:s31] =	ssyncadd.s32 $0xFFFFEC00  }
0x1db: {  	_ =	swait.ge [sflag:s24], $0x1400  }
0x1dc: {  	[sflag:s24] =	ssyncset.done $0x0  }
0x1dd: {  	[sflag:s24] =	ssyncadd.s32 $0xFFFFEC00  }
0x1de: {  	[spmem:s4] =	stream.indirect.scatter.add.f32 [tilespmem:s6], [sflag:$0x5], $0x80, s29, s2, $0xb8;
	[tilespmem:$0x19A00] =	vst v63  }
0x1df: {  	_ =	swait.ge [sflag:s31], $0x1400  }
0x1e0: {  	[sflag:s31] =	ssyncset.done $0x0  }
0x1e1: {  	[sflag:s31] =	ssyncadd.s32 $0xFFFFEC00  }
0x1e2: {  	_ =	swait.ge [sflag:s25], $0x1400  }
0x1e3: {  	[sflag:s25] =	ssyncset.done $0x0  }
0x1e4: {  	[sflag:s25] =	ssyncadd.s32 $0xFFFFEC00  }
0x1e5: {  	[spmem:s4] =	stream.indirect.scatter.add.f32 [tilespmem:s8], [sflag:$0x5], $0x80, s10, s2, $0xb8;
	[tilespmem:$0x19A00] =	vst v63  }
0x1e6: {  	_ =	swait.ge [sflag:s31], $0x1400  }
0x1e7: {  	[sflag:s31] =	ssyncset.done $0x0  }
0x1e8: {  	[sflag:s31] =	ssyncadd.s32 $0xFFFFEC00  }
0x1e9: {  	_ =	swait.ge [sflag:s26], $0x1400  }
0x1ea: {  	[sflag:s26] =	ssyncset.done $0x0  }
0x1eb: {  	[sflag:s26] =	ssyncadd.s32 $0xFFFFEC00  }
0x1ec: {  	[spmem:s4] =	stream.indirect.scatter.add.f32 [tilespmem:s21], [sflag:$0x5], $0x80, s11, s2, $0xb8;
	[tilespmem:$0x19A00] =	vst v63  }
0x1ed: {  	_ =	swait.ge [sflag:s31], $0x1400  }
0x1ee: {  	[sflag:s31] =	ssyncset.done $0x0  }
0x1ef: {  	s19 =	rddreg [dreg:$0xc];
	[sflag:s31] =	ssyncadd.s32 $0xFFFFEC00  }
0x1f0: {  	[tilespmem:s30], [sflag:$0x5] =	stream.linear.gather [hbm4b:s19+s17], $0x500, $0x38;
	[tilespmem:$0x19A00] =	vst v63  }
0x1f1: {  	_ =	swait.ge [sflag:s31], $0x500  }
0x1f2: {  	[sflag:s31] =	ssyncset.done $0x0  }
0x1f3: {  	s19 =	rddreg [dreg:$0xd];
	[sflag:s31] =	ssyncadd.s32 $0xFFFFFB00  }
0x1f4: {  	[tilespmem:s1], [sflag:$0x5] =	stream.linear.gather [hbm4b:s19+s17], $0x500, $0x38;
	[tilespmem:$0x19A00] =	vst v63  }
0x1f5: {  	_ =	swait.ge [sflag:s31], $0x500  }
0x1f6: {  	[sflag:s31] =	ssyncset.done $0x0  }
0x1f7: {  	[sflag:s31] =	ssyncadd.s32 $0xFFFFFB00  }
0x1f8: {  	[tilespmem:s17], [sflag:$0x1] =	stream.indirect.gather [hbm4b:s0+s2], $0x80, s30, s2, $0xb8;
	[tilespmem:$0x19A00] =	vst v63  }
0x1f9: {  	_ = 	snop  }
0x1fa: {  	[tilespmem:s6], [sflag:$0x2] =	stream.indirect.gather [hbm4b:s0+s2], $0x80, s3, s2, $0xb8;
	[tilespmem:$0x19A00] =	vst v63  }
0x1fb: {  	_ = 	snop  }
0x1fc: {  	[tilespmem:s8], [sflag:$0x3] =	stream.indirect.gather [hbm4b:s0+s2], $0x80, s7, s2, $0xb8;
	[tilespmem:$0x19A00] =	vst v63  }
0x1fd: {  	_ = 	snop  }
0x1fe: {  	[tilespmem:s21], [sflag:$0x4] =	stream.indirect.gather [hbm4b:s0+s2], $0x80, s16, s2, $0xb8;
	[tilespmem:$0x19A00] =	vst v63  }
0x1ff: {  	_ =	swait.ge [sflag:s23], $0x1400  }
0x200: {  	[sflag:s23] =	ssyncset.done $0x0  }
0x201: {  	s19 =	simm.s32 $0x5500;
	[sflag:s23] =	ssyncadd.s32 $0xFFFFEC00  }
0x202: {  	[spmem:s4] =	stream.indirect.scatter.add.f32 [tilespmem:s5], [sflag:$0x5], $0x80, s19, s2, $0xb8;
	[tilespmem:$0x19A00] =	vst v63  }
0x203: {  	_ =	swait.ge [sflag:s31], $0x1400  }
0x204: {  	[sflag:s31] =	ssyncset.done $0x0  }
0x205: {  	s18 =	simm.s32 $0x50A0;
	[sflag:s31] =	ssyncadd.s32 $0xFFFFEC00  }
0x206: {  	[tilespmem:s5], [sflag:$0x1] =	stream.indirect.gather [hbm4b:s0+s2], $0x80, s18, s2, $0xb8;
	[tilespmem:$0x19A00] =	vst v63  }
0x207: {  	_ =	swait.ge [sflag:s24], $0x1400  }
0x208: {  	[sflag:s24] =	ssyncset.done $0x0  }
0x209: {  	s19 =	simm.s32 $0x5528;
	[sflag:s24] =	ssyncadd.s32 $0xFFFFEC00  }
0x20a: {  	[spmem:s4] =	stream.indirect.scatter.add.f32 [tilespmem:s6], [sflag:$0x5], $0x80, s19, s2, $0xb8;
	[tilespmem:$0x19A00] =	vst v63  }
0x20b: {  	_ =	swait.ge [sflag:s31], $0x1400  }
0x20c: {  	[sflag:s31] =	ssyncset.done $0x0  }
0x20d: {  	s18 =	simm.s32 $0x50C8;
	[sflag:s31] =	ssyncadd.s32 $0xFFFFEC00  }
0x20e: {  	[tilespmem:s6], [sflag:$0x2] =	stream.indirect.gather [hbm4b:s0+s2], $0x80, s18, s2, $0xb8;
	[tilespmem:$0x19A00] =	vst v63  }
0x20f: {  	_ =	swait.ge [sflag:s25], $0x1400  }
0x210: {  	[sflag:s25] =	ssyncset.done $0x0  }
0x211: {  	s19 =	simm.s32 $0x5550;
	[sflag:s25] =	ssyncadd.s32 $0xFFFFEC00  }
0x212: {  	[spmem:s4] =	stream.indirect.scatter.add.f32 [tilespmem:s8], [sflag:$0x5], $0x80, s19, s2, $0xb8;
	[tilespmem:$0x19A00] =	vst v63  }
0x213: {  	_ =	swait.ge [sflag:s31], $0x1400  }
0x214: {  	[sflag:s31] =	ssyncset.done $0x0  }
0x215: {  	s18 =	simm.s32 $0x50F0;
	[sflag:s31] =	ssyncadd.s32 $0xFFFFEC00  }
0x216: {  	[tilespmem:s8], [sflag:$0x3] =	stream.indirect.gather [hbm4b:s0+s2], $0x80, s18, s2, $0xb8;
	[tilespmem:$0x19A00] =	vst v63  }
0x217: {  	_ =	swait.ge [sflag:s26], $0x1400  }
0x218: {  	[sflag:s26] =	ssyncset.done $0x0  }
0x219: {  	s19 =	simm.s32 $0x5578;
	[sflag:s26] =	ssyncadd.s32 $0xFFFFEC00  }
0x21a: {  	[spmem:s4] =	stream.indirect.scatter.add.f32 [tilespmem:s21], [sflag:$0x5], $0x80, s19, s2, $0xb8;
	[tilespmem:$0x19A00] =	vst v63  }
0x21b: {  	_ =	swait.ge [sflag:s31], $0x1400  }
0x21c: {  	[sflag:s31] =	ssyncset.done $0x0  }
0x21d: {  	s17 =	simm.s32 $0x280;
	s18 =	simm.s32 $0x5118;
	[sflag:s31] =	ssyncadd.s32 $0xFFFFEC00  }
.LBB2_10:
0x21e: {  	[tilespmem:s21], [sflag:$0x4] =	stream.indirect.gather [hbm4b:s0+s2], $0x80, s18, s2, $0xb8;
	[tilespmem:$0x19A00] =	vst v63  }
0x21f: {  	s18 =	smov.u32 s17  }
0x220: {  	p2 =	sne.s32 s17, $0xF00;
	s17 =	sadd.s32 $0x280, s17;
	_ =	swait.ge [sflag:s23], $0x1400  }
0x221: {  	s18 =	sshra.s32 s18, $0x2;
	[sflag:s23] =	ssyncset.done $0x0  }
0x222: {  	s19 =	sadd.s32 $0x5500, s18;
	[sflag:s23] =	ssyncadd.s32 $0xFFFFEC00  }
0x223: {  	[spmem:s4] =	stream.indirect.scatter.add.f32 [tilespmem:s5], [sflag:$0x5], $0x80, s19, s2, $0xb8;
	[tilespmem:$0x19A00] =	vst v63  }
0x224: {  	_ =	swait.ge [sflag:s31], $0x1400  }
0x225: {  	[sflag:s31] =	ssyncset.done $0x0  }
0x226: {  	s19 =	sadd.s32 $0x50A0, s18;
	[sflag:s31] =	ssyncadd.s32 $0xFFFFEC00  }
0x227: {  	[tilespmem:s5], [sflag:$0x1] =	stream.indirect.gather [hbm4b:s0+s2], $0x80, s19, s2, $0xb8;
	[tilespmem:$0x19A00] =	vst v63  }
0x228: {  	_ =	swait.ge [sflag:s24], $0x1400  }
0x229: {  	[sflag:s24] =	ssyncset.done $0x0  }
0x22a: {  	s19 =	sadd.s32 $0x5528, s18;
	[sflag:s24] =	ssyncadd.s32 $0xFFFFEC00  }
0x22b: {  	[spmem:s4] =	stream.indirect.scatter.add.f32 [tilespmem:s6], [sflag:$0x5], $0x80, s19, s2, $0xb8;
	[tilespmem:$0x19A00] =	vst v63  }
0x22c: {  	_ =	swait.ge [sflag:s31], $0x1400  }
0x22d: {  	[sflag:s31] =	ssyncset.done $0x0  }
0x22e: {  	s19 =	sadd.s32 $0x50C8, s18;
	[sflag:s31] =	ssyncadd.s32 $0xFFFFEC00  }
0x22f: {  	[tilespmem:s6], [sflag:$0x2] =	stream.indirect.gather [hbm4b:s0+s2], $0x80, s19, s2, $0xb8;
	[tilespmem:$0x19A00] =	vst v63  }
0x230: {  	_ =	swait.ge [sflag:s25], $0x1400  }
0x231: {  	[sflag:s25] =	ssyncset.done $0x0  }
0x232: {  	s19 =	sadd.s32 $0x5550, s18;
	[sflag:s25] =	ssyncadd.s32 $0xFFFFEC00  }
0x233: {  	[spmem:s4] =	stream.indirect.scatter.add.f32 [tilespmem:s8], [sflag:$0x5], $0x80, s19, s2, $0xb8;
	[tilespmem:$0x19A00] =	vst v63  }
0x234: {  	_ =	swait.ge [sflag:s31], $0x1400  }
0x235: {  	[sflag:s31] =	ssyncset.done $0x0  }
0x236: {  	s19 =	sadd.s32 $0x50F0, s18;
	[sflag:s31] =	ssyncadd.s32 $0xFFFFEC00  }
0x237: {  	[tilespmem:s8], [sflag:$0x3] =	stream.indirect.gather [hbm4b:s0+s2], $0x80, s19, s2, $0xb8;
	[tilespmem:$0x19A00] =	vst v63  }
0x238: {  	_ =	swait.ge [sflag:s26], $0x1400  }
0x239: {  	[sflag:s26] =	ssyncset.done $0x0  }
.Ltmp4:
0x23a: {  	s19 =	sadd.s32 $0x5578, s18;
	[sflag:s26] =	ssyncadd.s32 $0xFFFFEC00;
	(pc) =	sbr.rel @p2 .LBB2_10-.Ltmp4, $4  }
0x23b: {  	[spmem:s4] =	stream.indirect.scatter.add.f32 [tilespmem:s21], [sflag:$0x5], $0x80, s19, s2, $0xb8;
	[tilespmem:$0x19A00] =	vst v63  }
0x23c: {  	_ =	swait.ge [sflag:s31], $0x1400  }
0x23d: {  	[sflag:s31] =	ssyncset.done $0x0  }
0x23e: {  	s18 =	sadd.s32 $0x5118, s18;
	[sflag:s31] =	ssyncadd.s32 $0xFFFFEC00  }
0x23f: {  	[tilespmem:s21], [sflag:$0x4] =	stream.indirect.gather [hbm4b:s0+s2], $0x80, s18, s2, $0xb8;
	[tilespmem:$0x19A00] =	vst v63  }
0x240: {  	_ =	swait.ge [sflag:s23], $0x1400  }
0x241: {  	[sflag:s23] =	ssyncset.done $0x0  }
0x242: {  	s17 =	simm.s32 $0x0;
	[sflag:s23] =	ssyncadd.s32 $0xFFFFEC00  }
0x243: {  	[spmem:s4] =	stream.indirect.scatter.add.f32 [tilespmem:s17], [sflag:$0x5], $0x80, s28, s2, $0xb8;
	[tilespmem:$0x19A00] =	vst v63  }
0x244: {  	_ =	swait.ge [sflag:s31], $0x1400  }
0x245: {  	[sflag:s31] =	ssyncset.done $0x0  }
0x246: {  	[sflag:s31] =	ssyncadd.s32 $0xFFFFEC00  }
0x247: {  	_ =	swait.ge [sflag:s24], $0x1400  }
0x248: {  	[sflag:s24] =	ssyncset.done $0x0  }
0x249: {  	[sflag:s24] =	ssyncadd.s32 $0xFFFFEC00  }
0x24a: {  	[spmem:s4] =	stream.indirect.scatter.add.f32 [tilespmem:s6], [sflag:$0x5], $0x80, s29, s2, $0xb8;
	[tilespmem:$0x19A00] =	vst v63  }
0x24b: {  	_ =	swait.ge [sflag:s31], $0x1400  }
0x24c: {  	[sflag:s31] =	ssyncset.done $0x0  }
0x24d: {  	[sflag:s31] =	ssyncadd.s32 $0xFFFFEC00  }
0x24e: {  	_ =	swait.ge [sflag:s25], $0x1400  }
0x24f: {  	[sflag:s25] =	ssyncset.done $0x0  }
0x250: {  	[sflag:s25] =	ssyncadd.s32 $0xFFFFEC00  }
0x251: {  	[spmem:s4] =	stream.indirect.scatter.add.f32 [tilespmem:s8], [sflag:$0x5], $0x80, s10, s2, $0xb8;
	[tilespmem:$0x19A00] =	vst v63  }
0x252: {  	_ =	swait.ge [sflag:s31], $0x1400  }
0x253: {  	[sflag:s31] =	ssyncset.done $0x0  }
0x254: {  	[sflag:s31] =	ssyncadd.s32 $0xFFFFEC00  }
0x255: {  	_ =	swait.ge [sflag:s26], $0x1400  }
0x256: {  	[sflag:s26] =	ssyncset.done $0x0  }
0x257: {  	[sflag:s26] =	ssyncadd.s32 $0xFFFFEC00  }
0x258: {  	[spmem:s4] =	stream.indirect.scatter.add.f32 [tilespmem:s21], [sflag:$0x5], $0x80, s11, s2, $0xb8;
	[tilespmem:$0x19A00] =	vst v63  }
0x259: {  	_ =	swait.ge [sflag:s31], $0x1400  }
0x25a: {  	[sflag:s31] =	ssyncset.done $0x0  }
0x25b: {  	s19 =	rddreg [dreg:$0xe];
	[sflag:s31] =	ssyncadd.s32 $0xFFFFEC00  }
0x25c: {  	[tilespmem:s30], [sflag:$0x5] =	stream.linear.gather [hbm4b:s19+s17], $0x500, $0x38;
	[tilespmem:$0x19A00] =	vst v63  }
0x25d: {  	_ =	swait.ge [sflag:s31], $0x500  }
0x25e: {  	[sflag:s31] =	ssyncset.done $0x0  }
0x25f: {  	s19 =	rddreg [dreg:$0xf];
	[sflag:s31] =	ssyncadd.s32 $0xFFFFFB00  }
0x260: {  	[tilespmem:s1], [sflag:$0x5] =	stream.linear.gather [hbm4b:s19+s17], $0x500, $0x38;
	[tilespmem:$0x19A00] =	vst v63  }
0x261: {  	_ =	swait.ge [sflag:s31], $0x500  }
0x262: {  	[sflag:s31] =	ssyncset.done $0x0  }
0x263: {  	[sflag:s31] =	ssyncadd.s32 $0xFFFFFB00  }
0x264: {  	[tilespmem:s17], [sflag:$0x1] =	stream.indirect.gather [hbm4b:s0+s2], $0x80, s30, s2, $0xb8;
	[tilespmem:$0x19A00] =	vst v63  }
0x265: {  	_ = 	snop  }
0x266: {  	[tilespmem:s6], [sflag:$0x2] =	stream.indirect.gather [hbm4b:s0+s2], $0x80, s3, s2, $0xb8;
	[tilespmem:$0x19A00] =	vst v63  }
0x267: {  	_ = 	snop  }
0x268: {  	[tilespmem:s8], [sflag:$0x3] =	stream.indirect.gather [hbm4b:s0+s2], $0x80, s7, s2, $0xb8;
	[tilespmem:$0x19A00] =	vst v63  }
0x269: {  	_ = 	snop  }
0x26a: {  	[tilespmem:s21], [sflag:$0x4] =	stream.indirect.gather [hbm4b:s0+s2], $0x80, s16, s2, $0xb8;
	[tilespmem:$0x19A00] =	vst v63  }
0x26b: {  	_ =	swait.ge [sflag:s23], $0x1400  }
0x26c: {  	[sflag:s23] =	ssyncset.done $0x0  }
0x26d: {  	s19 =	simm.s32 $0x5500;
	[sflag:s23] =	ssyncadd.s32 $0xFFFFEC00  }
0x26e: {  	[spmem:s4] =	stream.indirect.scatter.add.f32 [tilespmem:s5], [sflag:$0x5], $0x80, s19, s2, $0xb8;
	[tilespmem:$0x19A00] =	vst v63  }
0x26f: {  	_ =	swait.ge [sflag:s31], $0x1400  }
0x270: {  	[sflag:s31] =	ssyncset.done $0x0  }
0x271: {  	s18 =	simm.s32 $0x50A0;
	[sflag:s31] =	ssyncadd.s32 $0xFFFFEC00  }
0x272: {  	[tilespmem:s5], [sflag:$0x1] =	stream.indirect.gather [hbm4b:s0+s2], $0x80, s18, s2, $0xb8;
	[tilespmem:$0x19A00] =	vst v63  }
0x273: {  	_ =	swait.ge [sflag:s24], $0x1400  }
0x274: {  	[sflag:s24] =	ssyncset.done $0x0  }
0x275: {  	s19 =	simm.s32 $0x5528;
	[sflag:s24] =	ssyncadd.s32 $0xFFFFEC00  }
0x276: {  	[spmem:s4] =	stream.indirect.scatter.add.f32 [tilespmem:s6], [sflag:$0x5], $0x80, s19, s2, $0xb8;
	[tilespmem:$0x19A00] =	vst v63  }
0x277: {  	_ =	swait.ge [sflag:s31], $0x1400  }
0x278: {  	[sflag:s31] =	ssyncset.done $0x0  }
0x279: {  	s18 =	simm.s32 $0x50C8;
	[sflag:s31] =	ssyncadd.s32 $0xFFFFEC00  }
0x27a: {  	[tilespmem:s6], [sflag:$0x2] =	stream.indirect.gather [hbm4b:s0+s2], $0x80, s18, s2, $0xb8;
	[tilespmem:$0x19A00] =	vst v63  }
0x27b: {  	_ =	swait.ge [sflag:s25], $0x1400  }
0x27c: {  	[sflag:s25] =	ssyncset.done $0x0  }
0x27d: {  	s19 =	simm.s32 $0x5550;
	[sflag:s25] =	ssyncadd.s32 $0xFFFFEC00  }
0x27e: {  	[spmem:s4] =	stream.indirect.scatter.add.f32 [tilespmem:s8], [sflag:$0x5], $0x80, s19, s2, $0xb8;
	[tilespmem:$0x19A00] =	vst v63  }
0x27f: {  	_ =	swait.ge [sflag:s31], $0x1400  }
0x280: {  	[sflag:s31] =	ssyncset.done $0x0  }
0x281: {  	s18 =	simm.s32 $0x50F0;
	[sflag:s31] =	ssyncadd.s32 $0xFFFFEC00  }
0x282: {  	[tilespmem:s8], [sflag:$0x3] =	stream.indirect.gather [hbm4b:s0+s2], $0x80, s18, s2, $0xb8;
	[tilespmem:$0x19A00] =	vst v63  }
0x283: {  	_ =	swait.ge [sflag:s26], $0x1400  }
0x284: {  	[sflag:s26] =	ssyncset.done $0x0  }
0x285: {  	s19 =	simm.s32 $0x5578;
	[sflag:s26] =	ssyncadd.s32 $0xFFFFEC00  }
0x286: {  	[spmem:s4] =	stream.indirect.scatter.add.f32 [tilespmem:s21], [sflag:$0x5], $0x80, s19, s2, $0xb8;
	[tilespmem:$0x19A00] =	vst v63  }
0x287: {  	_ =	swait.ge [sflag:s31], $0x1400  }
0x288: {  	[sflag:s31] =	ssyncset.done $0x0  }
0x289: {  	s17 =	simm.s32 $0x280;
	s18 =	simm.s32 $0x5118;
	[sflag:s31] =	ssyncadd.s32 $0xFFFFEC00  }
.LBB2_12:
0x28a: {  	[tilespmem:s21], [sflag:$0x4] =	stream.indirect.gather [hbm4b:s0+s2], $0x80, s18, s2, $0xb8;
	[tilespmem:$0x19A00] =	vst v63  }
0x28b: {  	s18 =	smov.u32 s17  }
0x28c: {  	p2 =	sne.s32 s17, $0xF00;
	s17 =	sadd.s32 $0x280, s17;
	_ =	swait.ge [sflag:s23], $0x1400  }
0x28d: {  	s18 =	sshra.s32 s18, $0x2;
	[sflag:s23] =	ssyncset.done $0x0  }
0x28e: {  	s19 =	sadd.s32 $0x5500, s18;
	[sflag:s23] =	ssyncadd.s32 $0xFFFFEC00  }
0x28f: {  	[spmem:s4] =	stream.indirect.scatter.add.f32 [tilespmem:s5], [sflag:$0x5], $0x80, s19, s2, $0xb8;
	[tilespmem:$0x19A00] =	vst v63  }
0x290: {  	_ =	swait.ge [sflag:s31], $0x1400  }
0x291: {  	[sflag:s31] =	ssyncset.done $0x0  }
0x292: {  	s19 =	sadd.s32 $0x50A0, s18;
	[sflag:s31] =	ssyncadd.s32 $0xFFFFEC00  }
0x293: {  	[tilespmem:s5], [sflag:$0x1] =	stream.indirect.gather [hbm4b:s0+s2], $0x80, s19, s2, $0xb8;
	[tilespmem:$0x19A00] =	vst v63  }
0x294: {  	_ =	swait.ge [sflag:s24], $0x1400  }
0x295: {  	[sflag:s24] =	ssyncset.done $0x0  }
0x296: {  	s19 =	sadd.s32 $0x5528, s18;
	[sflag:s24] =	ssyncadd.s32 $0xFFFFEC00  }
0x297: {  	[spmem:s4] =	stream.indirect.scatter.add.f32 [tilespmem:s6], [sflag:$0x5], $0x80, s19, s2, $0xb8;
	[tilespmem:$0x19A00] =	vst v63  }
0x298: {  	_ =	swait.ge [sflag:s31], $0x1400  }
0x299: {  	[sflag:s31] =	ssyncset.done $0x0  }
0x29a: {  	s19 =	sadd.s32 $0x50C8, s18;
	[sflag:s31] =	ssyncadd.s32 $0xFFFFEC00  }
0x29b: {  	[tilespmem:s6], [sflag:$0x2] =	stream.indirect.gather [hbm4b:s0+s2], $0x80, s19, s2, $0xb8;
	[tilespmem:$0x19A00] =	vst v63  }
0x29c: {  	_ =	swait.ge [sflag:s25], $0x1400  }
0x29d: {  	[sflag:s25] =	ssyncset.done $0x0  }
0x29e: {  	s19 =	sadd.s32 $0x5550, s18;
	[sflag:s25] =	ssyncadd.s32 $0xFFFFEC00  }
0x29f: {  	[spmem:s4] =	stream.indirect.scatter.add.f32 [tilespmem:s8], [sflag:$0x5], $0x80, s19, s2, $0xb8;
	[tilespmem:$0x19A00] =	vst v63  }
0x2a0: {  	_ =	swait.ge [sflag:s31], $0x1400  }
0x2a1: {  	[sflag:s31] =	ssyncset.done $0x0  }
0x2a2: {  	s19 =	sadd.s32 $0x50F0, s18;
	[sflag:s31] =	ssyncadd.s32 $0xFFFFEC00  }
0x2a3: {  	[tilespmem:s8], [sflag:$0x3] =	stream.indirect.gather [hbm4b:s0+s2], $0x80, s19, s2, $0xb8;
	[tilespmem:$0x19A00] =	vst v63  }
0x2a4: {  	_ =	swait.ge [sflag:s26], $0x1400  }
0x2a5: {  	[sflag:s26] =	ssyncset.done $0x0  }
.Ltmp5:
0x2a6: {  	s19 =	sadd.s32 $0x5578, s18;
	[sflag:s26] =	ssyncadd.s32 $0xFFFFEC00;
	(pc) =	sbr.rel @p2 .LBB2_12-.Ltmp5, $4  }
0x2a7: {  	[spmem:s4] =	stream.indirect.scatter.add.f32 [tilespmem:s21], [sflag:$0x5], $0x80, s19, s2, $0xb8;
	[tilespmem:$0x19A00] =	vst v63  }
0x2a8: {  	_ =	swait.ge [sflag:s31], $0x1400  }
0x2a9: {  	[sflag:s31] =	ssyncset.done $0x0  }
0x2aa: {  	s18 =	sadd.s32 $0x5118, s18;
	[sflag:s31] =	ssyncadd.s32 $0xFFFFEC00  }
0x2ab: {  	[tilespmem:s21], [sflag:$0x4] =	stream.indirect.gather [hbm4b:s0+s2], $0x80, s18, s2, $0xb8;
	[tilespmem:$0x19A00] =	vst v63  }
0x2ac: {  	_ =	swait.ge [sflag:s23], $0x1400  }
0x2ad: {  	[sflag:s23] =	ssyncset.done $0x0  }
0x2ae: {  	s17 =	simm.s32 $0x0;
	[sflag:s23] =	ssyncadd.s32 $0xFFFFEC00  }
0x2af: {  	[spmem:s4] =	stream.indirect.scatter.add.f32 [tilespmem:s17], [sflag:$0x5], $0x80, s28, s2, $0xb8;
	[tilespmem:$0x19A00] =	vst v63  }
0x2b0: {  	_ =	swait.ge [sflag:s31], $0x1400  }
0x2b1: {  	[sflag:s31] =	ssyncset.done $0x0  }
0x2b2: {  	[sflag:s31] =	ssyncadd.s32 $0xFFFFEC00  }
0x2b3: {  	_ =	swait.ge [sflag:s24], $0x1400  }
0x2b4: {  	[sflag:s24] =	ssyncset.done $0x0  }
0x2b5: {  	[sflag:s24] =	ssyncadd.s32 $0xFFFFEC00  }
0x2b6: {  	[spmem:s4] =	stream.indirect.scatter.add.f32 [tilespmem:s6], [sflag:$0x5], $0x80, s29, s2, $0xb8;
	[tilespmem:$0x19A00] =	vst v63  }
0x2b7: {  	_ =	swait.ge [sflag:s31], $0x1400  }
0x2b8: {  	[sflag:s31] =	ssyncset.done $0x0  }
0x2b9: {  	[sflag:s31] =	ssyncadd.s32 $0xFFFFEC00  }
0x2ba: {  	_ =	swait.ge [sflag:s25], $0x1400  }
0x2bb: {  	[sflag:s25] =	ssyncset.done $0x0  }
0x2bc: {  	[sflag:s25] =	ssyncadd.s32 $0xFFFFEC00  }
0x2bd: {  	[spmem:s4] =	stream.indirect.scatter.add.f32 [tilespmem:s8], [sflag:$0x5], $0x80, s10, s2, $0xb8;
	[tilespmem:$0x19A00] =	vst v63  }
0x2be: {  	_ =	swait.ge [sflag:s31], $0x1400  }
0x2bf: {  	[sflag:s31] =	ssyncset.done $0x0  }
0x2c0: {  	[sflag:s31] =	ssyncadd.s32 $0xFFFFEC00  }
0x2c1: {  	_ =	swait.ge [sflag:s26], $0x1400  }
0x2c2: {  	[sflag:s26] =	ssyncset.done $0x0  }
0x2c3: {  	[sflag:s26] =	ssyncadd.s32 $0xFFFFEC00  }
0x2c4: {  	[spmem:s4] =	stream.indirect.scatter.add.f32 [tilespmem:s21], [sflag:$0x5], $0x80, s11, s2, $0xb8;
	[tilespmem:$0x19A00] =	vst v63  }
0x2c5: {  	_ =	swait.ge [sflag:s31], $0x1400  }
0x2c6: {  	[sflag:s31] =	ssyncset.done $0x0  }
0x2c7: {  	s19 =	rddreg [dreg:$0x11];
	[sflag:s31] =	ssyncadd.s32 $0xFFFFEC00  }
0x2c8: {  	[tilespmem:s30], [sflag:$0x5] =	stream.linear.gather [hbm4b:s19+s17], $0x500, $0x38;
	[tilespmem:$0x19A00] =	vst v63  }
0x2c9: {  	_ =	swait.ge [sflag:s31], $0x500  }
0x2ca: {  	[sflag:s31] =	ssyncset.done $0x0  }
0x2cb: {  	s19 =	rddreg [dreg:$0x12];
	[sflag:s31] =	ssyncadd.s32 $0xFFFFFB00  }
0x2cc: {  	[tilespmem:s1], [sflag:$0x5] =	stream.linear.gather [hbm4b:s19+s17], $0x500, $0x38;
	[tilespmem:$0x19A00] =	vst v63  }
0x2cd: {  	_ =	swait.ge [sflag:s31], $0x500  }
0x2ce: {  	[sflag:s31] =	ssyncset.done $0x0  }
0x2cf: {  	[sflag:s31] =	ssyncadd.s32 $0xFFFFFB00  }
0x2d0: {  	[tilespmem:s17], [sflag:$0x1] =	stream.indirect.gather [hbm4b:s0+s2], $0x80, s30, s2, $0xb8;
	[tilespmem:$0x19A00] =	vst v63  }
0x2d1: {  	_ = 	snop  }
0x2d2: {  	[tilespmem:s6], [sflag:$0x2] =	stream.indirect.gather [hbm4b:s0+s2], $0x80, s3, s2, $0xb8;
	[tilespmem:$0x19A00] =	vst v63  }
0x2d3: {  	_ = 	snop  }
0x2d4: {  	[tilespmem:s8], [sflag:$0x3] =	stream.indirect.gather [hbm4b:s0+s2], $0x80, s7, s2, $0xb8;
	[tilespmem:$0x19A00] =	vst v63  }
0x2d5: {  	_ = 	snop  }
0x2d6: {  	[tilespmem:s21], [sflag:$0x4] =	stream.indirect.gather [hbm4b:s0+s2], $0x80, s16, s2, $0xb8;
	[tilespmem:$0x19A00] =	vst v63  }
0x2d7: {  	_ =	swait.ge [sflag:s23], $0x1400  }
0x2d8: {  	[sflag:s23] =	ssyncset.done $0x0  }
0x2d9: {  	s19 =	simm.s32 $0x5500;
	[sflag:s23] =	ssyncadd.s32 $0xFFFFEC00  }
0x2da: {  	[spmem:s4] =	stream.indirect.scatter.add.f32 [tilespmem:s5], [sflag:$0x5], $0x80, s19, s2, $0xb8;
	[tilespmem:$0x19A00] =	vst v63  }
0x2db: {  	_ =	swait.ge [sflag:s31], $0x1400  }
0x2dc: {  	[sflag:s31] =	ssyncset.done $0x0  }
0x2dd: {  	s18 =	simm.s32 $0x50A0;
	[sflag:s31] =	ssyncadd.s32 $0xFFFFEC00  }
0x2de: {  	[tilespmem:s5], [sflag:$0x1] =	stream.indirect.gather [hbm4b:s0+s2], $0x80, s18, s2, $0xb8;
	[tilespmem:$0x19A00] =	vst v63  }
0x2df: {  	_ =	swait.ge [sflag:s24], $0x1400  }
0x2e0: {  	[sflag:s24] =	ssyncset.done $0x0  }
0x2e1: {  	s19 =	simm.s32 $0x5528;
	[sflag:s24] =	ssyncadd.s32 $0xFFFFEC00  }
0x2e2: {  	[spmem:s4] =	stream.indirect.scatter.add.f32 [tilespmem:s6], [sflag:$0x5], $0x80, s19, s2, $0xb8;
	[tilespmem:$0x19A00] =	vst v63  }
0x2e3: {  	_ =	swait.ge [sflag:s31], $0x1400  }
0x2e4: {  	[sflag:s31] =	ssyncset.done $0x0  }
0x2e5: {  	s18 =	simm.s32 $0x50C8;
	[sflag:s31] =	ssyncadd.s32 $0xFFFFEC00  }
0x2e6: {  	[tilespmem:s6], [sflag:$0x2] =	stream.indirect.gather [hbm4b:s0+s2], $0x80, s18, s2, $0xb8;
	[tilespmem:$0x19A00] =	vst v63  }
0x2e7: {  	_ =	swait.ge [sflag:s25], $0x1400  }
0x2e8: {  	[sflag:s25] =	ssyncset.done $0x0  }
0x2e9: {  	s19 =	simm.s32 $0x5550;
	[sflag:s25] =	ssyncadd.s32 $0xFFFFEC00  }
0x2ea: {  	[spmem:s4] =	stream.indirect.scatter.add.f32 [tilespmem:s8], [sflag:$0x5], $0x80, s19, s2, $0xb8;
	[tilespmem:$0x19A00] =	vst v63  }
0x2eb: {  	_ =	swait.ge [sflag:s31], $0x1400  }
0x2ec: {  	[sflag:s31] =	ssyncset.done $0x0  }
0x2ed: {  	s18 =	simm.s32 $0x50F0;
	[sflag:s31] =	ssyncadd.s32 $0xFFFFEC00  }
0x2ee: {  	[tilespmem:s8], [sflag:$0x3] =	stream.indirect.gather [hbm4b:s0+s2], $0x80, s18, s2, $0xb8;
	[tilespmem:$0x19A00] =	vst v63  }
0x2ef: {  	_ =	swait.ge [sflag:s26], $0x1400  }
0x2f0: {  	[sflag:s26] =	ssyncset.done $0x0  }
0x2f1: {  	s19 =	simm.s32 $0x5578;
	[sflag:s26] =	ssyncadd.s32 $0xFFFFEC00  }
0x2f2: {  	[spmem:s4] =	stream.indirect.scatter.add.f32 [tilespmem:s21], [sflag:$0x5], $0x80, s19, s2, $0xb8;
	[tilespmem:$0x19A00] =	vst v63  }
0x2f3: {  	_ =	swait.ge [sflag:s31], $0x1400  }
0x2f4: {  	[sflag:s31] =	ssyncset.done $0x0  }
0x2f5: {  	s17 =	simm.s32 $0x280;
	s18 =	simm.s32 $0x5118;
	[sflag:s31] =	ssyncadd.s32 $0xFFFFEC00  }
.LBB2_14:
0x2f6: {  	[tilespmem:s21], [sflag:$0x4] =	stream.indirect.gather [hbm4b:s0+s2], $0x80, s18, s2, $0xb8;
	[tilespmem:$0x19A00] =	vst v63  }
0x2f7: {  	s18 =	smov.u32 s17  }
0x2f8: {  	p2 =	sne.s32 s17, $0xF00;
	s17 =	sadd.s32 $0x280, s17;
	_ =	swait.ge [sflag:s23], $0x1400  }
0x2f9: {  	s18 =	sshra.s32 s18, $0x2;
	[sflag:s23] =	ssyncset.done $0x0  }
0x2fa: {  	s19 =	sadd.s32 $0x5500, s18;
	[sflag:s23] =	ssyncadd.s32 $0xFFFFEC00  }
0x2fb: {  	[spmem:s4] =	stream.indirect.scatter.add.f32 [tilespmem:s5], [sflag:$0x5], $0x80, s19, s2, $0xb8;
	[tilespmem:$0x19A00] =	vst v63  }
0x2fc: {  	_ =	swait.ge [sflag:s31], $0x1400  }
0x2fd: {  	[sflag:s31] =	ssyncset.done $0x0  }
0x2fe: {  	s19 =	sadd.s32 $0x50A0, s18;
	[sflag:s31] =	ssyncadd.s32 $0xFFFFEC00  }
0x2ff: {  	[tilespmem:s5], [sflag:$0x1] =	stream.indirect.gather [hbm4b:s0+s2], $0x80, s19, s2, $0xb8;
	[tilespmem:$0x19A00] =	vst v63  }
0x300: {  	_ =	swait.ge [sflag:s24], $0x1400  }
0x301: {  	[sflag:s24] =	ssyncset.done $0x0  }
0x302: {  	s19 =	sadd.s32 $0x5528, s18;
	[sflag:s24] =	ssyncadd.s32 $0xFFFFEC00  }
0x303: {  	[spmem:s4] =	stream.indirect.scatter.add.f32 [tilespmem:s6], [sflag:$0x5], $0x80, s19, s2, $0xb8;
	[tilespmem:$0x19A00] =	vst v63  }
0x304: {  	_ =	swait.ge [sflag:s31], $0x1400  }
0x305: {  	[sflag:s31] =	ssyncset.done $0x0  }
0x306: {  	s19 =	sadd.s32 $0x50C8, s18;
	[sflag:s31] =	ssyncadd.s32 $0xFFFFEC00  }
0x307: {  	[tilespmem:s6], [sflag:$0x2] =	stream.indirect.gather [hbm4b:s0+s2], $0x80, s19, s2, $0xb8;
	[tilespmem:$0x19A00] =	vst v63  }
0x308: {  	_ =	swait.ge [sflag:s25], $0x1400  }
0x309: {  	[sflag:s25] =	ssyncset.done $0x0  }
0x30a: {  	s19 =	sadd.s32 $0x5550, s18;
	[sflag:s25] =	ssyncadd.s32 $0xFFFFEC00  }
0x30b: {  	[spmem:s4] =	stream.indirect.scatter.add.f32 [tilespmem:s8], [sflag:$0x5], $0x80, s19, s2, $0xb8;
	[tilespmem:$0x19A00] =	vst v63  }
0x30c: {  	_ =	swait.ge [sflag:s31], $0x1400  }
0x30d: {  	[sflag:s31] =	ssyncset.done $0x0  }
0x30e: {  	s19 =	sadd.s32 $0x50F0, s18;
	[sflag:s31] =	ssyncadd.s32 $0xFFFFEC00  }
0x30f: {  	[tilespmem:s8], [sflag:$0x3] =	stream.indirect.gather [hbm4b:s0+s2], $0x80, s19, s2, $0xb8;
	[tilespmem:$0x19A00] =	vst v63  }
0x310: {  	_ =	swait.ge [sflag:s26], $0x1400  }
0x311: {  	[sflag:s26] =	ssyncset.done $0x0  }
.Ltmp6:
0x312: {  	s19 =	sadd.s32 $0x5578, s18;
	[sflag:s26] =	ssyncadd.s32 $0xFFFFEC00;
	(pc) =	sbr.rel @p2 .LBB2_14-.Ltmp6, $4  }
0x313: {  	[spmem:s4] =	stream.indirect.scatter.add.f32 [tilespmem:s21], [sflag:$0x5], $0x80, s19, s2, $0xb8;
	[tilespmem:$0x19A00] =	vst v63  }
0x314: {  	_ =	swait.ge [sflag:s31], $0x1400  }
0x315: {  	[sflag:s31] =	ssyncset.done $0x0  }
0x316: {  	s18 =	sadd.s32 $0x5118, s18;
	[sflag:s31] =	ssyncadd.s32 $0xFFFFEC00  }
0x317: {  	[tilespmem:s21], [sflag:$0x4] =	stream.indirect.gather [hbm4b:s0+s2], $0x80, s18, s2, $0xb8;
	[tilespmem:$0x19A00] =	vst v63  }
0x318: {  	_ =	swait.ge [sflag:s23], $0x1400  }
0x319: {  	[sflag:s23] =	ssyncset.done $0x0  }
0x31a: {  	s17 =	simm.s32 $0x0;
	[sflag:s23] =	ssyncadd.s32 $0xFFFFEC00  }
0x31b: {  	[spmem:s4] =	stream.indirect.scatter.add.f32 [tilespmem:s17], [sflag:$0x5], $0x80, s28, s2, $0xb8;
	[tilespmem:$0x19A00] =	vst v63  }
0x31c: {  	_ =	swait.ge [sflag:s31], $0x1400  }
0x31d: {  	[sflag:s31] =	ssyncset.done $0x0  }
0x31e: {  	[sflag:s31] =	ssyncadd.s32 $0xFFFFEC00  }
0x31f: {  	_ =	swait.ge [sflag:s24], $0x1400  }
0x320: {  	[sflag:s24] =	ssyncset.done $0x0  }
0x321: {  	[sflag:s24] =	ssyncadd.s32 $0xFFFFEC00  }
0x322: {  	[spmem:s4] =	stream.indirect.scatter.add.f32 [tilespmem:s6], [sflag:$0x5], $0x80, s29, s2, $0xb8;
	[tilespmem:$0x19A00] =	vst v63  }
0x323: {  	_ =	swait.ge [sflag:s31], $0x1400  }
0x324: {  	[sflag:s31] =	ssyncset.done $0x0  }
0x325: {  	[sflag:s31] =	ssyncadd.s32 $0xFFFFEC00  }
0x326: {  	_ =	swait.ge [sflag:s25], $0x1400  }
0x327: {  	[sflag:s25] =	ssyncset.done $0x0  }
0x328: {  	[sflag:s25] =	ssyncadd.s32 $0xFFFFEC00  }
0x329: {  	[spmem:s4] =	stream.indirect.scatter.add.f32 [tilespmem:s8], [sflag:$0x5], $0x80, s10, s2, $0xb8;
	[tilespmem:$0x19A00] =	vst v63  }
0x32a: {  	_ =	swait.ge [sflag:s31], $0x1400  }
0x32b: {  	[sflag:s31] =	ssyncset.done $0x0  }
0x32c: {  	[sflag:s31] =	ssyncadd.s32 $0xFFFFEC00  }
0x32d: {  	_ =	swait.ge [sflag:s26], $0x1400  }
0x32e: {  	[sflag:s26] =	ssyncset.done $0x0  }
0x32f: {  	[sflag:s26] =	ssyncadd.s32 $0xFFFFEC00  }
0x330: {  	[spmem:s4] =	stream.indirect.scatter.add.f32 [tilespmem:s21], [sflag:$0x5], $0x80, s11, s2, $0xb8;
	[tilespmem:$0x19A00] =	vst v63  }
0x331: {  	_ =	swait.ge [sflag:s31], $0x1400  }
0x332: {  	[sflag:s31] =	ssyncset.done $0x0  }
0x333: {  	s19 =	rddreg [dreg:$0x13];
	[sflag:s31] =	ssyncadd.s32 $0xFFFFEC00  }
0x334: {  	[tilespmem:s30], [sflag:$0x5] =	stream.linear.gather [hbm4b:s19+s17], $0x500, $0x38;
	[tilespmem:$0x19A00] =	vst v63  }
0x335: {  	_ =	swait.ge [sflag:s31], $0x500  }
0x336: {  	[sflag:s31] =	ssyncset.done $0x0  }
0x337: {  	[sflag:s31] =	ssyncadd.s32 $0xFFFFFB00  }
0x338: {  	[tilespmem:s1], [sflag:$0x5] =	stream.linear.gather [hbm4b:s20+s17], $0x500, $0x38;
	[tilespmem:$0x19A00] =	vst v63  }
0x339: {  	_ =	swait.ge [sflag:s31], $0x500  }
0x33a: {  	[sflag:s31] =	ssyncset.done $0x0  }
0x33b: {  	[sflag:s31] =	ssyncadd.s32 $0xFFFFFB00  }
0x33c: {  	[tilespmem:s17], [sflag:$0x1] =	stream.indirect.gather [hbm4b:s0+s2], $0x80, s30, s2, $0xb8;
	[tilespmem:$0x19A00] =	vst v63  }
0x33d: {  	_ = 	snop  }
0x33e: {  	[tilespmem:s6], [sflag:$0x2] =	stream.indirect.gather [hbm4b:s0+s2], $0x80, s3, s2, $0xb8;
	[tilespmem:$0x19A00] =	vst v63  }
0x33f: {  	_ = 	snop  }
0x340: {  	[tilespmem:s8], [sflag:$0x3] =	stream.indirect.gather [hbm4b:s0+s2], $0x80, s7, s2, $0xb8;
	[tilespmem:$0x19A00] =	vst v63  }
0x341: {  	_ = 	snop  }
0x342: {  	[tilespmem:s21], [sflag:$0x4] =	stream.indirect.gather [hbm4b:s0+s2], $0x80, s16, s2, $0xb8;
	[tilespmem:$0x19A00] =	vst v63  }
0x343: {  	_ =	swait.ge [sflag:s23], $0x1400  }
0x344: {  	[sflag:s23] =	ssyncset.done $0x0  }
0x345: {  	s19 =	simm.s32 $0x5500;
	[sflag:s23] =	ssyncadd.s32 $0xFFFFEC00  }
0x346: {  	[spmem:s4] =	stream.indirect.scatter.add.f32 [tilespmem:s5], [sflag:$0x5], $0x80, s19, s2, $0xb8;
	[tilespmem:$0x19A00] =	vst v63  }
0x347: {  	_ =	swait.ge [sflag:s31], $0x1400  }
0x348: {  	[sflag:s31] =	ssyncset.done $0x0  }
0x349: {  	s18 =	simm.s32 $0x50A0;
	[sflag:s31] =	ssyncadd.s32 $0xFFFFEC00  }
0x34a: {  	[tilespmem:s5], [sflag:$0x1] =	stream.indirect.gather [hbm4b:s0+s2], $0x80, s18, s2, $0xb8;
	[tilespmem:$0x19A00] =	vst v63  }
0x34b: {  	_ =	swait.ge [sflag:s24], $0x1400  }
0x34c: {  	[sflag:s24] =	ssyncset.done $0x0  }
0x34d: {  	s19 =	simm.s32 $0x5528;
	[sflag:s24] =	ssyncadd.s32 $0xFFFFEC00  }
0x34e: {  	[spmem:s4] =	stream.indirect.scatter.add.f32 [tilespmem:s6], [sflag:$0x5], $0x80, s19, s2, $0xb8;
	[tilespmem:$0x19A00] =	vst v63  }
0x34f: {  	_ =	swait.ge [sflag:s31], $0x1400  }
0x350: {  	[sflag:s31] =	ssyncset.done $0x0  }
0x351: {  	s18 =	simm.s32 $0x50C8;
	[sflag:s31] =	ssyncadd.s32 $0xFFFFEC00  }
0x352: {  	[tilespmem:s6], [sflag:$0x2] =	stream.indirect.gather [hbm4b:s0+s2], $0x80, s18, s2, $0xb8;
	[tilespmem:$0x19A00] =	vst v63  }
0x353: {  	_ =	swait.ge [sflag:s25], $0x1400  }
0x354: {  	[sflag:s25] =	ssyncset.done $0x0  }
0x355: {  	s19 =	simm.s32 $0x5550;
	[sflag:s25] =	ssyncadd.s32 $0xFFFFEC00  }
0x356: {  	[spmem:s4] =	stream.indirect.scatter.add.f32 [tilespmem:s8], [sflag:$0x5], $0x80, s19, s2, $0xb8;
	[tilespmem:$0x19A00] =	vst v63  }
0x357: {  	_ =	swait.ge [sflag:s31], $0x1400  }
0x358: {  	[sflag:s31] =	ssyncset.done $0x0  }
0x359: {  	s18 =	simm.s32 $0x50F0;
	[sflag:s31] =	ssyncadd.s32 $0xFFFFEC00  }
0x35a: {  	[tilespmem:s8], [sflag:$0x3] =	stream.indirect.gather [hbm4b:s0+s2], $0x80, s18, s2, $0xb8;
	[tilespmem:$0x19A00] =	vst v63  }
0x35b: {  	_ =	swait.ge [sflag:s26], $0x1400  }
0x35c: {  	[sflag:s26] =	ssyncset.done $0x0  }
0x35d: {  	s19 =	simm.s32 $0x5578;
	[sflag:s26] =	ssyncadd.s32 $0xFFFFEC00  }
0x35e: {  	[spmem:s4] =	stream.indirect.scatter.add.f32 [tilespmem:s21], [sflag:$0x5], $0x80, s19, s2, $0xb8;
	[tilespmem:$0x19A00] =	vst v63  }
0x35f: {  	_ =	swait.ge [sflag:s31], $0x1400  }
0x360: {  	[sflag:s31] =	ssyncset.done $0x0  }
0x361: {  	s17 =	simm.s32 $0x280;
	s18 =	simm.s32 $0x5118;
	[sflag:s31] =	ssyncadd.s32 $0xFFFFEC00  }
.LBB2_16:
0x362: {  	[tilespmem:s21], [sflag:$0x4] =	stream.indirect.gather [hbm4b:s0+s2], $0x80, s18, s2, $0xb8;
	[tilespmem:$0x19A00] =	vst v63  }
0x363: {  	s18 =	smov.u32 s17  }
0x364: {  	p2 =	sne.s32 s17, $0xF00;
	s17 =	sadd.s32 $0x280, s17;
	_ =	swait.ge [sflag:s23], $0x1400  }
0x365: {  	s18 =	sshra.s32 s18, $0x2;
	[sflag:s23] =	ssyncset.done $0x0  }
0x366: {  	s19 =	sadd.s32 $0x5500, s18;
	[sflag:s23] =	ssyncadd.s32 $0xFFFFEC00  }
0x367: {  	[spmem:s4] =	stream.indirect.scatter.add.f32 [tilespmem:s5], [sflag:$0x5], $0x80, s19, s2, $0xb8;
	[tilespmem:$0x19A00] =	vst v63  }
0x368: {  	_ =	swait.ge [sflag:s31], $0x1400  }
0x369: {  	[sflag:s31] =	ssyncset.done $0x0  }
0x36a: {  	s19 =	sadd.s32 $0x50A0, s18;
	[sflag:s31] =	ssyncadd.s32 $0xFFFFEC00  }
0x36b: {  	[tilespmem:s5], [sflag:$0x1] =	stream.indirect.gather [hbm4b:s0+s2], $0x80, s19, s2, $0xb8;
	[tilespmem:$0x19A00] =	vst v63  }
0x36c: {  	_ =	swait.ge [sflag:s24], $0x1400  }
0x36d: {  	[sflag:s24] =	ssyncset.done $0x0  }
0x36e: {  	s19 =	sadd.s32 $0x5528, s18;
	[sflag:s24] =	ssyncadd.s32 $0xFFFFEC00  }
0x36f: {  	[spmem:s4] =	stream.indirect.scatter.add.f32 [tilespmem:s6], [sflag:$0x5], $0x80, s19, s2, $0xb8;
	[tilespmem:$0x19A00] =	vst v63  }
0x370: {  	_ =	swait.ge [sflag:s31], $0x1400  }
0x371: {  	[sflag:s31] =	ssyncset.done $0x0  }
0x372: {  	s19 =	sadd.s32 $0x50C8, s18;
	[sflag:s31] =	ssyncadd.s32 $0xFFFFEC00  }
0x373: {  	[tilespmem:s6], [sflag:$0x2] =	stream.indirect.gather [hbm4b:s0+s2], $0x80, s19, s2, $0xb8;
	[tilespmem:$0x19A00] =	vst v63  }
0x374: {  	_ =	swait.ge [sflag:s25], $0x1400  }
0x375: {  	[sflag:s25] =	ssyncset.done $0x0  }
0x376: {  	s19 =	sadd.s32 $0x5550, s18;
	[sflag:s25] =	ssyncadd.s32 $0xFFFFEC00  }
0x377: {  	[spmem:s4] =	stream.indirect.scatter.add.f32 [tilespmem:s8], [sflag:$0x5], $0x80, s19, s2, $0xb8;
	[tilespmem:$0x19A00] =	vst v63  }
0x378: {  	_ =	swait.ge [sflag:s31], $0x1400  }
0x379: {  	[sflag:s31] =	ssyncset.done $0x0  }
0x37a: {  	s19 =	sadd.s32 $0x50F0, s18;
	[sflag:s31] =	ssyncadd.s32 $0xFFFFEC00  }
0x37b: {  	[tilespmem:s8], [sflag:$0x3] =	stream.indirect.gather [hbm4b:s0+s2], $0x80, s19, s2, $0xb8;
	[tilespmem:$0x19A00] =	vst v63  }
0x37c: {  	_ =	swait.ge [sflag:s26], $0x1400  }
0x37d: {  	[sflag:s26] =	ssyncset.done $0x0  }
.Ltmp7:
0x37e: {  	s19 =	sadd.s32 $0x5578, s18;
	[sflag:s26] =	ssyncadd.s32 $0xFFFFEC00;
	(pc) =	sbr.rel @p2 .LBB2_16-.Ltmp7, $4  }
0x37f: {  	[spmem:s4] =	stream.indirect.scatter.add.f32 [tilespmem:s21], [sflag:$0x5], $0x80, s19, s2, $0xb8;
	[tilespmem:$0x19A00] =	vst v63  }
0x380: {  	_ =	swait.ge [sflag:s31], $0x1400  }
0x381: {  	[sflag:s31] =	ssyncset.done $0x0  }
0x382: {  	s18 =	sadd.s32 $0x5118, s18;
	[sflag:s31] =	ssyncadd.s32 $0xFFFFEC00  }
0x383: {  	[tilespmem:s21], [sflag:$0x4] =	stream.indirect.gather [hbm4b:s0+s2], $0x80, s18, s2, $0xb8;
	[tilespmem:$0x19A00] =	vst v63  }
0x384: {  	_ =	swait.ge [sflag:s23], $0x1400  }
0x385: {  	[sflag:s23] =	ssyncset.done $0x0  }
0x386: {  	[sflag:s23] =	ssyncadd.s32 $0xFFFFEC00  }
0x387: {  	[spmem:s4] =	stream.indirect.scatter.add.f32 [tilespmem:s5], [sflag:$0x5], $0x80, s28, s2, $0xb8;
	[tilespmem:$0x19A00] =	vst v63  }
0x388: {  	_ =	swait.ge [sflag:s31], $0x1400  }
0x389: {  	[sflag:s31] =	ssyncset.done $0x0  }
0x38a: {  	[sflag:s31] =	ssyncadd.s32 $0xFFFFEC00  }
0x38b: {  	_ =	swait.ge [sflag:s24], $0x1400  }
0x38c: {  	[sflag:s24] =	ssyncset.done $0x0  }
0x38d: {  	[sflag:s24] =	ssyncadd.s32 $0xFFFFEC00  }
0x38e: {  	[spmem:s4] =	stream.indirect.scatter.add.f32 [tilespmem:s6], [sflag:$0x5], $0x80, s29, s2, $0xb8;
	[tilespmem:$0x19A00] =	vst v63  }
0x38f: {  	_ =	swait.ge [sflag:s31], $0x1400  }
0x390: {  	[sflag:s31] =	ssyncset.done $0x0  }
0x391: {  	[sflag:s31] =	ssyncadd.s32 $0xFFFFEC00  }
0x392: {  	_ =	swait.ge [sflag:s25], $0x1400  }
0x393: {  	[sflag:s25] =	ssyncset.done $0x0  }
0x394: {  	[sflag:s25] =	ssyncadd.s32 $0xFFFFEC00  }
0x395: {  	[spmem:s4] =	stream.indirect.scatter.add.f32 [tilespmem:s8], [sflag:$0x5], $0x80, s10, s2, $0xb8;
	[tilespmem:$0x19A00] =	vst v63  }
0x396: {  	_ =	swait.ge [sflag:s31], $0x1400  }
0x397: {  	[sflag:s31] =	ssyncset.done $0x0  }
0x398: {  	[sflag:s31] =	ssyncadd.s32 $0xFFFFEC00  }
0x399: {  	_ =	swait.ge [sflag:s26], $0x1400  }
0x39a: {  	[sflag:s26] =	ssyncset.done $0x0  }
0x39b: {  	[sflag:s26] =	ssyncadd.s32 $0xFFFFEC00  }
0x39c: {  	[spmem:s4] =	stream.indirect.scatter.add.f32 [tilespmem:s21], [sflag:$0x5], $0x80, s11, s2, $0xb8;
	[tilespmem:$0x19A00] =	vst v63  }
0x39d: {  	_ =	swait.ge [sflag:s31], $0x1400  }
0x39e: {  	[sflag:s31] =	ssyncset.done $0x0  }
0x39f: {  	[sflag:s31] =	ssyncadd.s32 $0xFFFFEC00  }
0x3a0: {  	[bflag:$0x0] =	sbarrier.arrive $0xFFFF  }
0x3a1: {  	s17 =	simm.s32 @p1 $0x1FC5;
	s18 =	rddreg [dreg:$0x16]  }
0x3a2: {  	[hbm:s18], [sflag:s17] =	dma.local @p1 [spmem:s13], $0x1900  }
0x3a3: {  	s13 =	simm.s32 @p1 $0x5  }
0x3a4: {  	_ =	swait.ge @p1 [sflag:s13], $0x1900  }
0x3a5: {  	[sflag:s13] =	ssyncset.done @p1 $0x0  }
0x3a6: {  	[sflag:s13] =	ssyncadd.s32 @p1 $0xFFFFE700;
	s13 =	rddreg [dreg:$0x10]  }
0x3a7: {  	[hbm:s13], [sflag:s14] =	dma.local @!p1 [spmem:s15], $0x2800  }
0x3a8: {  	s13 =	simm.s32 @!p1 $0x5  }
0x3a9: {  	_ =	swait.ge @!p1 [sflag:s13], $0x2800  }
0x3aa: {  	s12 =	sadd.s32 $0x1, s12;
	s19 =	rddreg [dreg:$0x17]  }
0x3ab: {  	p2 =	sne.s32 s12, s19  }
.Ltmp8:
0x3ac: {  	_ = 	snop;
	(pc) =	sbr.rel @p2 .LBB2_1-.Ltmp8, $3  }
0x3ad: {  	_ =	sdelay $0x1  }
0x3ae: {  	[sflag:s13] =	ssyncset.done @!p1 $0x0  }
0x3af: {  	[sflag:s13] =	ssyncadd.s32 @!p1 $0xFFFFD800  }
0x3b0: {  	_ =	sfence.sel $0x180000  }
0x3b1: {  	[bflag:$0x0] =	sbarrier.arrive $0xFFFF  }
0x3b2: {  	_ =	strace $0x90000047  }
0x3b3: {  	s0 =	stileid.u32;
	[bflag:$0x2] =	sbarrier.arrive $0xFFFF  }
0x3b4: {  	p0 =	sne.s32 s0, $0x0;
	s0 =	rddreg [dreg:$0x6]  }
0x3b5: {  	s0 =	sadd.s32 @!p0 $0x100000, s0  }
0x3b6: {  	[sflag:s0] =	ssyncadd.tile.s32 @!p0 $0x1;
	_ =	shalt  }
.Lfunc_end2:
_tile_overlayer_lowered:
.L_overlay_start_2:
0x3b7: {  	(tag) =	ssettag $0x2  }
0x3b8: {  	s0 =	rddreg [dreg:$0x0];
	s2 =	stileid.u32  }
0x3b9: {  	s1 =	rddreg [dreg:$0x1];
	p0 =	sne.s32 s2, $0x0  }
0x3ba: {  	s3 =	rddreg [dreg:$0x2];
	[bflag:$0x3] =	sbarrier.arrive $0xFFFF;
	s2 =	simm.s32 @!p0 $0x1C05  }
0x3bb: {  	[timem:s3], [sflag:s2] =	dma.local @!p0 [hbm:s0], s1  }
0x3bc: {  	s0 =	simm.s32 @!p0 $0x5  }
0x3bd: {  	_ =	swait.ge @!p0 [sflag:s0], s1  }
0x3be: {  	s1 =	ssub.s32 @!p0 $0x0, s1;
	[sflag:s0] =	ssyncset.done @!p0 $0x0  }
0x3bf: {  	[sflag:s0] =	ssyncadd.s32 @!p0 s1  }
0x3c0: {  	[bflag:$0x3] =	sbarrier.arrive $0xFFFF  }
0x3c1: {  	_ =	shalt  }

</sc_bundles>
